<compile_context>
chip_gen: v7x
topology: tpu7x:2x2x1
jax: 0.10.2.dev20260603
libtpu: 0.0.44.dev20260713+nightly
codegen_flags: <defaults>
</compile_context>

<pallas_src>
import functools

import jax
import jax.numpy as jnp
from jax import lax
from jax.experimental import pallas as pl
from jax.experimental.pallas import tpu as pltpu
from jax.experimental.pallas import tpu_sc as plsc

NC, NS = 2, 16
NW = NC * NS
L = 16
H = 64
W = 80
CH = 128


def _sc_mesh():
    return plsc.VectorSubcoreMesh(core_axis_name="c", subcore_axis_name="s",
                                  num_cores=NC, num_subcores=NS)


_SC_PARAMS = pltpu.CompilerParams(needs_layout_passes=False, use_tc_tiling_on_sc=False)



@functools.lru_cache(maxsize=None)
def _make_gather1(B, T):
    EPW = T // NW
    UPW = B // NW
    n_ec = EPW // CH

    @functools.partial(
        pl.kernel, mesh=_sc_mesh(),
        compiler_params=_SC_PARAMS,
        out_type=(
            jax.ShapeDtypeStruct((B, H), jnp.float32),
            jax.ShapeDtypeStruct((T, H), jnp.float32),
            jax.ShapeDtypeStruct((T, H), jnp.float32),
        ),
        scratch_types=[
            pltpu.VMEM((B,), jnp.int32),
            pltpu.VMEM((EPW,), jnp.int32),
            pltpu.VMEM((EPW,), jnp.int32),
            pltpu.VMEM((CH,), jnp.int32),
            pltpu.VMEM((CH,), jnp.int32),
            pltpu.VMEM((CH, H), jnp.float32),
            pltpu.VMEM((CH, H), jnp.float32),
            pltpu.VMEM((CH, H), jnp.float32),
            pltpu.VMEM((CH, H), jnp.float32),
            pltpu.SemaphoreType.DMA,
            pltpu.SemaphoreType.DMA,
            pltpu.SemaphoreType.DMA,
            pltpu.SemaphoreType.DMA,
            pltpu.SemaphoreType.DMA,
            pltpu.SemaphoreType.DMA,
            pltpu.SemaphoreType.DMA,
            pltpu.SemaphoreType.DMA,
        ],
    )
    def k(uid, seg, teid, ue, U, US, TE,
          uid_v, seg_v, teid_v, tid0, tid1,
          ra0, ra1, rb0, rb1, ga0, ga1, gb0, gb1, wa0, wa1, wb0, wb1):
        tid = (tid0, tid1)
        rA = (ra0, ra1)
        rB = (rb0, rb1)
        gA = (ga0, ga1)
        gB = (gb0, gb1)
        wA = (wa0, wa1)
        wB = (wb0, wb1)
        wid = lax.axis_index("s") * NC + lax.axis_index("c")
        eb = wid * EPW
        ub = wid * UPW
        pltpu.sync_copy(uid, uid_v)
        pltpu.sync_copy(seg.at[pl.ds(eb, EPW)], seg_v)
        pltpu.sync_copy(teid.at[pl.ds(eb, EPW)], teid_v)
        pltpu.async_copy(ue.at[uid_v.at[pl.ds(ub, UPW)]], ra0, ga0).wait()
        pltpu.sync_copy(ra0, U.at[pl.ds(ub, UPW)])

        def fire_e(b, c):
            for j in range(CH // L):
                v = seg_v[pl.ds(c * CH + j * L, L)]
                tid[b][pl.ds(j * L, L)] = plsc.load_gather(uid_v, [v])
            pltpu.async_copy(ue.at[tid[b]], rA[b], gA[b])
            pltpu.async_copy(ue.at[teid_v.at[pl.ds(c * CH, CH)]], rB[b], gB[b])

        fire_e(0, 0)

        def epair(p, carry):
            for b in range(2):
                c = 2 * p + b
                nb = 1 - b

                @pl.when(c + 1 < n_ec)
                def _():
                    @pl.when(c >= 1)
                    def _():
                        pltpu.make_async_copy(rA[nb], US.at[pl.ds(eb, CH)],
                                              wA[nb]).wait()
                        pltpu.make_async_copy(rB[nb], TE.at[pl.ds(eb, CH)],
                                              wB[nb]).wait()
                    fire_e(nb, c + 1)

                pltpu.make_async_copy(ue.at[tid[b]], rA[b], gA[b]).wait()
                pltpu.async_copy(rA[b], US.at[pl.ds(eb + c * CH, CH)], wA[b])
                pltpu.make_async_copy(ue.at[teid_v.at[pl.ds(c * CH, CH)]],
                                      rB[b], gB[b]).wait()
                pltpu.async_copy(rB[b], TE.at[pl.ds(eb + c * CH, CH)], wB[b])
            return carry
        lax.fori_loop(0, n_ec // 2, epair, 0)
        for b in range(2):
            pltpu.make_async_copy(rA[b], US.at[pl.ds(eb, CH)], wA[b]).wait()
            pltpu.make_async_copy(rB[b], TE.at[pl.ds(eb, CH)], wB[b]).wait()

    return k



def _edge_body(te_ref, us_ref, kp_ref, mp_ref, w1t_ref, w3t_ref, bias_ref,
               hwt_ref, out_ref):
    te = te_ref[...]
    us = us_ref[...]
    nt = jnp.sqrt(jnp.sum(te * te, axis=1, keepdims=True))
    nu = jnp.sqrt(jnp.sum(us * us, axis=1, keepdims=True))
    s = us * te / (nu * nt)
    z = jnp.dot(s, kp_ref[...], preferred_element_type=jnp.float32)
    z = z - jnp.max(z, axis=1, keepdims=True)
    ez = jnp.exp(z)
    a = ez / jnp.sum(ez, axis=1, keepdims=True)
    g = jnp.dot(a, mp_ref[...], preferred_element_type=jnp.float32)
    f = te * g
    pre = (jnp.dot(us, w1t_ref[...], preferred_element_type=jnp.float32)
           + jnp.dot(f, w3t_ref[...], preferred_element_type=jnp.float32)
           + bias_ref[...])
    beta = jnp.dot(jnp.maximum(pre, 0.0), hwt_ref[...],
                   preferred_element_type=jnp.float32)
    e = jnp.exp(beta)
    out_ref[:, 0:H] = f * e
    lane = lax.broadcasted_iota(jnp.int32, (te.shape[0], W - H), 1)
    out_ref[:, H:W] = jnp.where(lane == 0, e, 0.0)


def _edge_call(T, interpret=False):
    RB = 4096
    return pl.pallas_call(
        _edge_body,
        grid=(T // RB,),
        in_specs=[
            pl.BlockSpec((RB, H), lambda i: (i, 0)),
            pl.BlockSpec((RB, H), lambda i: (i, 0)),
            pl.BlockSpec((H, 8), lambda i: (0, 0)),
            pl.BlockSpec((8, H), lambda i: (0, 0)),
            pl.BlockSpec((H, 32), lambda i: (0, 0)),
            pl.BlockSpec((H, 32), lambda i: (0, 0)),
            pl.BlockSpec((1, 32), lambda i: (0, 0)),
            pl.BlockSpec((32, 1), lambda i: (0, 0)),
        ],
        out_specs=pl.BlockSpec((RB, W), lambda i: (i, 0)),
        out_shape=jax.ShapeDtypeStruct((T, W), jnp.float32),
        interpret=interpret,
    )



@functools.lru_cache(maxsize=None)
def _make_scatter(B, T):
    EPW = T // NW
    n_ec = EPW // CH
    RPT = B // NS

    @functools.partial(
        pl.kernel, mesh=_sc_mesh(),
        compiler_params=_SC_PARAMS,
        out_type=jax.ShapeDtypeStruct((NC, B, W), jnp.float32),
        scratch_types=[
            pltpu.VMEM((CH, W), jnp.float32),
            pltpu.VMEM((CH, W), jnp.float32),
            pltpu.VMEM((n_ec, CH), jnp.int32),
            pltpu.VMEM((RPT, W), jnp.float32),
            pltpu.VMEM_SHARED((B, W), jnp.float32),
            pltpu.SemaphoreType.DMA,
            pltpu.SemaphoreType.DMA,
        ],
    )
    def k(fee, seg2d, zrows, out, fee0, fee1, seg_v, stage_v, acc, ls0, ls1):
        fb = (fee0, fee1)
        ls = (ls0, ls1)
        cid = lax.axis_index("c")
        sid = lax.axis_index("s")
        wid = sid * NC + cid
        pltpu.sync_copy(zrows, stage_v)
        pltpu.sync_copy(stage_v, acc.at[pl.ds(sid * RPT, RPT)])
        plsc.subcore_barrier()
        pltpu.sync_copy(seg2d.at[pl.ds(wid * n_ec, n_ec)], seg_v)

        pltpu.async_copy(fee.at[pl.ds(wid * EPW, CH)], fee0, ls0)

        def pair(p, carry):
            for b in range(2):
                c = 2 * p + b
                nb = 1 - b

                @pl.when(c + 1 < n_ec)
                def _():
                    pltpu.async_copy(
                        fee.at[pl.ds(wid * EPW + (c + 1) * CH, CH)],
                        fb[nb], ls[nb])

                pltpu.make_async_copy(fee.at[pl.ds(wid * EPW, CH)],
                                      fb[b], ls[b]).wait()
                pltpu.sync_copy(fb[b], acc.at[seg_v.at[c]], add=True)
            return carry
        lax.fori_loop(0, n_ec // 2, pair, 0)
        plsc.subcore_barrier()
        pltpu.sync_copy(acc.at[pl.ds(sid * RPT, RPT)], stage_v)
        pltpu.sync_copy(stage_v, out.at[cid, pl.ds(sid * RPT, RPT)])

    return k



def _finalize_body(p2_ref, u_ref, v_ref):
    facc = p2_ref[0, :, 0:H] + p2_ref[1, :, 0:H]
    w = p2_ref[0, :, H:H + 1] + p2_ref[1, :, H:H + 1]
    v_ref[...] = jnp.where(w > 0, facc / jnp.where(w > 0, w, 1.0), 0.0) \
        + u_ref[...]


def _finalize_call(B, interpret=False):
    return pl.pallas_call(
        _finalize_body,
        out_shape=jax.ShapeDtypeStruct((B, H), jnp.float32),
        interpret=interpret,
    )



@functools.lru_cache(maxsize=None)
def _make_score(B, I):
    IPW = I // NW
    n_ic = IPW // CH

    @functools.partial(
        pl.kernel, mesh=_sc_mesh(),
        compiler_params=_SC_PARAMS,
        out_type=(
            jax.ShapeDtypeStruct((I,), jnp.float32),
            jax.ShapeDtypeStruct((I,), jnp.float32),
        ),
        scratch_types=[
            pltpu.VMEM((IPW,), jnp.int32),
            pltpu.VMEM((IPW,), jnp.int32),
            pltpu.VMEM((IPW,), jnp.int32),
            pltpu.VMEM((IPW,), jnp.float32),
            pltpu.VMEM((IPW,), jnp.float32),
            pltpu.VMEM((CH, H), jnp.float32),
            pltpu.VMEM((CH, H), jnp.float32),
            pltpu.VMEM((CH, H), jnp.float32),
            pltpu.VMEM((CH, H), jnp.float32),
            pltpu.VMEM((CH, H), jnp.float32),
            pltpu.VMEM((CH, H), jnp.float32),
            pltpu.VMEM((L, L + 1), jnp.float32),
            pltpu.VMEM((L, L + 1), jnp.float32),
            pltpu.SemaphoreType.DMA,
            pltpu.SemaphoreType.DMA,
            pltpu.SemaphoreType.DMA,
            pltpu.SemaphoreType.DMA,
            pltpu.SemaphoreType.DMA,
            pltpu.SemaphoreType.DMA,
        ],
    )
    def k(uidx, ipid, inid, v_tab, ie, PP, PN,
          uidx_v, ipid_v, inid_v, ppv, pnv,
          rv0, rv1, rp0, rp1, rn0, rn1, Sp, Sn,
          gv0, gv1, gp0, gp1, gn0, gn1):
        rV = (rv0, rv1)
        rP = (rp0, rp1)
        rN = (rn0, rn1)
        gV = (gv0, gv1)
        gP = (gp0, gp1)
        gN = (gn0, gn1)
        wid = lax.axis_index("s") * NC + lax.axis_index("c")
        ib = wid * IPW
        pltpu.sync_copy(uidx.at[pl.ds(ib, IPW)], uidx_v)
        pltpu.sync_copy(ipid.at[pl.ds(ib, IPW)], ipid_v)
        pltpu.sync_copy(inid.at[pl.ds(ib, IPW)], inid_v)

        def fire(b, c):
            pltpu.async_copy(v_tab.at[uidx_v.at[pl.ds(c * CH, CH)]],
                             rV[b], gV[b])
            pltpu.async_copy(ie.at[ipid_v.at[pl.ds(c * CH, CH)]],
                             rP[b], gP[b])
            pltpu.async_copy(ie.at[inid_v.at[pl.ds(c * CH, CH)]],
                             rN[b], gN[b])

        fire(0, 0)

        def pair(p, carry):
            for b in range(2):
                c = 2 * p + b
                nb = 1 - b

                @pl.when(c + 1 < n_ic)
                def _():
                    fire(nb, c + 1)

                pltpu.make_async_copy(
                    v_tab.at[uidx_v.at[pl.ds(c * CH, CH)]], rV[b],
                    gV[b]).wait()
                pltpu.make_async_copy(
                    ie.at[ipid_v.at[pl.ds(c * CH, CH)]], rP[b], gP[b]).wait()
                pltpu.make_async_copy(
                    ie.at[inid_v.at[pl.ds(c * CH, CH)]], rN[b], gN[b]).wait()

                def group(g, carry2):
                    def row(i, carry3):
                        r = g * L + i
                        pp = jnp.zeros((L,), jnp.float32)
                        pn = jnp.zeros((L,), jnp.float32)
                        for q in range(H // L):
                            v = rV[b][r, pl.ds(q * L, L)]
                            pp = pp + v * rP[b][r, pl.ds(q * L, L)]
                            pn = pn + v * rN[b][r, pl.ds(q * L, L)]
                        Sp[i, pl.ds(0, L)] = pp
                        Sn[i, pl.ds(0, L)] = pn
                        return carry3
                    lax.fori_loop(0, L, row, 0)
                    riota = lax.iota(jnp.int32, L)
                    accp = jnp.zeros((L,), jnp.float32)
                    accn = jnp.zeros((L,), jnp.float32)
                    for j in range(L):
                        cj = jnp.full((L,), j, jnp.int32)
                        accp = accp + plsc.load_gather(Sp, [riota, cj])
                        accn = accn + plsc.load_gather(Sn, [riota, cj])
                    ppv[pl.ds(c * CH + g * L, L)] = accp
                    pnv[pl.ds(c * CH + g * L, L)] = accn
                    return carry2
                lax.fori_loop(0, CH // L, group, 0)
            return carry
        lax.fori_loop(0, n_ic // 2, pair, 0)
        pltpu.sync_copy(ppv, PP.at[pl.ds(ib, IPW)])
        pltpu.sync_copy(pnv, PN.at[pl.ds(ib, IPW)])

    return k



def kernel(uid, trust_segment_ids, trusteeid, user_idx, item_pos_idx,
           item_neg_idx, userEmbed, itemEmbed, key_param, mem_param,
           w1_w, w1_b, w3_w, w3_b, b, h_w):
    B = uid.shape[0]
    T = trust_segment_ids.shape[0]
    I = user_idx.shape[0]

    uid = uid.astype(jnp.int32)
    seg = trust_segment_ids.astype(jnp.int32)
    teid = trusteeid.astype(jnp.int32)
    uidx = user_idx.astype(jnp.int32)
    ipid = item_pos_idx.astype(jnp.int32)
    inid = item_neg_idx.astype(jnp.int32)

    U, US, TE = _make_gather1(B, T)(uid, seg, teid, userEmbed)

    bias = (w1_b + w3_b + b.reshape(-1)).reshape(1, -1)
    FEE = _edge_call(T)(TE, US, key_param, mem_param, w1_w.T, w3_w.T,
                        bias, h_w.T)

    zrows = jnp.zeros((B // NS, W), jnp.float32)
    P2 = _make_scatter(B, T)(FEE, seg.reshape(-1, CH), zrows)

    V = _finalize_call(B)(P2, U)
    pp, pn = _make_score(B, I)(uidx, ipid, inid, V, itemEmbed)
    return pp, pn

# --- scband reference (transcript-rebuilt; emitter-appended) ---
"""Pipeline reference for scband-samn-45509473468543 (READ-ONLY COPY).

The authoritative reference and input builder live on the scoring server;
editing this copy changes nothing except your own understanding.
"""

import jax, jax.numpy as jnp
import numpy as np

USER_NUM = 100000
ITEM_NUM = 100000
HIDE = 64
MEM = 8
ATT = 32
B = 4096
T = 131072
I = 65536


def _xavier(k, shape):
    fan_in = shape[-1]
    fan_out = shape[0]
    std = (2.0 / (fan_in + fan_out)) ** 0.5
    return std * jax.random.normal(k, shape, dtype=jnp.float32)


def setup_inputs(seed: int = 0) -> dict:
    key = jax.random.key(seed)
    ks = jax.random.split(key, 16)
    inp = {}
    inp['uid'] = jax.random.randint(ks[0], (B,), 0, USER_NUM, dtype=jnp.int64) if jax.config.jax_enable_x64 else jax.random.randint(ks[0], (B,), 0, USER_NUM, dtype=jnp.int32)
    inp['trust_segment_ids'] = jnp.sort(jax.random.randint(ks[1], (T,), 0, B, dtype=jnp.int32))
    inp['trusteeid'] = jax.random.randint(ks[2], (T,), 0, USER_NUM, dtype=jnp.int32)
    inp['user_idx'] = jax.random.randint(ks[3], (I,), 0, B, dtype=jnp.int32)
    inp['item_pos_idx'] = jax.random.randint(ks[4], (I,), 0, ITEM_NUM, dtype=jnp.int32)
    inp['item_neg_idx'] = jax.random.randint(ks[5], (I,), 0, ITEM_NUM, dtype=jnp.int32)
    inp['userEmbed'] = _xavier(ks[6], (USER_NUM, HIDE))
    inp['itemEmbed'] = _xavier(ks[7], (ITEM_NUM, HIDE))
    inp['key_param'] = _xavier(ks[8], (HIDE, MEM))
    inp['mem_param'] = _xavier(ks[9], (MEM, HIDE))
    inp['w1_w'] = _xavier(ks[10], (ATT, HIDE))
    inp['w1_b'] = jnp.zeros((ATT,), dtype=jnp.float32)
    inp['w3_w'] = _xavier(ks[11], (ATT, HIDE))
    inp['w3_b'] = jnp.zeros((ATT,), dtype=jnp.float32)
    inp['b'] = jnp.zeros((1, ATT), dtype=jnp.float32)
    inp['h_w'] = _xavier(ks[12], (1, ATT))
    return inp


def reference(uid, trust_segment_ids, trusteeid, user_idx, item_pos_idx, item_neg_idx,
              userEmbed, itemEmbed, key_param, mem_param, w1_w, w1_b, w3_w, w3_b, b, h_w):
    # gather trust pair embeddings (trustid = uid repeated per ragged segment)
    trustid = uid[trust_segment_ids]
    trust_e = userEmbed[trustid]          # [T, HIDE]
    trustee_e = userEmbed[trusteeid]      # [T, HIDE]
    norm = jnp.linalg.norm(trust_e, axis=1, keepdims=True) * jnp.linalg.norm(trustee_e, axis=1, keepdims=True)
    s = trust_e * trustee_e / norm
    a = jax.nn.softmax(s @ key_param, axis=1)                       # [T, MEM]
    F = trustee_e[:, None, :] * mem_param[None, :, :]               # [T, MEM, HIDE]
    f = jnp.sum(F * a[:, :, None], axis=1)                          # [T, HIDE]
    beta = (jax.nn.relu(trust_e @ w1_w.T + w1_b + f @ w3_w.T + w3_b + b) @ h_w.T).reshape(-1)  # [T]
    # segment softmax over ragged friend lists (replaces the python loop)
    m = jax.ops.segment_max(beta, trust_segment_ids, num_segments=B)
    m_safe = jnp.where(jnp.isfinite(m), m, 0.0)
    e = jnp.exp(beta - m_safe[trust_segment_ids])
    denom = jax.ops.segment_sum(e, trust_segment_ids, num_segments=B)
    att = e / denom[trust_segment_ids]
    final_friend_embed = jax.ops.segment_sum(f * att[:, None], trust_segment_ids, num_segments=B)  # [B, HIDE]
    # training branch: BPR-style positive / negative predictions
    user_embed = final_friend_embed[user_idx] + userEmbed[uid[user_idx]]
    item_pos_embed = itemEmbed[item_pos_idx]
    pred_pos = jnp.sum(user_embed * item_pos_embed, axis=1).reshape(-1)
    item_neg_embed = itemEmbed[item_neg_idx]
    pred_neg = jnp.sum(user_embed * item_neg_embed, axis=1).reshape(-1)
    return (pred_pos, pred_neg)

if __name__ == "__main__":
    import jax
    _d = setup_inputs()
    print(jax.jit(kernel)(*tuple(_d.values())))

</pallas_src>

<mosaic_0001>
#map = affine_map<(d0, d1) -> (0)>
#map1 = affine_map<(d0, d1) -> (0, 0)>
module attributes {stable_mosaic.version = 14 : i64} {
  func.func @k(%arg0: i32, %arg1: i32, %arg2: memref<4096xi32, #tpu.memory_space<hbm>>, %arg3: memref<131072xi32, #tpu.memory_space<hbm>>, %arg4: memref<131072xi32, #tpu.memory_space<hbm>>, %arg5: memref<100000x64xf32, #tpu.memory_space<hbm>>, %arg6: memref<4096x64xf32, #tpu.memory_space<hbm>>, %arg7: memref<131072x64xf32, #tpu.memory_space<hbm>>, %arg8: memref<131072x64xf32, #tpu.memory_space<hbm>>, %arg9: memref<4096xi32, #tpu.memory_space<vmem>>, %arg10: memref<4096xi32, #tpu.memory_space<vmem>>, %arg11: memref<4096xi32, #tpu.memory_space<vmem>>, %arg12: memref<128xi32, #tpu.memory_space<vmem>>, %arg13: memref<128xi32, #tpu.memory_space<vmem>>, %arg14: memref<128x64xf32, #tpu.memory_space<vmem>>, %arg15: memref<128x64xf32, #tpu.memory_space<vmem>>, %arg16: memref<128x64xf32, #tpu.memory_space<vmem>>, %arg17: memref<128x64xf32, #tpu.memory_space<vmem>>, %arg18: memref<!tpu.dma_semaphore, #tpu.memory_space<semaphore_mem>>, %arg19: memref<!tpu.dma_semaphore, #tpu.memory_space<semaphore_mem>>, %arg20: memref<!tpu.dma_semaphore, #tpu.memory_space<semaphore_mem>>, %arg21: memref<!tpu.dma_semaphore, #tpu.memory_space<semaphore_mem>>, %arg22: memref<!tpu.dma_semaphore, #tpu.memory_space<semaphore_mem>>, %arg23: memref<!tpu.dma_semaphore, #tpu.memory_space<semaphore_mem>>, %arg24: memref<!tpu.dma_semaphore, #tpu.memory_space<semaphore_mem>>, %arg25: memref<!tpu.dma_semaphore, #tpu.memory_space<semaphore_mem>>) attributes {dimension_semantics = [#tpu.dimension_semantics<core_parallel>, #tpu.dimension_semantics<subcore_parallel>], iteration_bounds = array<i64: 2, 16>, scalar_prefetch = 0 : i64, scratch_operands = 17 : i64, tpu.core_type = #tpu.core_type<sc_vector_subcore>, window_params = [{transform_indices = #map}, {transform_indices = #map}, {transform_indices = #map}, {transform_indices = #map1}, {transform_indices = #map1}, {transform_indices = #map1}, {transform_indices = #map1}]} {
    %mul3A = arith.constant 2 : i32
    %mul3A_0 = arith.muli %arg1, %mul3A : i32
    %add3A = arith.addi %mul3A_0, %arg0 : i32
    %mul3A_1 = arith.constant 4096 : i32
    %mul3A_2 = arith.muli %add3A, %mul3A_1 : i32
    %mul3A_3 = arith.constant 128 : i32
    %mul3A_4 = arith.muli %add3A, %mul3A_3 : i32
    "tpu.region"() ({
      %run_scoped3A = tpu.sem_alloc : memref<!tpu.dma_semaphore, #tpu.memory_space<semaphore_mem>>
      tpu.enqueue_dma source(%arg2 : memref<4096xi32, #tpu.memory_space<hbm>>) target(%arg9 : memref<4096xi32, #tpu.memory_space<vmem>>) target_semaphore(%run_scoped3A : memref<!tpu.dma_semaphore, #tpu.memory_space<semaphore_mem>>)
      tpu.wait_dma2 semaphore(%run_scoped3A : memref<!tpu.dma_semaphore, #tpu.memory_space<semaphore_mem>>) src(%arg2 : memref<4096xi32, #tpu.memory_space<hbm>>) dst(%arg9 : memref<4096xi32, #tpu.memory_space<vmem>>)
      tpu.yield
    }) : () -> ()
    "tpu.region"() ({
      %run_scoped3A = tpu.sem_alloc : memref<!tpu.dma_semaphore, #tpu.memory_space<semaphore_mem>>
      %dma_start3A_77 = tpu.memref_slice %arg3[%mul3A_2] : memref<131072xi32, #tpu.memory_space<hbm>> -> memref<4096xi32, #tpu.memory_space<hbm>>
      %dma_start3A_78 = tpu.memref_slice %arg3[%mul3A_2] : memref<131072xi32, #tpu.memory_space<hbm>> -> memref<4096xi32, #tpu.memory_space<hbm>>
      tpu.enqueue_dma source(%dma_start3A_78 : memref<4096xi32, #tpu.memory_space<hbm>>) target(%arg10 : memref<4096xi32, #tpu.memory_space<vmem>>) target_semaphore(%run_scoped3A : memref<!tpu.dma_semaphore, #tpu.memory_space<semaphore_mem>>)
      %dma_wait3A_79 = tpu.memref_slice %arg3[%mul3A_2] : memref<131072xi32, #tpu.memory_space<hbm>> -> memref<4096xi32, #tpu.memory_space<hbm>>
      %dma_wait3A_80 = tpu.memref_slice %arg3[%mul3A_2] : memref<131072xi32, #tpu.memory_space<hbm>> -> memref<4096xi32, #tpu.memory_space<hbm>>
      tpu.wait_dma2 semaphore(%run_scoped3A : memref<!tpu.dma_semaphore, #tpu.memory_space<semaphore_mem>>) src(%dma_wait3A_80 : memref<4096xi32, #tpu.memory_space<hbm>>) dst(%arg10 : memref<4096xi32, #tpu.memory_space<vmem>>)
      tpu.yield
    }) : () -> ()
    "tpu.region"() ({
      %run_scoped3A = tpu.sem_alloc : memref<!tpu.dma_semaphore, #tpu.memory_space<semaphore_mem>>
      %dma_start3A_77 = tpu.memref_slice %arg4[%mul3A_2] : memref<131072xi32, #tpu.memory_space<hbm>> -> memref<4096xi32, #tpu.memory_space<hbm>>
      %dma_start3A_78 = tpu.memref_slice %arg4[%mul3A_2] : memref<131072xi32, #tpu.memory_space<hbm>> -> memref<4096xi32, #tpu.memory_space<hbm>>
      tpu.enqueue_dma source(%dma_start3A_78 : memref<4096xi32, #tpu.memory_space<hbm>>) target(%arg11 : memref<4096xi32, #tpu.memory_space<vmem>>) target_semaphore(%run_scoped3A : memref<!tpu.dma_semaphore, #tpu.memory_space<semaphore_mem>>)
      %dma_wait3A_79 = tpu.memref_slice %arg4[%mul3A_2] : memref<131072xi32, #tpu.memory_space<hbm>> -> memref<4096xi32, #tpu.memory_space<hbm>>
      %dma_wait3A_80 = tpu.memref_slice %arg4[%mul3A_2] : memref<131072xi32, #tpu.memory_space<hbm>> -> memref<4096xi32, #tpu.memory_space<hbm>>
      tpu.wait_dma2 semaphore(%run_scoped3A : memref<!tpu.dma_semaphore, #tpu.memory_space<semaphore_mem>>) src(%dma_wait3A_80 : memref<4096xi32, #tpu.memory_space<hbm>>) dst(%arg11 : memref<4096xi32, #tpu.memory_space<vmem>>)
      tpu.yield
    }) : () -> ()
    %dma_start3A = tpu.memref_slice %arg9[%mul3A_4] : memref<4096xi32, #tpu.memory_space<vmem>> -> memref<128xi32, #tpu.memory_space<vmem>>
    %dma_start3A_5 = arith.constant 0 : i32
    %dma_start3A_6 = arith.constant 0 : i32
    %dma_start3A_7 = tpu.memref_slice %arg5[%dma_start3A_5, %dma_start3A_6] : memref<100000x64xf32, #tpu.memory_space<hbm>> -> memref<100000x64xf32, #tpu.memory_space<hbm>>
    tpu.enqueue_indirect_dma source(%dma_start3A_7 : memref<100000x64xf32, #tpu.memory_space<hbm>>) target(%arg14 : memref<128x64xf32, #tpu.memory_space<vmem>>) offsets(%dma_start3A : memref<128xi32, #tpu.memory_space<vmem>>) semaphore(%arg18 : memref<!tpu.dma_semaphore, #tpu.memory_space<semaphore_mem>>)
    %dma_wait3A = tpu.memref_slice %arg9[%mul3A_4] : memref<4096xi32, #tpu.memory_space<vmem>> -> memref<128xi32, #tpu.memory_space<vmem>>
    %dma_wait3A_8 = arith.constant 0 : i32
    %dma_wait3A_9 = arith.constant 0 : i32
    %dma_wait3A_10 = tpu.memref_slice %arg5[%dma_wait3A_8, %dma_wait3A_9] : memref<100000x64xf32, #tpu.memory_space<hbm>> -> memref<100000x64xf32, #tpu.memory_space<hbm>>
    tpu.wait_indirect_dma semaphore(%arg18 : memref<!tpu.dma_semaphore, #tpu.memory_space<semaphore_mem>>) src(%dma_wait3A_10 : memref<100000x64xf32, #tpu.memory_space<hbm>>) dst(%arg14 : memref<128x64xf32, #tpu.memory_space<vmem>>)
    "tpu.region"() ({
      %run_scoped3A = tpu.sem_alloc : memref<!tpu.dma_semaphore, #tpu.memory_space<semaphore_mem>>
      %dma_start3A_77 = arith.constant 0 : i32
      %dma_start3A_78 = tpu.memref_slice %arg6[%mul3A_4, %dma_start3A_77] : memref<4096x64xf32, #tpu.memory_space<hbm>> -> memref<128x64xf32, #tpu.memory_space<hbm>>
      %dma_start3A_79 = arith.constant 0 : i32
      %dma_start3A_80 = tpu.memref_slice %arg6[%mul3A_4, %dma_start3A_79] : memref<4096x64xf32, #tpu.memory_space<hbm>> -> memref<128x64xf32, #tpu.memory_space<hbm>>
      tpu.enqueue_dma source(%arg14 : memref<128x64xf32, #tpu.memory_space<vmem>>) target(%dma_start3A_80 : memref<128x64xf32, #tpu.memory_space<hbm>>) target_semaphore(%run_scoped3A : memref<!tpu.dma_semaphore, #tpu.memory_space<semaphore_mem>>)
      %dma_wait3A_81 = arith.constant 0 : i32
      %dma_wait3A_82 = tpu.memref_slice %arg6[%mul3A_4, %dma_wait3A_81] : memref<4096x64xf32, #tpu.memory_space<hbm>> -> memref<128x64xf32, #tpu.memory_space<hbm>>
      %dma_wait3A_83 = arith.constant 0 : i32
      %dma_wait3A_84 = tpu.memref_slice %arg6[%mul3A_4, %dma_wait3A_83] : memref<4096x64xf32, #tpu.memory_space<hbm>> -> memref<128x64xf32, #tpu.memory_space<hbm>>
      tpu.wait_dma2 semaphore(%run_scoped3A : memref<!tpu.dma_semaphore, #tpu.memory_space<semaphore_mem>>) src(%arg14 : memref<128x64xf32, #tpu.memory_space<vmem>>) dst(%dma_wait3A_84 : memref<128x64xf32, #tpu.memory_space<hbm>>)
      tpu.yield
    }) : () -> ()
    %get3A = arith.constant 0 : index
    %get3A_11 = tpu.vector_load %arg10[%get3A] {strides = array<i32>} : memref<4096xi32, #tpu.memory_space<vmem>>, vector<16xi32>,
    %gather3A = tpu.vector_load_idx %arg9[%get3A_11] : memref<4096xi32, #tpu.memory_space<vmem>>[vector<16xi32>], vector<16xi32>,
    %swap3A = arith.constant 0 : index
    %swap3A_12 = tpu.vector_load %arg12[%swap3A] {strides = array<i32>} : memref<128xi32, #tpu.memory_space<vmem>>, vector<16xi32>,
    tpu.vector_store %arg12[%swap3A], %gather3A {strides = array<i32>} : memref<128xi32, #tpu.memory_space<vmem>>, vector<16xi32>,
    %get3A_13 = arith.constant 16 : index
    %get3A_14 = tpu.vector_load %arg10[%get3A_13] {strides = array<i32>} : memref<4096xi32, #tpu.memory_space<vmem>>, vector<16xi32>,
    %gather3A_15 = tpu.vector_load_idx %arg9[%get3A_14] : memref<4096xi32, #tpu.memory_space<vmem>>[vector<16xi32>], vector<16xi32>,
    %swap3A_16 = arith.constant 16 : index
    %swap3A_17 = tpu.vector_load %arg12[%swap3A_16] {strides = array<i32>} : memref<128xi32, #tpu.memory_space<vmem>>, vector<16xi32>,
    tpu.vector_store %arg12[%swap3A_16], %gather3A_15 {strides = array<i32>} : memref<128xi32, #tpu.memory_space<vmem>>, vector<16xi32>,
    %get3A_18 = arith.constant 32 : index
    %get3A_19 = tpu.vector_load %arg10[%get3A_18] {strides = array<i32>} : memref<4096xi32, #tpu.memory_space<vmem>>, vector<16xi32>,
    %gather3A_20 = tpu.vector_load_idx %arg9[%get3A_19] : memref<4096xi32, #tpu.memory_space<vmem>>[vector<16xi32>], vector<16xi32>,
    %swap3A_21 = arith.constant 32 : index
    %swap3A_22 = tpu.vector_load %arg12[%swap3A_21] {strides = array<i32>} : memref<128xi32, #tpu.memory_space<vmem>>, vector<16xi32>,
    tpu.vector_store %arg12[%swap3A_21], %gather3A_20 {strides = array<i32>} : memref<128xi32, #tpu.memory_space<vmem>>, vector<16xi32>,
    %get3A_23 = arith.constant 48 : index
    %get3A_24 = tpu.vector_load %arg10[%get3A_23] {strides = array<i32>} : memref<4096xi32, #tpu.memory_space<vmem>>, vector<16xi32>,
    %gather3A_25 = tpu.vector_load_idx %arg9[%get3A_24] : memref<4096xi32, #tpu.memory_space<vmem>>[vector<16xi32>], vector<16xi32>,
    %swap3A_26 = arith.constant 48 : index
    %swap3A_27 = tpu.vector_load %arg12[%swap3A_26] {strides = array<i32>} : memref<128xi32, #tpu.memory_space<vmem>>, vector<16xi32>,
    tpu.vector_store %arg12[%swap3A_26], %gather3A_25 {strides = array<i32>} : memref<128xi32, #tpu.memory_space<vmem>>, vector<16xi32>,
    %get3A_28 = arith.constant 64 : index
    %get3A_29 = tpu.vector_load %arg10[%get3A_28] {strides = array<i32>} : memref<4096xi32, #tpu.memory_space<vmem>>, vector<16xi32>,
    %gather3A_30 = tpu.vector_load_idx %arg9[%get3A_29] : memref<4096xi32, #tpu.memory_space<vmem>>[vector<16xi32>], vector<16xi32>,
    %swap3A_31 = arith.constant 64 : index
    %swap3A_32 = tpu.vector_load %arg12[%swap3A_31] {strides = array<i32>} : memref<128xi32, #tpu.memory_space<vmem>>, vector<16xi32>,
    tpu.vector_store %arg12[%swap3A_31], %gather3A_30 {strides = array<i32>} : memref<128xi32, #tpu.memory_space<vmem>>, vector<16xi32>,
    %get3A_33 = arith.constant 80 : index
    %get3A_34 = tpu.vector_load %arg10[%get3A_33] {strides = array<i32>} : memref<4096xi32, #tpu.memory_space<vmem>>, vector<16xi32>,
    %gather3A_35 = tpu.vector_load_idx %arg9[%get3A_34] : memref<4096xi32, #tpu.memory_space<vmem>>[vector<16xi32>], vector<16xi32>,
    %swap3A_36 = arith.constant 80 : index
    %swap3A_37 = tpu.vector_load %arg12[%swap3A_36] {strides = array<i32>} : memref<128xi32, #tpu.memory_space<vmem>>, vector<16xi32>,
    tpu.vector_store %arg12[%swap3A_36], %gather3A_35 {strides = array<i32>} : memref<128xi32, #tpu.memory_space<vmem>>, vector<16xi32>,
    %get3A_38 = arith.constant 96 : index
    %get3A_39 = tpu.vector_load %arg10[%get3A_38] {strides = array<i32>} : memref<4096xi32, #tpu.memory_space<vmem>>, vector<16xi32>,
    %gather3A_40 = tpu.vector_load_idx %arg9[%get3A_39] : memref<4096xi32, #tpu.memory_space<vmem>>[vector<16xi32>], vector<16xi32>,
    %swap3A_41 = arith.constant 96 : index
    %swap3A_42 = tpu.vector_load %arg12[%swap3A_41] {strides = array<i32>} : memref<128xi32, #tpu.memory_space<vmem>>, vector<16xi32>,
    tpu.vector_store %arg12[%swap3A_41], %gather3A_40 {strides = array<i32>} : memref<128xi32, #tpu.memory_space<vmem>>, vector<16xi32>,
    %get3A_43 = arith.constant 112 : index
    %get3A_44 = tpu.vector_load %arg10[%get3A_43] {strides = array<i32>} : memref<4096xi32, #tpu.memory_space<vmem>>, vector<16xi32>,
    %gather3A_45 = tpu.vector_load_idx %arg9[%get3A_44] : memref<4096xi32, #tpu.memory_space<vmem>>[vector<16xi32>], vector<16xi32>,
    %swap3A_46 = arith.constant 112 : index
    %swap3A_47 = tpu.vector_load %arg12[%swap3A_46] {strides = array<i32>} : memref<128xi32, #tpu.memory_space<vmem>>, vector<16xi32>,
    tpu.vector_store %arg12[%swap3A_46], %gather3A_45 {strides = array<i32>} : memref<128xi32, #tpu.memory_space<vmem>>, vector<16xi32>,
    %dma_start3A_48 = arith.constant 0 : i32
    %dma_start3A_49 = arith.constant 0 : i32
    %dma_start3A_50 = tpu.memref_slice %arg5[%dma_start3A_48, %dma_start3A_49] : memref<100000x64xf32, #tpu.memory_space<hbm>> -> memref<100000x64xf32, #tpu.memory_space<hbm>>
    tpu.enqueue_indirect_dma source(%dma_start3A_50 : memref<100000x64xf32, #tpu.memory_space<hbm>>) target(%arg14 : memref<128x64xf32, #tpu.memory_space<vmem>>) offsets(%arg12 : memref<128xi32, #tpu.memory_space<vmem>>) semaphore(%arg18 : memref<!tpu.dma_semaphore, #tpu.memory_space<semaphore_mem>>)
    %dma_start3A_51 = arith.constant 0 : i32
    %dma_start3A_52 = tpu.memref_slice %arg11[%dma_start3A_51] : memref<4096xi32, #tpu.memory_space<vmem>> -> memref<128xi32, #tpu.memory_space<vmem>>
    %dma_start3A_53 = arith.constant 0 : i32
    %dma_start3A_54 = arith.constant 0 : i32
    %dma_start3A_55 = tpu.memref_slice %arg5[%dma_start3A_53, %dma_start3A_54] : memref<100000x64xf32, #tpu.memory_space<hbm>> -> memref<100000x64xf32, #tpu.memory_space<hbm>>
    tpu.enqueue_indirect_dma source(%dma_start3A_55 : memref<100000x64xf32, #tpu.memory_space<hbm>>) target(%arg16 : memref<128x64xf32, #tpu.memory_space<vmem>>) offsets(%dma_start3A_52 : memref<128xi32, #tpu.memory_space<vmem>>) semaphore(%arg20 : memref<!tpu.dma_semaphore, #tpu.memory_space<semaphore_mem>>)
    %scan3A = arith.constant 0 : i32
    %scan3A_56 = arith.constant 0 : i32
    %scan3A_57 = arith.constant 16 : i32
    %scan3A_58 = arith.addi %scan3A_56, %scan3A_57 : i32
    %scan3A_59 = arith.constant 1 : i32
    scf.for %scan3A_77 = %scan3A_56 to %scan3A_58 step %scan3A_59  : i32 {
      %mul3A_78 = arith.constant 2 : i32
      %mul3A_79 = arith.muli %mul3A_78, %scan3A_77 : i32
      %add3A_80 = arith.constant 0 : i32
      %add3A_81 = arith.addi %mul3A_79, %add3A_80 : i32
      %add3A_82 = arith.constant 1 : i32
      %add3A_83 = arith.addi %add3A_81, %add3A_82 : i32
      %lt3A = arith.constant 32 : i32
      %lt3A_84 = arith.cmpi slt, %add3A_83, %lt3A : i32
      %convert_element_type3A = arith.extui %lt3A_84 : i1 to i32
      %cond3A = arith.constant 0 : i32
      %cond3A_85 = arith.cmpi ne, %convert_element_type3A, %cond3A : i32
      scf.if %cond3A_85 {
        %ge3A = arith.constant 1 : i32
        %ge3A_143 = arith.cmpi sge, %add3A_81, %ge3A : i32
        %convert_element_type3A_144 = arith.extui %ge3A_143 : i1 to i32
        %cond3A_145 = arith.constant 0 : i32
        %cond3A_146 = arith.cmpi ne, %convert_element_type3A_144, %cond3A_145 : i32
        scf.if %cond3A_146 {
          %dma_wait3A_230 = arith.constant 0 : i32
          %dma_wait3A_231 = tpu.memref_slice %arg7[%mul3A_2, %dma_wait3A_230] : memref<131072x64xf32, #tpu.memory_space<hbm>> -> memref<128x64xf32, #tpu.memory_space<hbm>>
          %dma_wait3A_232 = arith.constant 0 : i32
          %dma_wait3A_233 = tpu.memref_slice %arg7[%mul3A_2, %dma_wait3A_232] : memref<131072x64xf32, #tpu.memory_space<hbm>> -> memref<128x64xf32, #tpu.memory_space<hbm>>
          tpu.wait_dma2 semaphore(%arg23 : memref<!tpu.dma_semaphore, #tpu.memory_space<semaphore_mem>>) src(%arg15 : memref<128x64xf32, #tpu.memory_space<vmem>>) dst(%dma_wait3A_233 : memref<128x64xf32, #tpu.memory_space<hbm>>)
          %dma_wait3A_234 = arith.constant 0 : i32
          %dma_wait3A_235 = tpu.memref_slice %arg8[%mul3A_2, %dma_wait3A_234] : memref<131072x64xf32, #tpu.memory_space<hbm>> -> memref<128x64xf32, #tpu.memory_space<hbm>>
          %dma_wait3A_236 = arith.constant 0 : i32
          %dma_wait3A_237 = tpu.memref_slice %arg8[%mul3A_2, %dma_wait3A_236] : memref<131072x64xf32, #tpu.memory_space<hbm>> -> memref<128x64xf32, #tpu.memory_space<hbm>>
          tpu.wait_dma2 semaphore(%arg25 : memref<!tpu.dma_semaphore, #tpu.memory_space<semaphore_mem>>) src(%arg17 : memref<128x64xf32, #tpu.memory_space<vmem>>) dst(%dma_wait3A_237 : memref<128x64xf32, #tpu.memory_space<hbm>>)
        } else {
        }
        %add3A_147 = arith.constant 1 : i32
        %add3A_148 = arith.addi %add3A_81, %add3A_147 : i32
        %mul3A_149 = arith.constant 128 : i32
        %mul3A_150 = arith.muli %add3A_148, %mul3A_149 : i32
        %add3A_151 = arith.constant 0 : i32
        %add3A_152 = arith.addi %mul3A_150, %add3A_151 : i32
        %get3A_153 = arith.index_cast %add3A_152 : i32 to index
        %get3A_154 = tpu.vector_load %arg10[%get3A_153] {strides = array<i32>} : memref<4096xi32, #tpu.memory_space<vmem>>, vector<16xi32>,
        %gather3A_155 = tpu.vector_load_idx %arg9[%get3A_154] : memref<4096xi32, #tpu.memory_space<vmem>>[vector<16xi32>], vector<16xi32>,
        %swap3A_156 = arith.constant 0 : index
        %swap3A_157 = tpu.vector_load %arg13[%swap3A_156] {strides = array<i32>} : memref<128xi32, #tpu.memory_space<vmem>>, vector<16xi32>,
        tpu.vector_store %arg13[%swap3A_156], %gather3A_155 {strides = array<i32>} : memref<128xi32, #tpu.memory_space<vmem>>, vector<16xi32>,
        %mul3A_158 = arith.constant 128 : i32
        %mul3A_159 = arith.muli %add3A_148, %mul3A_158 : i32
        %add3A_160 = arith.constant 16 : i32
        %add3A_161 = arith.addi %mul3A_159, %add3A_160 : i32
        %get3A_162 = arith.index_cast %add3A_161 : i32 to index
        %get3A_163 = tpu.vector_load %arg10[%get3A_162] {strides = array<i32>} : memref<4096xi32, #tpu.memory_space<vmem>>, vector<16xi32>,
        %gather3A_164 = tpu.vector_load_idx %arg9[%get3A_163] : memref<4096xi32, #tpu.memory_space<vmem>>[vector<16xi32>], vector<16xi32>,
        %swap3A_165 = arith.constant 16 : index
        %swap3A_166 = tpu.vector_load %arg13[%swap3A_165] {strides = array<i32>} : memref<128xi32, #tpu.memory_space<vmem>>, vector<16xi32>,
        tpu.vector_store %arg13[%swap3A_165], %gather3A_164 {strides = array<i32>} : memref<128xi32, #tpu.memory_space<vmem>>, vector<16xi32>,
        %mul3A_167 = arith.constant 128 : i32
        %mul3A_168 = arith.muli %add3A_148, %mul3A_167 : i32
        %add3A_169 = arith.constant 32 : i32
        %add3A_170 = arith.addi %mul3A_168, %add3A_169 : i32
        %get3A_171 = arith.index_cast %add3A_170 : i32 to index
        %get3A_172 = tpu.vector_load %arg10[%get3A_171] {strides = array<i32>} : memref<4096xi32, #tpu.memory_space<vmem>>, vector<16xi32>,
        %gather3A_173 = tpu.vector_load_idx %arg9[%get3A_172] : memref<4096xi32, #tpu.memory_space<vmem>>[vector<16xi32>], vector<16xi32>,
        %swap3A_174 = arith.constant 32 : index
        %swap3A_175 = tpu.vector_load %arg13[%swap3A_174] {strides = array<i32>} : memref<128xi32, #tpu.memory_space<vmem>>, vector<16xi32>,
        tpu.vector_store %arg13[%swap3A_174], %gather3A_173 {strides = array<i32>} : memref<128xi32, #tpu.memory_space<vmem>>, vector<16xi32>,
        %mul3A_176 = arith.constant 128 : i32
        %mul3A_177 = arith.muli %add3A_148, %mul3A_176 : i32
        %add3A_178 = arith.constant 48 : i32
        %add3A_179 = arith.addi %mul3A_177, %add3A_178 : i32
        %get3A_180 = arith.index_cast %add3A_179 : i32 to index
        %get3A_181 = tpu.vector_load %arg10[%get3A_180] {strides = array<i32>} : memref<4096xi32, #tpu.memory_space<vmem>>, vector<16xi32>,
        %gather3A_182 = tpu.vector_load_idx %arg9[%get3A_181] : memref<4096xi32, #tpu.memory_space<vmem>>[vector<16xi32>], vector<16xi32>,
        %swap3A_183 = arith.constant 48 : index
        %swap3A_184 = tpu.vector_load %arg13[%swap3A_183] {strides = array<i32>} : memref<128xi32, #tpu.memory_space<vmem>>, vector<16xi32>,
        tpu.vector_store %arg13[%swap3A_183], %gather3A_182 {strides = array<i32>} : memref<128xi32, #tpu.memory_space<vmem>>, vector<16xi32>,
        %mul3A_185 = arith.constant 128 : i32
        %mul3A_186 = arith.muli %add3A_148, %mul3A_185 : i32
        %add3A_187 = arith.constant 64 : i32
        %add3A_188 = arith.addi %mul3A_186, %add3A_187 : i32
        %get3A_189 = arith.index_cast %add3A_188 : i32 to index
        %get3A_190 = tpu.vector_load %arg10[%get3A_189] {strides = array<i32>} : memref<4096xi32, #tpu.memory_space<vmem>>, vector<16xi32>,
        %gather3A_191 = tpu.vector_load_idx %arg9[%get3A_190] : memref<4096xi32, #tpu.memory_space<vmem>>[vector<16xi32>], vector<16xi32>,
        %swap3A_192 = arith.constant 64 : index
        %swap3A_193 = tpu.vector_load %arg13[%swap3A_192] {strides = array<i32>} : memref<128xi32, #tpu.memory_space<vmem>>, vector<16xi32>,
        tpu.vector_store %arg13[%swap3A_192], %gather3A_191 {strides = array<i32>} : memref<128xi32, #tpu.memory_space<vmem>>, vector<16xi32>,
        %mul3A_194 = arith.constant 128 : i32
        %mul3A_195 = arith.muli %add3A_148, %mul3A_194 : i32
        %add3A_196 = arith.constant 80 : i32
        %add3A_197 = arith.addi %mul3A_195, %add3A_196 : i32
        %get3A_198 = arith.index_cast %add3A_197 : i32 to index
        %get3A_199 = tpu.vector_load %arg10[%get3A_198] {strides = array<i32>} : memref<4096xi32, #tpu.memory_space<vmem>>, vector<16xi32>,
        %gather3A_200 = tpu.vector_load_idx %arg9[%get3A_199] : memref<4096xi32, #tpu.memory_space<vmem>>[vector<16xi32>], vector<16xi32>,
        %swap3A_201 = arith.constant 80 : index
        %swap3A_202 = tpu.vector_load %arg13[%swap3A_201] {strides = array<i32>} : memref<128xi32, #tpu.memory_space<vmem>>, vector<16xi32>,
        tpu.vector_store %arg13[%swap3A_201], %gather3A_200 {strides = array<i32>} : memref<128xi32, #tpu.memory_space<vmem>>, vector<16xi32>,
        %mul3A_203 = arith.constant 128 : i32
        %mul3A_204 = arith.muli %add3A_148, %mul3A_203 : i32
        %add3A_205 = arith.constant 96 : i32
        %add3A_206 = arith.addi %mul3A_204, %add3A_205 : i32
        %get3A_207 = arith.index_cast %add3A_206 : i32 to index
        %get3A_208 = tpu.vector_load %arg10[%get3A_207] {strides = array<i32>} : memref<4096xi32, #tpu.memory_space<vmem>>, vector<16xi32>,
        %gather3A_209 = tpu.vector_load_idx %arg9[%get3A_208] : memref<4096xi32, #tpu.memory_space<vmem>>[vector<16xi32>], vector<16xi32>,
        %swap3A_210 = arith.constant 96 : index
        %swap3A_211 = tpu.vector_load %arg13[%swap3A_210] {strides = array<i32>} : memref<128xi32, #tpu.memory_space<vmem>>, vector<16xi32>,
        tpu.vector_store %arg13[%swap3A_210], %gather3A_209 {strides = array<i32>} : memref<128xi32, #tpu.memory_space<vmem>>, vector<16xi32>,
        %mul3A_212 = arith.constant 128 : i32
        %mul3A_213 = arith.muli %add3A_148, %mul3A_212 : i32
        %add3A_214 = arith.constant 112 : i32
        %add3A_215 = arith.addi %mul3A_213, %add3A_214 : i32
        %get3A_216 = arith.index_cast %add3A_215 : i32 to index
        %get3A_217 = tpu.vector_load %arg10[%get3A_216] {strides = array<i32>} : memref<4096xi32, #tpu.memory_space<vmem>>, vector<16xi32>,
        %gather3A_218 = tpu.vector_load_idx %arg9[%get3A_217] : memref<4096xi32, #tpu.memory_space<vmem>>[vector<16xi32>], vector<16xi32>,
        %swap3A_219 = arith.constant 112 : index
        %swap3A_220 = tpu.vector_load %arg13[%swap3A_219] {strides = array<i32>} : memref<128xi32, #tpu.memory_space<vmem>>, vector<16xi32>,
        tpu.vector_store %arg13[%swap3A_219], %gather3A_218 {strides = array<i32>} : memref<128xi32, #tpu.memory_space<vmem>>, vector<16xi32>,
        %dma_start3A_221 = arith.constant 0 : i32
        %dma_start3A_222 = arith.constant 0 : i32
        %dma_start3A_223 = tpu.memref_slice %arg5[%dma_start3A_221, %dma_start3A_222] : memref<100000x64xf32, #tpu.memory_space<hbm>> -> memref<100000x64xf32, #tpu.memory_space<hbm>>
        tpu.enqueue_indirect_dma source(%dma_start3A_223 : memref<100000x64xf32, #tpu.memory_space<hbm>>) target(%arg15 : memref<128x64xf32, #tpu.memory_space<vmem>>) offsets(%arg13 : memref<128xi32, #tpu.memory_space<vmem>>) semaphore(%arg19 : memref<!tpu.dma_semaphore, #tpu.memory_space<semaphore_mem>>)
        %mul3A_224 = arith.constant 128 : i32
        %mul3A_225 = arith.muli %add3A_148, %mul3A_224 : i32
        %dma_start3A_226 = tpu.memref_slice %arg11[%mul3A_225] : memref<4096xi32, #tpu.memory_space<vmem>> -> memref<128xi32, #tpu.memory_space<vmem>>
        %dma_start3A_227 = arith.constant 0 : i32
        %dma_start3A_228 = arith.constant 0 : i32
        %dma_start3A_229 = tpu.memref_slice %arg5[%dma_start3A_227, %dma_start3A_228] : memref<100000x64xf32, #tpu.memory_space<hbm>> -> memref<100000x64xf32, #tpu.memory_space<hbm>>
        tpu.enqueue_indirect_dma source(%dma_start3A_229 : memref<100000x64xf32, #tpu.memory_space<hbm>>) target(%arg17 : memref<128x64xf32, #tpu.memory_space<vmem>>) offsets(%dma_start3A_226 : memref<128xi32, #tpu.memory_space<vmem>>) semaphore(%arg21 : memref<!tpu.dma_semaphore, #tpu.memory_space<semaphore_mem>>)
      } else {
      }
      %dma_wait3A_86 = arith.constant 0 : i32
      %dma_wait3A_87 = arith.constant 0 : i32
      %dma_wait3A_88 = tpu.memref_slice %arg5[%dma_wait3A_86, %dma_wait3A_87] : memref<100000x64xf32, #tpu.memory_space<hbm>> -> memref<100000x64xf32, #tpu.memory_space<hbm>>
      tpu.wait_indirect_dma semaphore(%arg18 : memref<!tpu.dma_semaphore, #tpu.memory_space<semaphore_mem>>) src(%dma_wait3A_88 : memref<100000x64xf32, #tpu.memory_space<hbm>>) dst(%arg14 : memref<128x64xf32, #tpu.memory_space<vmem>>)
      %mul3A_89 = arith.constant 128 : i32
      %mul3A_90 = arith.muli %add3A_81, %mul3A_89 : i32
      %add3A_91 = arith.addi %mul3A_2, %mul3A_90 : i32
      %dma_start3A_92 = arith.constant 0 : i32
      %dma_start3A_93 = tpu.memref_slice %arg7[%add3A_91, %dma_start3A_92] : memref<131072x64xf32, #tpu.memory_space<hbm>> -> memref<128x64xf32, #tpu.memory_space<hbm>>
      %dma_start3A_94 = arith.constant 0 : i32
      %dma_start3A_95 = tpu.memref_slice %arg7[%add3A_91, %dma_start3A_94] : memref<131072x64xf32, #tpu.memory_space<hbm>> -> memref<128x64xf32, #tpu.memory_space<hbm>>
      tpu.enqueue_dma source(%arg14 : memref<128x64xf32, #tpu.memory_space<vmem>>) target(%dma_start3A_95 : memref<128x64xf32, #tpu.memory_space<hbm>>) target_semaphore(%arg22 : memref<!tpu.dma_semaphore, #tpu.memory_space<semaphore_mem>>)
      %mul3A_96 = arith.constant 128 : i32
      %mul3A_97 = arith.muli %add3A_81, %mul3A_96 : i32
      %dma_wait3A_98 = tpu.memref_slice %arg11[%mul3A_97] : memref<4096xi32, #tpu.memory_space<vmem>> -> memref<128xi32, #tpu.memory_space<vmem>>
      %dma_wait3A_99 = arith.constant 0 : i32
      %dma_wait3A_100 = arith.constant 0 : i32
      %dma_wait3A_101 = tpu.memref_slice %arg5[%dma_wait3A_99, %dma_wait3A_100] : memref<100000x64xf32, #tpu.memory_space<hbm>> -> memref<100000x64xf32, #tpu.memory_space<hbm>>
      tpu.wait_indirect_dma semaphore(%arg20 : memref<!tpu.dma_semaphore, #tpu.memory_space<semaphore_mem>>) src(%dma_wait3A_101 : memref<100000x64xf32, #tpu.memory_space<hbm>>) dst(%arg16 : memref<128x64xf32, #tpu.memory_space<vmem>>)
      %mul3A_102 = arith.constant 128 : i32
      %mul3A_103 = arith.muli %add3A_81, %mul3A_102 : i32
      %add3A_104 = arith.addi %mul3A_2, %mul3A_103 : i32
      %dma_start3A_105 = arith.constant 0 : i32
      %dma_start3A_106 = tpu.memref_slice %arg8[%add3A_104, %dma_start3A_105] : memref<131072x64xf32, #tpu.memory_space<hbm>> -> memref<128x64xf32, #tpu.memory_space<hbm>>
      %dma_start3A_107 = arith.constant 0 : i32
      %dma_start3A_108 = tpu.memref_slice %arg8[%add3A_104, %dma_start3A_107] : memref<131072x64xf32, #tpu.memory_space<hbm>> -> memref<128x64xf32, #tpu.memory_space<hbm>>
      tpu.enqueue_dma source(%arg16 : memref<128x64xf32, #tpu.memory_space<vmem>>) target(%dma_start3A_108 : memref<128x64xf32, #tpu.memory_space<hbm>>) target_semaphore(%arg24 : memref<!tpu.dma_semaphore, #tpu.memory_space<semaphore_mem>>)
      %mul3A_109 = arith.constant 2 : i32
      %mul3A_110 = arith.muli %mul3A_109, %scan3A_77 : i32
      %add3A_111 = arith.constant 1 : i32
      %add3A_112 = arith.addi %mul3A_110, %add3A_111 : i32
      %add3A_113 = arith.constant 1 : i32
      %add3A_114 = arith.addi %add3A_112, %add3A_113 : i32
      %lt3A_115 = arith.constant 32 : i32
      %lt3A_116 = arith.cmpi slt, %add3A_114, %lt3A_115 : i32
      %convert_element_type3A_117 = arith.extui %lt3A_116 : i1 to i32
      %cond3A_118 = arith.constant 0 : i32
      %cond3A_119 = arith.cmpi ne, %convert_element_type3A_117, %cond3A_118 : i32
      scf.if %cond3A_119 {
        %ge3A = arith.constant 1 : i32
        %ge3A_143 = arith.cmpi sge, %add3A_112, %ge3A : i32
        %convert_element_type3A_144 = arith.extui %ge3A_143 : i1 to i32
        %cond3A_145 = arith.constant 0 : i32
        %cond3A_146 = arith.cmpi ne, %convert_element_type3A_144, %cond3A_145 : i32
        scf.if %cond3A_146 {
          %dma_wait3A_230 = arith.constant 0 : i32
          %dma_wait3A_231 = tpu.memref_slice %arg7[%mul3A_2, %dma_wait3A_230] : memref<131072x64xf32, #tpu.memory_space<hbm>> -> memref<128x64xf32, #tpu.memory_space<hbm>>
          %dma_wait3A_232 = arith.constant 0 : i32
          %dma_wait3A_233 = tpu.memref_slice %arg7[%mul3A_2, %dma_wait3A_232] : memref<131072x64xf32, #tpu.memory_space<hbm>> -> memref<128x64xf32, #tpu.memory_space<hbm>>
          tpu.wait_dma2 semaphore(%arg22 : memref<!tpu.dma_semaphore, #tpu.memory_space<semaphore_mem>>) src(%arg14 : memref<128x64xf32, #tpu.memory_space<vmem>>) dst(%dma_wait3A_233 : memref<128x64xf32, #tpu.memory_space<hbm>>)
          %dma_wait3A_234 = arith.constant 0 : i32
          %dma_wait3A_235 = tpu.memref_slice %arg8[%mul3A_2, %dma_wait3A_234] : memref<131072x64xf32, #tpu.memory_space<hbm>> -> memref<128x64xf32, #tpu.memory_space<hbm>>
          %dma_wait3A_236 = arith.constant 0 : i32
          %dma_wait3A_237 = tpu.memref_slice %arg8[%mul3A_2, %dma_wait3A_236] : memref<131072x64xf32, #tpu.memory_space<hbm>> -> memref<128x64xf32, #tpu.memory_space<hbm>>
          tpu.wait_dma2 semaphore(%arg24 : memref<!tpu.dma_semaphore, #tpu.memory_space<semaphore_mem>>) src(%arg16 : memref<128x64xf32, #tpu.memory_space<vmem>>) dst(%dma_wait3A_237 : memref<128x64xf32, #tpu.memory_space<hbm>>)
        } else {
        }
        %add3A_147 = arith.constant 1 : i32
        %add3A_148 = arith.addi %add3A_112, %add3A_147 : i32
        %mul3A_149 = arith.constant 128 : i32
        %mul3A_150 = arith.muli %add3A_148, %mul3A_149 : i32
        %add3A_151 = arith.constant 0 : i32
        %add3A_152 = arith.addi %mul3A_150, %add3A_151 : i32
        %get3A_153 = arith.index_cast %add3A_152 : i32 to index
        %get3A_154 = tpu.vector_load %arg10[%get3A_153] {strides = array<i32>} : memref<4096xi32, #tpu.memory_space<vmem>>, vector<16xi32>,
        %gather3A_155 = tpu.vector_load_idx %arg9[%get3A_154] : memref<4096xi32, #tpu.memory_space<vmem>>[vector<16xi32>], vector<16xi32>,
        %swap3A_156 = arith.constant 0 : index
        %swap3A_157 = tpu.vector_load %arg12[%swap3A_156] {strides = array<i32>} : memref<128xi32, #tpu.memory_space<vmem>>, vector<16xi32>,
        tpu.vector_store %arg12[%swap3A_156], %gather3A_155 {strides = array<i32>} : memref<128xi32, #tpu.memory_space<vmem>>, vector<16xi32>,
        %mul3A_158 = arith.constant 128 : i32
        %mul3A_159 = arith.muli %add3A_148, %mul3A_158 : i32
        %add3A_160 = arith.constant 16 : i32
        %add3A_161 = arith.addi %mul3A_159, %add3A_160 : i32
        %get3A_162 = arith.index_cast %add3A_161 : i32 to index
        %get3A_163 = tpu.vector_load %arg10[%get3A_162] {strides = array<i32>} : memref<4096xi32, #tpu.memory_space<vmem>>, vector<16xi32>,
        %gather3A_164 = tpu.vector_load_idx %arg9[%get3A_163] : memref<4096xi32, #tpu.memory_space<vmem>>[vector<16xi32>], vector<16xi32>,
        %swap3A_165 = arith.constant 16 : index
        %swap3A_166 = tpu.vector_load %arg12[%swap3A_165] {strides = array<i32>} : memref<128xi32, #tpu.memory_space<vmem>>, vector<16xi32>,
        tpu.vector_store %arg12[%swap3A_165], %gather3A_164 {strides = array<i32>} : memref<128xi32, #tpu.memory_space<vmem>>, vector<16xi32>,
        %mul3A_167 = arith.constant 128 : i32
        %mul3A_168 = arith.muli %add3A_148, %mul3A_167 : i32
        %add3A_169 = arith.constant 32 : i32
        %add3A_170 = arith.addi %mul3A_168, %add3A_169 : i32
        %get3A_171 = arith.index_cast %add3A_170 : i32 to index
        %get3A_172 = tpu.vector_load %arg10[%get3A_171] {strides = array<i32>} : memref<4096xi32, #tpu.memory_space<vmem>>, vector<16xi32>,
        %gather3A_173 = tpu.vector_load_idx %arg9[%get3A_172] : memref<4096xi32, #tpu.memory_space<vmem>>[vector<16xi32>], vector<16xi32>,
        %swap3A_174 = arith.constant 32 : index
        %swap3A_175 = tpu.vector_load %arg12[%swap3A_174] {strides = array<i32>} : memref<128xi32, #tpu.memory_space<vmem>>, vector<16xi32>,
        tpu.vector_store %arg12[%swap3A_174], %gather3A_173 {strides = array<i32>} : memref<128xi32, #tpu.memory_space<vmem>>, vector<16xi32>,
        %mul3A_176 = arith.constant 128 : i32
        %mul3A_177 = arith.muli %add3A_148, %mul3A_176 : i32
        %add3A_178 = arith.constant 48 : i32
        %add3A_179 = arith.addi %mul3A_177, %add3A_178 : i32
        %get3A_180 = arith.index_cast %add3A_179 : i32 to index
        %get3A_181 = tpu.vector_load %arg10[%get3A_180] {strides = array<i32>} : memref<4096xi32, #tpu.memory_space<vmem>>, vector<16xi32>,
        %gather3A_182 = tpu.vector_load_idx %arg9[%get3A_181] : memref<4096xi32, #tpu.memory_space<vmem>>[vector<16xi32>], vector<16xi32>,
        %swap3A_183 = arith.constant 48 : index
        %swap3A_184 = tpu.vector_load %arg12[%swap3A_183] {strides = array<i32>} : memref<128xi32, #tpu.memory_space<vmem>>, vector<16xi32>,
        tpu.vector_store %arg12[%swap3A_183], %gather3A_182 {strides = array<i32>} : memref<128xi32, #tpu.memory_space<vmem>>, vector<16xi32>,
        %mul3A_185 = arith.constant 128 : i32
        %mul3A_186 = arith.muli %add3A_148, %mul3A_185 : i32
        %add3A_187 = arith.constant 64 : i32
        %add3A_188 = arith.addi %mul3A_186, %add3A_187 : i32
        %get3A_189 = arith.index_cast %add3A_188 : i32 to index
        %get3A_190 = tpu.vector_load %arg10[%get3A_189] {strides = array<i32>} : memref<4096xi32, #tpu.memory_space<vmem>>, vector<16xi32>,
        %gather3A_191 = tpu.vector_load_idx %arg9[%get3A_190] : memref<4096xi32, #tpu.memory_space<vmem>>[vector<16xi32>], vector<16xi32>,
        %swap3A_192 = arith.constant 64 : index
        %swap3A_193 = tpu.vector_load %arg12[%swap3A_192] {strides = array<i32>} : memref<128xi32, #tpu.memory_space<vmem>>, vector<16xi32>,
        tpu.vector_store %arg12[%swap3A_192], %gather3A_191 {strides = array<i32>} : memref<128xi32, #tpu.memory_space<vmem>>, vector<16xi32>,
        %mul3A_194 = arith.constant 128 : i32
        %mul3A_195 = arith.muli %add3A_148, %mul3A_194 : i32
        %add3A_196 = arith.constant 80 : i32
        %add3A_197 = arith.addi %mul3A_195, %add3A_196 : i32
        %get3A_198 = arith.index_cast %add3A_197 : i32 to index
        %get3A_199 = tpu.vector_load %arg10[%get3A_198] {strides = array<i32>} : memref<4096xi32, #tpu.memory_space<vmem>>, vector<16xi32>,
        %gather3A_200 = tpu.vector_load_idx %arg9[%get3A_199] : memref<4096xi32, #tpu.memory_space<vmem>>[vector<16xi32>], vector<16xi32>,
        %swap3A_201 = arith.constant 80 : index
        %swap3A_202 = tpu.vector_load %arg12[%swap3A_201] {strides = array<i32>} : memref<128xi32, #tpu.memory_space<vmem>>, vector<16xi32>,
        tpu.vector_store %arg12[%swap3A_201], %gather3A_200 {strides = array<i32>} : memref<128xi32, #tpu.memory_space<vmem>>, vector<16xi32>,
        %mul3A_203 = arith.constant 128 : i32
        %mul3A_204 = arith.muli %add3A_148, %mul3A_203 : i32
        %add3A_205 = arith.constant 96 : i32
        %add3A_206 = arith.addi %mul3A_204, %add3A_205 : i32
        %get3A_207 = arith.index_cast %add3A_206 : i32 to index
        %get3A_208 = tpu.vector_load %arg10[%get3A_207] {strides = array<i32>} : memref<4096xi32, #tpu.memory_space<vmem>>, vector<16xi32>,
        %gather3A_209 = tpu.vector_load_idx %arg9[%get3A_208] : memref<4096xi32, #tpu.memory_space<vmem>>[vector<16xi32>], vector<16xi32>,
        %swap3A_210 = arith.constant 96 : index
        %swap3A_211 = tpu.vector_load %arg12[%swap3A_210] {strides = array<i32>} : memref<128xi32, #tpu.memory_space<vmem>>, vector<16xi32>,
        tpu.vector_store %arg12[%swap3A_210], %gather3A_209 {strides = array<i32>} : memref<128xi32, #tpu.memory_space<vmem>>, vector<16xi32>,
        %mul3A_212 = arith.constant 128 : i32
        %mul3A_213 = arith.muli %add3A_148, %mul3A_212 : i32
        %add3A_214 = arith.constant 112 : i32
        %add3A_215 = arith.addi %mul3A_213, %add3A_214 : i32
        %get3A_216 = arith.index_cast %add3A_215 : i32 to index
        %get3A_217 = tpu.vector_load %arg10[%get3A_216] {strides = array<i32>} : memref<4096xi32, #tpu.memory_space<vmem>>, vector<16xi32>,
        %gather3A_218 = tpu.vector_load_idx %arg9[%get3A_217] : memref<4096xi32, #tpu.memory_space<vmem>>[vector<16xi32>], vector<16xi32>,
        %swap3A_219 = arith.constant 112 : index
        %swap3A_220 = tpu.vector_load %arg12[%swap3A_219] {strides = array<i32>} : memref<128xi32, #tpu.memory_space<vmem>>, vector<16xi32>,
        tpu.vector_store %arg12[%swap3A_219], %gather3A_218 {strides = array<i32>} : memref<128xi32, #tpu.memory_space<vmem>>, vector<16xi32>,
        %dma_start3A_221 = arith.constant 0 : i32
        %dma_start3A_222 = arith.constant 0 : i32
        %dma_start3A_223 = tpu.memref_slice %arg5[%dma_start3A_221, %dma_start3A_222] : memref<100000x64xf32, #tpu.memory_space<hbm>> -> memref<100000x64xf32, #tpu.memory_space<hbm>>
        tpu.enqueue_indirect_dma source(%dma_start3A_223 : memref<100000x64xf32, #tpu.memory_space<hbm>>) target(%arg14 : memref<128x64xf32, #tpu.memory_space<vmem>>) offsets(%arg12 : memref<128xi32, #tpu.memory_space<vmem>>) semaphore(%arg18 : memref<!tpu.dma_semaphore, #tpu.memory_space<semaphore_mem>>)
        %mul3A_224 = arith.constant 128 : i32
        %mul3A_225 = arith.muli %add3A_148, %mul3A_224 : i32
        %dma_start3A_226 = tpu.memref_slice %arg11[%mul3A_225] : memref<4096xi32, #tpu.memory_space<vmem>> -> memref<128xi32, #tpu.memory_space<vmem>>
        %dma_start3A_227 = arith.constant 0 : i32
        %dma_start3A_228 = arith.constant 0 : i32
        %dma_start3A_229 = tpu.memref_slice %arg5[%dma_start3A_227, %dma_start3A_228] : memref<100000x64xf32, #tpu.memory_space<hbm>> -> memref<100000x64xf32, #tpu.memory_space<hbm>>
        tpu.enqueue_indirect_dma source(%dma_start3A_229 : memref<100000x64xf32, #tpu.memory_space<hbm>>) target(%arg16 : memref<128x64xf32, #tpu.memory_space<vmem>>) offsets(%dma_start3A_226 : memref<128xi32, #tpu.memory_space<vmem>>) semaphore(%arg20 : memref<!tpu.dma_semaphore, #tpu.memory_space<semaphore_mem>>)
      } else {
      }
      %dma_wait3A_120 = arith.constant 0 : i32
      %dma_wait3A_121 = arith.constant 0 : i32
      %dma_wait3A_122 = tpu.memref_slice %arg5[%dma_wait3A_120, %dma_wait3A_121] : memref<100000x64xf32, #tpu.memory_space<hbm>> -> memref<100000x64xf32, #tpu.memory_space<hbm>>
      tpu.wait_indirect_dma semaphore(%arg19 : memref<!tpu.dma_semaphore, #tpu.memory_space<semaphore_mem>>) src(%dma_wait3A_122 : memref<100000x64xf32, #tpu.memory_space<hbm>>) dst(%arg15 : memref<128x64xf32, #tpu.memory_space<vmem>>)
      %mul3A_123 = arith.constant 128 : i32
      %mul3A_124 = arith.muli %add3A_112, %mul3A_123 : i32
      %add3A_125 = arith.addi %mul3A_2, %mul3A_124 : i32
      %dma_start3A_126 = arith.constant 0 : i32
      %dma_start3A_127 = tpu.memref_slice %arg7[%add3A_125, %dma_start3A_126] : memref<131072x64xf32, #tpu.memory_space<hbm>> -> memref<128x64xf32, #tpu.memory_space<hbm>>
      %dma_start3A_128 = arith.constant 0 : i32
      %dma_start3A_129 = tpu.memref_slice %arg7[%add3A_125, %dma_start3A_128] : memref<131072x64xf32, #tpu.memory_space<hbm>> -> memref<128x64xf32, #tpu.memory_space<hbm>>
      tpu.enqueue_dma source(%arg15 : memref<128x64xf32, #tpu.memory_space<vmem>>) target(%dma_start3A_129 : memref<128x64xf32, #tpu.memory_space<hbm>>) target_semaphore(%arg23 : memref<!tpu.dma_semaphore, #tpu.memory_space<semaphore_mem>>)
      %mul3A_130 = arith.constant 128 : i32
      %mul3A_131 = arith.muli %add3A_112, %mul3A_130 : i32
      %dma_wait3A_132 = tpu.memref_slice %arg11[%mul3A_131] : memref<4096xi32, #tpu.memory_space<vmem>> -> memref<128xi32, #tpu.memory_space<vmem>>
      %dma_wait3A_133 = arith.constant 0 : i32
      %dma_wait3A_134 = arith.constant 0 : i32
      %dma_wait3A_135 = tpu.memref_slice %arg5[%dma_wait3A_133, %dma_wait3A_134] : memref<100000x64xf32, #tpu.memory_space<hbm>> -> memref<100000x64xf32, #tpu.memory_space<hbm>>
      tpu.wait_indirect_dma semaphore(%arg21 : memref<!tpu.dma_semaphore, #tpu.memory_space<semaphore_mem>>) src(%dma_wait3A_135 : memref<100000x64xf32, #tpu.memory_space<hbm>>) dst(%arg17 : memref<128x64xf32, #tpu.memory_space<vmem>>)
      %mul3A_136 = arith.constant 128 : i32
      %mul3A_137 = arith.muli %add3A_112, %mul3A_136 : i32
      %add3A_138 = arith.addi %mul3A_2, %mul3A_137 : i32
      %dma_start3A_139 = arith.constant 0 : i32
      %dma_start3A_140 = tpu.memref_slice %arg8[%add3A_138, %dma_start3A_139] : memref<131072x64xf32, #tpu.memory_space<hbm>> -> memref<128x64xf32, #tpu.memory_space<hbm>>
      %dma_start3A_141 = arith.constant 0 : i32
      %dma_start3A_142 = tpu.memref_slice %arg8[%add3A_138, %dma_start3A_141] : memref<131072x64xf32, #tpu.memory_space<hbm>> -> memref<128x64xf32, #tpu.memory_space<hbm>>
      tpu.enqueue_dma source(%arg17 : memref<128x64xf32, #tpu.memory_space<vmem>>) target(%dma_start3A_142 : memref<128x64xf32, #tpu.memory_space<hbm>>) target_semaphore(%arg25 : memref<!tpu.dma_semaphore, #tpu.memory_space<semaphore_mem>>)
    }
    %scan3A_60 = arith.constant 16 : i32
    %dma_wait3A_61 = arith.constant 0 : i32
    %dma_wait3A_62 = tpu.memref_slice %arg7[%mul3A_2, %dma_wait3A_61] : memref<131072x64xf32, #tpu.memory_space<hbm>> -> memref<128x64xf32, #tpu.memory_space<hbm>>
    %dma_wait3A_63 = arith.constant 0 : i32
    %dma_wait3A_64 = tpu.memref_slice %arg7[%mul3A_2, %dma_wait3A_63] : memref<131072x64xf32, #tpu.memory_space<hbm>> -> memref<128x64xf32, #tpu.memory_space<hbm>>
    tpu.wait_dma2 semaphore(%arg22 : memref<!tpu.dma_semaphore, #tpu.memory_space<semaphore_mem>>) src(%arg14 : memref<128x64xf32, #tpu.memory_space<vmem>>) dst(%dma_wait3A_64 : memref<128x64xf32, #tpu.memory_space<hbm>>)
    %dma_wait3A_65 = arith.constant 0 : i32
    %dma_wait3A_66 = tpu.memref_slice %arg8[%mul3A_2, %dma_wait3A_65] : memref<131072x64xf32, #tpu.memory_space<hbm>> -> memref<128x64xf32, #tpu.memory_space<hbm>>
    %dma_wait3A_67 = arith.constant 0 : i32
    %dma_wait3A_68 = tpu.memref_slice %arg8[%mul3A_2, %dma_wait3A_67] : memref<131072x64xf32, #tpu.memory_space<hbm>> -> memref<128x64xf32, #tpu.memory_space<hbm>>
    tpu.wait_dma2 semaphore(%arg24 : memref<!tpu.dma_semaphore, #tpu.memory_space<semaphore_mem>>) src(%arg16 : memref<128x64xf32, #tpu.memory_space<vmem>>) dst(%dma_wait3A_68 : memref<128x64xf32, #tpu.memory_space<hbm>>)
    %dma_wait3A_69 = arith.constant 0 : i32
    %dma_wait3A_70 = tpu.memref_slice %arg7[%mul3A_2, %dma_wait3A_69] : memref<131072x64xf32, #tpu.memory_space<hbm>> -> memref<128x64xf32, #tpu.memory_space<hbm>>
    %dma_wait3A_71 = arith.constant 0 : i32
    %dma_wait3A_72 = tpu.memref_slice %arg7[%mul3A_2, %dma_wait3A_71] : memref<131072x64xf32, #tpu.memory_space<hbm>> -> memref<128x64xf32, #tpu.memory_space<hbm>>
    tpu.wait_dma2 semaphore(%arg23 : memref<!tpu.dma_semaphore, #tpu.memory_space<semaphore_mem>>) src(%arg15 : memref<128x64xf32, #tpu.memory_space<vmem>>) dst(%dma_wait3A_72 : memref<128x64xf32, #tpu.memory_space<hbm>>)
    %dma_wait3A_73 = arith.constant 0 : i32
    %dma_wait3A_74 = tpu.memref_slice %arg8[%mul3A_2, %dma_wait3A_73] : memref<131072x64xf32, #tpu.memory_space<hbm>> -> memref<128x64xf32, #tpu.memory_space<hbm>>
    %dma_wait3A_75 = arith.constant 0 : i32
    %dma_wait3A_76 = tpu.memref_slice %arg8[%mul3A_2, %dma_wait3A_75] : memref<131072x64xf32, #tpu.memory_space<hbm>> -> memref<128x64xf32, #tpu.memory_space<hbm>>
    tpu.wait_dma2 semaphore(%arg25 : memref<!tpu.dma_semaphore, #tpu.memory_space<semaphore_mem>>) src(%arg17 : memref<128x64xf32, #tpu.memory_space<vmem>>) dst(%dma_wait3A_76 : memref<128x64xf32, #tpu.memory_space<hbm>>)
    return
  }
}

#map = affine_map<(d0, d1) -> (0)>
#map1 = affine_map<(d0, d1) -> (0, 0)>
module attributes {stable_mosaic.version = 14 : i64} {
  func.func @k(%arg0: i32, %arg1: i32, %arg2: memref<65536xi32, #tpu.memory_space<hbm>>, %arg3: memref<65536xi32, #tpu.memory_space<hbm>>, %arg4: memref<65536xi32, #tpu.memory_space<hbm>>, %arg5: memref<4096x64xf32, #tpu.memory_space<hbm>>, %arg6: memref<100000x64xf32, #tpu.memory_space<hbm>>, %arg7: memref<65536xf32, #tpu.memory_space<hbm>>, %arg8: memref<65536xf32, #tpu.memory_space<hbm>>, %arg9: memref<2048xi32, #tpu.memory_space<vmem>>, %arg10: memref<2048xi32, #tpu.memory_space<vmem>>, %arg11: memref<2048xi32, #tpu.memory_space<vmem>>, %arg12: memref<2048xf32, #tpu.memory_space<vmem>>, %arg13: memref<2048xf32, #tpu.memory_space<vmem>>, %arg14: memref<128x64xf32, #tpu.memory_space<vmem>>, %arg15: memref<128x64xf32, #tpu.memory_space<vmem>>, %arg16: memref<128x64xf32, #tpu.memory_space<vmem>>, %arg17: memref<128x64xf32, #tpu.memory_space<vmem>>, %arg18: memref<128x64xf32, #tpu.memory_space<vmem>>, %arg19: memref<128x64xf32, #tpu.memory_space<vmem>>, %arg20: memref<16x17xf32, #tpu.memory_space<vmem>>, %arg21: memref<16x17xf32, #tpu.memory_space<vmem>>, %arg22: memref<!tpu.dma_semaphore, #tpu.memory_space<semaphore_mem>>, %arg23: memref<!tpu.dma_semaphore, #tpu.memory_space<semaphore_mem>>, %arg24: memref<!tpu.dma_semaphore, #tpu.memory_space<semaphore_mem>>, %arg25: memref<!tpu.dma_semaphore, #tpu.memory_space<semaphore_mem>>, %arg26: memref<!tpu.dma_semaphore, #tpu.memory_space<semaphore_mem>>, %arg27: memref<!tpu.dma_semaphore, #tpu.memory_space<semaphore_mem>>) attributes {dimension_semantics = [#tpu.dimension_semantics<core_parallel>, #tpu.dimension_semantics<subcore_parallel>], iteration_bounds = array<i64: 2, 16>, scalar_prefetch = 0 : i64, scratch_operands = 19 : i64, tpu.core_type = #tpu.core_type<sc_vector_subcore>, window_params = [{transform_indices = #map}, {transform_indices = #map}, {transform_indices = #map}, {transform_indices = #map1}, {transform_indices = #map1}, {transform_indices = #map}, {transform_indices = #map}]} {
    %mul3A = arith.constant 2 : i32
    %mul3A_0 = arith.muli %arg1, %mul3A : i32
    %add3A = arith.addi %mul3A_0, %arg0 : i32
    %mul3A_1 = arith.constant 2048 : i32
    %mul3A_2 = arith.muli %add3A, %mul3A_1 : i32
    "tpu.region"() ({
      %run_scoped3A = tpu.sem_alloc : memref<!tpu.dma_semaphore, #tpu.memory_space<semaphore_mem>>
      %dma_start3A_22 = tpu.memref_slice %arg2[%mul3A_2] : memref<65536xi32, #tpu.memory_space<hbm>> -> memref<2048xi32, #tpu.memory_space<hbm>>
      %dma_start3A_23 = tpu.memref_slice %arg2[%mul3A_2] : memref<65536xi32, #tpu.memory_space<hbm>> -> memref<2048xi32, #tpu.memory_space<hbm>>
      tpu.enqueue_dma source(%dma_start3A_23 : memref<2048xi32, #tpu.memory_space<hbm>>) target(%arg9 : memref<2048xi32, #tpu.memory_space<vmem>>) target_semaphore(%run_scoped3A : memref<!tpu.dma_semaphore, #tpu.memory_space<semaphore_mem>>)
      %dma_wait3A = tpu.memref_slice %arg2[%mul3A_2] : memref<65536xi32, #tpu.memory_space<hbm>> -> memref<2048xi32, #tpu.memory_space<hbm>>
      %dma_wait3A_24 = tpu.memref_slice %arg2[%mul3A_2] : memref<65536xi32, #tpu.memory_space<hbm>> -> memref<2048xi32, #tpu.memory_space<hbm>>
      tpu.wait_dma2 semaphore(%run_scoped3A : memref<!tpu.dma_semaphore, #tpu.memory_space<semaphore_mem>>) src(%dma_wait3A_24 : memref<2048xi32, #tpu.memory_space<hbm>>) dst(%arg9 : memref<2048xi32, #tpu.memory_space<vmem>>)
      tpu.yield
    }) : () -> ()
    "tpu.region"() ({
      %run_scoped3A = tpu.sem_alloc : memref<!tpu.dma_semaphore, #tpu.memory_space<semaphore_mem>>
      %dma_start3A_22 = tpu.memref_slice %arg3[%mul3A_2] : memref<65536xi32, #tpu.memory_space<hbm>> -> memref<2048xi32, #tpu.memory_space<hbm>>
      %dma_start3A_23 = tpu.memref_slice %arg3[%mul3A_2] : memref<65536xi32, #tpu.memory_space<hbm>> -> memref<2048xi32, #tpu.memory_space<hbm>>
      tpu.enqueue_dma source(%dma_start3A_23 : memref<2048xi32, #tpu.memory_space<hbm>>) target(%arg10 : memref<2048xi32, #tpu.memory_space<vmem>>) target_semaphore(%run_scoped3A : memref<!tpu.dma_semaphore, #tpu.memory_space<semaphore_mem>>)
      %dma_wait3A = tpu.memref_slice %arg3[%mul3A_2] : memref<65536xi32, #tpu.memory_space<hbm>> -> memref<2048xi32, #tpu.memory_space<hbm>>
      %dma_wait3A_24 = tpu.memref_slice %arg3[%mul3A_2] : memref<65536xi32, #tpu.memory_space<hbm>> -> memref<2048xi32, #tpu.memory_space<hbm>>
      tpu.wait_dma2 semaphore(%run_scoped3A : memref<!tpu.dma_semaphore, #tpu.memory_space<semaphore_mem>>) src(%dma_wait3A_24 : memref<2048xi32, #tpu.memory_space<hbm>>) dst(%arg10 : memref<2048xi32, #tpu.memory_space<vmem>>)
      tpu.yield
    }) : () -> ()
    "tpu.region"() ({
      %run_scoped3A = tpu.sem_alloc : memref<!tpu.dma_semaphore, #tpu.memory_space<semaphore_mem>>
      %dma_start3A_22 = tpu.memref_slice %arg4[%mul3A_2] : memref<65536xi32, #tpu.memory_space<hbm>> -> memref<2048xi32, #tpu.memory_space<hbm>>
      %dma_start3A_23 = tpu.memref_slice %arg4[%mul3A_2] : memref<65536xi32, #tpu.memory_space<hbm>> -> memref<2048xi32, #tpu.memory_space<hbm>>
      tpu.enqueue_dma source(%dma_start3A_23 : memref<2048xi32, #tpu.memory_space<hbm>>) target(%arg11 : memref<2048xi32, #tpu.memory_space<vmem>>) target_semaphore(%run_scoped3A : memref<!tpu.dma_semaphore, #tpu.memory_space<semaphore_mem>>)
      %dma_wait3A = tpu.memref_slice %arg4[%mul3A_2] : memref<65536xi32, #tpu.memory_space<hbm>> -> memref<2048xi32, #tpu.memory_space<hbm>>
      %dma_wait3A_24 = tpu.memref_slice %arg4[%mul3A_2] : memref<65536xi32, #tpu.memory_space<hbm>> -> memref<2048xi32, #tpu.memory_space<hbm>>
      tpu.wait_dma2 semaphore(%run_scoped3A : memref<!tpu.dma_semaphore, #tpu.memory_space<semaphore_mem>>) src(%dma_wait3A_24 : memref<2048xi32, #tpu.memory_space<hbm>>) dst(%arg11 : memref<2048xi32, #tpu.memory_space<vmem>>)
      tpu.yield
    }) : () -> ()
    %dma_start3A = arith.constant 0 : i32
    %dma_start3A_3 = tpu.memref_slice %arg9[%dma_start3A] : memref<2048xi32, #tpu.memory_space<vmem>> -> memref<128xi32, #tpu.memory_space<vmem>>
    %dma_start3A_4 = arith.constant 0 : i32
    %dma_start3A_5 = arith.constant 0 : i32
    %dma_start3A_6 = tpu.memref_slice %arg5[%dma_start3A_4, %dma_start3A_5] : memref<4096x64xf32, #tpu.memory_space<hbm>> -> memref<4096x64xf32, #tpu.memory_space<hbm>>
    tpu.enqueue_indirect_dma source(%dma_start3A_6 : memref<4096x64xf32, #tpu.memory_space<hbm>>) target(%arg14 : memref<128x64xf32, #tpu.memory_space<vmem>>) offsets(%dma_start3A_3 : memref<128xi32, #tpu.memory_space<vmem>>) semaphore(%arg22 : memref<!tpu.dma_semaphore, #tpu.memory_space<semaphore_mem>>)
    %dma_start3A_7 = arith.constant 0 : i32
    %dma_start3A_8 = tpu.memref_slice %arg10[%dma_start3A_7] : memref<2048xi32, #tpu.memory_space<vmem>> -> memref<128xi32, #tpu.memory_space<vmem>>
    %dma_start3A_9 = arith.constant 0 : i32
    %dma_start3A_10 = arith.constant 0 : i32
    %dma_start3A_11 = tpu.memref_slice %arg6[%dma_start3A_9, %dma_start3A_10] : memref<100000x64xf32, #tpu.memory_space<hbm>> -> memref<100000x64xf32, #tpu.memory_space<hbm>>
    tpu.enqueue_indirect_dma source(%dma_start3A_11 : memref<100000x64xf32, #tpu.memory_space<hbm>>) target(%arg16 : memref<128x64xf32, #tpu.memory_space<vmem>>) offsets(%dma_start3A_8 : memref<128xi32, #tpu.memory_space<vmem>>) semaphore(%arg24 : memref<!tpu.dma_semaphore, #tpu.memory_space<semaphore_mem>>)
    %dma_start3A_12 = arith.constant 0 : i32
    %dma_start3A_13 = tpu.memref_slice %arg11[%dma_start3A_12] : memref<2048xi32, #tpu.memory_space<vmem>> -> memref<128xi32, #tpu.memory_space<vmem>>
    %dma_start3A_14 = arith.constant 0 : i32
    %dma_start3A_15 = arith.constant 0 : i32
    %dma_start3A_16 = tpu.memref_slice %arg6[%dma_start3A_14, %dma_start3A_15] : memref<100000x64xf32, #tpu.memory_space<hbm>> -> memref<100000x64xf32, #tpu.memory_space<hbm>>
    tpu.enqueue_indirect_dma source(%dma_start3A_16 : memref<100000x64xf32, #tpu.memory_space<hbm>>) target(%arg18 : memref<128x64xf32, #tpu.memory_space<vmem>>) offsets(%dma_start3A_13 : memref<128xi32, #tpu.memory_space<vmem>>) semaphore(%arg26 : memref<!tpu.dma_semaphore, #tpu.memory_space<semaphore_mem>>)
    %scan3A = arith.constant 0 : i32
    %scan3A_17 = arith.constant 0 : i32
    %scan3A_18 = arith.constant 8 : i32
    %scan3A_19 = arith.addi %scan3A_17, %scan3A_18 : i32
    %scan3A_20 = arith.constant 1 : i32
    scf.for %scan3A_22 = %scan3A_17 to %scan3A_19 step %scan3A_20  : i32 {
      %mul3A_23 = arith.constant 2 : i32
      %mul3A_24 = arith.muli %mul3A_23, %scan3A_22 : i32
      %add3A_25 = arith.constant 0 : i32
      %add3A_26 = arith.addi %mul3A_24, %add3A_25 : i32
      %add3A_27 = arith.constant 1 : i32
      %add3A_28 = arith.addi %add3A_26, %add3A_27 : i32
      %lt3A = arith.constant 16 : i32
      %lt3A_29 = arith.cmpi slt, %add3A_28, %lt3A : i32
      %convert_element_type3A = arith.extui %lt3A_29 : i1 to i32
      %cond3A = arith.constant 0 : i32
      %cond3A_30 = arith.cmpi ne, %convert_element_type3A, %cond3A : i32
      scf.if %cond3A_30 {
        %add3A_89 = arith.constant 1 : i32
        %add3A_90 = arith.addi %add3A_26, %add3A_89 : i32
        %mul3A_91 = arith.constant 128 : i32
        %mul3A_92 = arith.muli %add3A_90, %mul3A_91 : i32
        %dma_start3A_93 = tpu.memref_slice %arg9[%mul3A_92] : memref<2048xi32, #tpu.memory_space<vmem>> -> memref<128xi32, #tpu.memory_space<vmem>>
        %dma_start3A_94 = arith.constant 0 : i32
        %dma_start3A_95 = arith.constant 0 : i32
        %dma_start3A_96 = tpu.memref_slice %arg5[%dma_start3A_94, %dma_start3A_95] : memref<4096x64xf32, #tpu.memory_space<hbm>> -> memref<4096x64xf32, #tpu.memory_space<hbm>>
        tpu.enqueue_indirect_dma source(%dma_start3A_96 : memref<4096x64xf32, #tpu.memory_space<hbm>>) target(%arg15 : memref<128x64xf32, #tpu.memory_space<vmem>>) offsets(%dma_start3A_93 : memref<128xi32, #tpu.memory_space<vmem>>) semaphore(%arg23 : memref<!tpu.dma_semaphore, #tpu.memory_space<semaphore_mem>>)
        %mul3A_97 = arith.constant 128 : i32
        %mul3A_98 = arith.muli %add3A_90, %mul3A_97 : i32
        %dma_start3A_99 = tpu.memref_slice %arg10[%mul3A_98] : memref<2048xi32, #tpu.memory_space<vmem>> -> memref<128xi32, #tpu.memory_space<vmem>>
        %dma_start3A_100 = arith.constant 0 : i32
        %dma_start3A_101 = arith.constant 0 : i32
        %dma_start3A_102 = tpu.memref_slice %arg6[%dma_start3A_100, %dma_start3A_101] : memref<100000x64xf32, #tpu.memory_space<hbm>> -> memref<100000x64xf32, #tpu.memory_space<hbm>>
        tpu.enqueue_indirect_dma source(%dma_start3A_102 : memref<100000x64xf32, #tpu.memory_space<hbm>>) target(%arg17 : memref<128x64xf32, #tpu.memory_space<vmem>>) offsets(%dma_start3A_99 : memref<128xi32, #tpu.memory_space<vmem>>) semaphore(%arg25 : memref<!tpu.dma_semaphore, #tpu.memory_space<semaphore_mem>>)
        %mul3A_103 = arith.constant 128 : i32
        %mul3A_104 = arith.muli %add3A_90, %mul3A_103 : i32
        %dma_start3A_105 = tpu.memref_slice %arg11[%mul3A_104] : memref<2048xi32, #tpu.memory_space<vmem>> -> memref<128xi32, #tpu.memory_space<vmem>>
        %dma_start3A_106 = arith.constant 0 : i32
        %dma_start3A_107 = arith.constant 0 : i32
        %dma_start3A_108 = tpu.memref_slice %arg6[%dma_start3A_106, %dma_start3A_107] : memref<100000x64xf32, #tpu.memory_space<hbm>> -> memref<100000x64xf32, #tpu.memory_space<hbm>>
        tpu.enqueue_indirect_dma source(%dma_start3A_108 : memref<100000x64xf32, #tpu.memory_space<hbm>>) target(%arg19 : memref<128x64xf32, #tpu.memory_space<vmem>>) offsets(%dma_start3A_105 : memref<128xi32, #tpu.memory_space<vmem>>) semaphore(%arg27 : memref<!tpu.dma_semaphore, #tpu.memory_space<semaphore_mem>>)
      } else {
      }
      %mul3A_31 = arith.constant 128 : i32
      %mul3A_32 = arith.muli %add3A_26, %mul3A_31 : i32
      %dma_wait3A = tpu.memref_slice %arg9[%mul3A_32] : memref<2048xi32, #tpu.memory_space<vmem>> -> memref<128xi32, #tpu.memory_space<vmem>>
      %dma_wait3A_33 = arith.constant 0 : i32
      %dma_wait3A_34 = arith.constant 0 : i32
      %dma_wait3A_35 = tpu.memref_slice %arg5[%dma_wait3A_33, %dma_wait3A_34] : memref<4096x64xf32, #tpu.memory_space<hbm>> -> memref<4096x64xf32, #tpu.memory_space<hbm>>
      tpu.wait_indirect_dma semaphore(%arg22 : memref<!tpu.dma_semaphore, #tpu.memory_space<semaphore_mem>>) src(%dma_wait3A_35 : memref<4096x64xf32, #tpu.memory_space<hbm>>) dst(%arg14 : memref<128x64xf32, #tpu.memory_space<vmem>>)
      %mul3A_36 = arith.constant 128 : i32
      %mul3A_37 = arith.muli %add3A_26, %mul3A_36 : i32
      %dma_wait3A_38 = tpu.memref_slice %arg10[%mul3A_37] : memref<2048xi32, #tpu.memory_space<vmem>> -> memref<128xi32, #tpu.memory_space<vmem>>
      %dma_wait3A_39 = arith.constant 0 : i32
      %dma_wait3A_40 = arith.constant 0 : i32
      %dma_wait3A_41 = tpu.memref_slice %arg6[%dma_wait3A_39, %dma_wait3A_40] : memref<100000x64xf32, #tpu.memory_space<hbm>> -> memref<100000x64xf32, #tpu.memory_space<hbm>>
      tpu.wait_indirect_dma semaphore(%arg24 : memref<!tpu.dma_semaphore, #tpu.memory_space<semaphore_mem>>) src(%dma_wait3A_41 : memref<100000x64xf32, #tpu.memory_space<hbm>>) dst(%arg16 : memref<128x64xf32, #tpu.memory_space<vmem>>)
      %mul3A_42 = arith.constant 128 : i32
      %mul3A_43 = arith.muli %add3A_26, %mul3A_42 : i32
      %dma_wait3A_44 = tpu.memref_slice %arg11[%mul3A_43] : memref<2048xi32, #tpu.memory_space<vmem>> -> memref<128xi32, #tpu.memory_space<vmem>>
      %dma_wait3A_45 = arith.constant 0 : i32
      %dma_wait3A_46 = arith.constant 0 : i32
      %dma_wait3A_47 = tpu.memref_slice %arg6[%dma_wait3A_45, %dma_wait3A_46] : memref<100000x64xf32, #tpu.memory_space<hbm>> -> memref<100000x64xf32, #tpu.memory_space<hbm>>
      tpu.wait_indirect_dma semaphore(%arg26 : memref<!tpu.dma_semaphore, #tpu.memory_space<semaphore_mem>>) src(%dma_wait3A_47 : memref<100000x64xf32, #tpu.memory_space<hbm>>) dst(%arg18 : memref<128x64xf32, #tpu.memory_space<vmem>>)
      %scan3A_48 = arith.constant 0 : i32
      %scan3A_49 = arith.constant 0 : i32
      %scan3A_50 = arith.constant 8 : i32
      %scan3A_51 = arith.addi %scan3A_49, %scan3A_50 : i32
      %scan3A_52 = arith.constant 1 : i32
      scf.for %scan3A_89 = %scan3A_49 to %scan3A_51 step %scan3A_52  : i32 {
        %scan3A_90 = arith.constant 0 : i32
        %scan3A_91 = arith.constant 0 : i32
        %scan3A_92 = arith.constant 16 : i32
        %scan3A_93 = arith.addi %scan3A_91, %scan3A_92 : i32
        %scan3A_94 = arith.constant 1 : i32
        scf.for %scan3A_207 = %scan3A_91 to %scan3A_93 step %scan3A_94  : i32 {
          %mul3A_208 = arith.constant 16 : i32
          %mul3A_209 = arith.muli %scan3A_89, %mul3A_208 : i32
          %add3A_210 = arith.addi %mul3A_209, %scan3A_207 : i32
          %broadcast_in_dim3A_211 = arith.constant 0.000000e+00 : f32
          %broadcast_in_dim3A_212 = vector.broadcast %broadcast_in_dim3A_211 : f32 to vector<16xf32>
          %broadcast_in_dim3A_213 = arith.constant 0.000000e+00 : f32
          %broadcast_in_dim3A_214 = vector.broadcast %broadcast_in_dim3A_213 : f32 to vector<16xf32>
          %get3A = arith.index_cast %add3A_210 : i32 to index
          %get3A_215 = arith.constant 0 : index
          %get3A_216 = tpu.vector_load %arg14[%get3A, %get3A_215] {strides = array<i32>} : memref<128x64xf32, #tpu.memory_space<vmem>>, vector<16xf32>,
          %get3A_217 = arith.index_cast %add3A_210 : i32 to index
          %get3A_218 = arith.constant 0 : index
          %get3A_219 = tpu.vector_load %arg16[%get3A_217, %get3A_218] {strides = array<i32>} : memref<128x64xf32, #tpu.memory_space<vmem>>, vector<16xf32>,
          %mul3A_220 = arith.mulf %get3A_216, %get3A_219 : vector<16xf32>
          %add3A_221 = arith.addf %broadcast_in_dim3A_212, %mul3A_220 : vector<16xf32>
          %get3A_222 = arith.index_cast %add3A_210 : i32 to index
          %get3A_223 = arith.constant 0 : index
          %get3A_224 = tpu.vector_load %arg18[%get3A_222, %get3A_223] {strides = array<i32>} : memref<128x64xf32, #tpu.memory_space<vmem>>, vector<16xf32>,
          %mul3A_225 = arith.mulf %get3A_216, %get3A_224 : vector<16xf32>
          %add3A_226 = arith.addf %broadcast_in_dim3A_214, %mul3A_225 : vector<16xf32>
          %get3A_227 = arith.index_cast %add3A_210 : i32 to index
          %get3A_228 = arith.constant 16 : index
          %get3A_229 = tpu.vector_load %arg14[%get3A_227, %get3A_228] {strides = array<i32>} : memref<128x64xf32, #tpu.memory_space<vmem>>, vector<16xf32>,
          %get3A_230 = arith.index_cast %add3A_210 : i32 to index
          %get3A_231 = arith.constant 16 : index
          %get3A_232 = tpu.vector_load %arg16[%get3A_230, %get3A_231] {strides = array<i32>} : memref<128x64xf32, #tpu.memory_space<vmem>>, vector<16xf32>,
          %mul3A_233 = arith.mulf %get3A_229, %get3A_232 : vector<16xf32>
          %add3A_234 = arith.addf %add3A_221, %mul3A_233 : vector<16xf32>
          %get3A_235 = arith.index_cast %add3A_210 : i32 to index
          %get3A_236 = arith.constant 16 : index
          %get3A_237 = tpu.vector_load %arg18[%get3A_235, %get3A_236] {strides = array<i32>} : memref<128x64xf32, #tpu.memory_space<vmem>>, vector<16xf32>,
          %mul3A_238 = arith.mulf %get3A_229, %get3A_237 : vector<16xf32>
          %add3A_239 = arith.addf %add3A_226, %mul3A_238 : vector<16xf32>
          %get3A_240 = arith.index_cast %add3A_210 : i32 to index
          %get3A_241 = arith.constant 32 : index
          %get3A_242 = tpu.vector_load %arg14[%get3A_240, %get3A_241] {strides = array<i32>} : memref<128x64xf32, #tpu.memory_space<vmem>>, vector<16xf32>,
          %get3A_243 = arith.index_cast %add3A_210 : i32 to index
          %get3A_244 = arith.constant 32 : index
          %get3A_245 = tpu.vector_load %arg16[%get3A_243, %get3A_244] {strides = array<i32>} : memref<128x64xf32, #tpu.memory_space<vmem>>, vector<16xf32>,
          %mul3A_246 = arith.mulf %get3A_242, %get3A_245 : vector<16xf32>
          %add3A_247 = arith.addf %add3A_234, %mul3A_246 : vector<16xf32>
          %get3A_248 = arith.index_cast %add3A_210 : i32 to index
          %get3A_249 = arith.constant 32 : index
          %get3A_250 = tpu.vector_load %arg18[%get3A_248, %get3A_249] {strides = array<i32>} : memref<128x64xf32, #tpu.memory_space<vmem>>, vector<16xf32>,
          %mul3A_251 = arith.mulf %get3A_242, %get3A_250 : vector<16xf32>
          %add3A_252 = arith.addf %add3A_239, %mul3A_251 : vector<16xf32>
          %get3A_253 = arith.index_cast %add3A_210 : i32 to index
          %get3A_254 = arith.constant 48 : index
          %get3A_255 = tpu.vector_load %arg14[%get3A_253, %get3A_254] {strides = array<i32>} : memref<128x64xf32, #tpu.memory_space<vmem>>, vector<16xf32>,
          %get3A_256 = arith.index_cast %add3A_210 : i32 to index
          %get3A_257 = arith.constant 48 : index
          %get3A_258 = tpu.vector_load %arg16[%get3A_256, %get3A_257] {strides = array<i32>} : memref<128x64xf32, #tpu.memory_space<vmem>>, vector<16xf32>,
          %mul3A_259 = arith.mulf %get3A_255, %get3A_258 : vector<16xf32>
          %add3A_260 = arith.addf %add3A_247, %mul3A_259 : vector<16xf32>
          %get3A_261 = arith.index_cast %add3A_210 : i32 to index
          %get3A_262 = arith.constant 48 : index
          %get3A_263 = tpu.vector_load %arg18[%get3A_261, %get3A_262] {strides = array<i32>} : memref<128x64xf32, #tpu.memory_space<vmem>>, vector<16xf32>,
          %mul3A_264 = arith.mulf %get3A_255, %get3A_263 : vector<16xf32>
          %add3A_265 = arith.addf %add3A_252, %mul3A_264 : vector<16xf32>
          %swap3A_266 = arith.index_cast %scan3A_207 : i32 to index
          %swap3A_267 = arith.constant 0 : index
          %swap3A_268 = tpu.vector_load %arg20[%swap3A_266, %swap3A_267] {strides = array<i32>} : memref<16x17xf32, #tpu.memory_space<vmem>>, vector<16xf32>,
          tpu.vector_store %arg20[%swap3A_266, %swap3A_267], %add3A_260 {strides = array<i32>} : memref<16x17xf32, #tpu.memory_space<vmem>>, vector<16xf32>,
          %swap3A_269 = arith.index_cast %scan3A_207 : i32 to index
          %swap3A_270 = arith.constant 0 : index
          %swap3A_271 = tpu.vector_load %arg21[%swap3A_269, %swap3A_270] {strides = array<i32>} : memref<16x17xf32, #tpu.memory_space<vmem>>, vector<16xf32>,
          tpu.vector_store %arg21[%swap3A_269, %swap3A_270], %add3A_265 {strides = array<i32>} : memref<16x17xf32, #tpu.memory_space<vmem>>, vector<16xf32>,
        }
        %scan3A_95 = arith.constant 16 : i32
        %iota3A = tpu.iota {dimensions = array<i32: 0>} : vector<16xi32>
        %broadcast_in_dim3A = arith.constant 0.000000e+00 : f32
        %broadcast_in_dim3A_96 = vector.broadcast %broadcast_in_dim3A : f32 to vector<16xf32>
        %broadcast_in_dim3A_97 = arith.constant 0.000000e+00 : f32
        %broadcast_in_dim3A_98 = vector.broadcast %broadcast_in_dim3A_97 : f32 to vector<16xf32>
        %broadcast_in_dim3A_99 = arith.constant 0 : i32
        %broadcast_in_dim3A_100 = vector.broadcast %broadcast_in_dim3A_99 : i32 to vector<16xi32>
        %gather3A = tpu.vector_load_idx %arg20[%iota3A, %broadcast_in_dim3A_100] : memref<16x17xf32, #tpu.memory_space<vmem>>[vector<16xi32>, vector<16xi32>], vector<16xf32>,
        %add3A_101 = arith.addf %broadcast_in_dim3A_96, %gather3A : vector<16xf32>
        %gather3A_102 = tpu.vector_load_idx %arg21[%iota3A, %broadcast_in_dim3A_100] : memref<16x17xf32, #tpu.memory_space<vmem>>[vector<16xi32>, vector<16xi32>], vector<16xf32>,
        %add3A_103 = arith.addf %broadcast_in_dim3A_98, %gather3A_102 : vector<16xf32>
        %broadcast_in_dim3A_104 = arith.constant 1 : i32
        %broadcast_in_dim3A_105 = vector.broadcast %broadcast_in_dim3A_104 : i32 to vector<16xi32>
        %gather3A_106 = tpu.vector_load_idx %arg20[%iota3A, %broadcast_in_dim3A_105] : memref<16x17xf32, #tpu.memory_space<vmem>>[vector<16xi32>, vector<16xi32>], vector<16xf32>,
        %add3A_107 = arith.addf %add3A_101, %gather3A_106 : vector<16xf32>
        %gather3A_108 = tpu.vector_load_idx %arg21[%iota3A, %broadcast_in_dim3A_105] : memref<16x17xf32, #tpu.memory_space<vmem>>[vector<16xi32>, vector<16xi32>], vector<16xf32>,
        %add3A_109 = arith.addf %add3A_103, %gather3A_108 : vector<16xf32>
        %broadcast_in_dim3A_110 = arith.constant 2 : i32
        %broadcast_in_dim3A_111 = vector.broadcast %broadcast_in_dim3A_110 : i32 to vector<16xi32>
        %gather3A_112 = tpu.vector_load_idx %arg20[%iota3A, %broadcast_in_dim3A_111] : memref<16x17xf32, #tpu.memory_space<vmem>>[vector<16xi32>, vector<16xi32>], vector<16xf32>,
        %add3A_113 = arith.addf %add3A_107, %gather3A_112 : vector<16xf32>
        %gather3A_114 = tpu.vector_load_idx %arg21[%iota3A, %broadcast_in_dim3A_111] : memref<16x17xf32, #tpu.memory_space<vmem>>[vector<16xi32>, vector<16xi32>], vector<16xf32>,
        %add3A_115 = arith.addf %add3A_109, %gather3A_114 : vector<16xf32>
        %broadcast_in_dim3A_116 = arith.constant 3 : i32
        %broadcast_in_dim3A_117 = vector.broadcast %broadcast_in_dim3A_116 : i32 to vector<16xi32>
        %gather3A_118 = tpu.vector_load_idx %arg20[%iota3A, %broadcast_in_dim3A_117] : memref<16x17xf32, #tpu.memory_space<vmem>>[vector<16xi32>, vector<16xi32>], vector<16xf32>,
        %add3A_119 = arith.addf %add3A_113, %gather3A_118 : vector<16xf32>
        %gather3A_120 = tpu.vector_load_idx %arg21[%iota3A, %broadcast_in_dim3A_117] : memref<16x17xf32, #tpu.memory_space<vmem>>[vector<16xi32>, vector<16xi32>], vector<16xf32>,
        %add3A_121 = arith.addf %add3A_115, %gather3A_120 : vector<16xf32>
        %broadcast_in_dim3A_122 = arith.constant 4 : i32
        %broadcast_in_dim3A_123 = vector.broadcast %broadcast_in_dim3A_122 : i32 to vector<16xi32>
        %gather3A_124 = tpu.vector_load_idx %arg20[%iota3A, %broadcast_in_dim3A_123] : memref<16x17xf32, #tpu.memory_space<vmem>>[vector<16xi32>, vector<16xi32>], vector<16xf32>,
        %add3A_125 = arith.addf %add3A_119, %gather3A_124 : vector<16xf32>
        %gather3A_126 = tpu.vector_load_idx %arg21[%iota3A, %broadcast_in_dim3A_123] : memref<16x17xf32, #tpu.memory_space<vmem>>[vector<16xi32>, vector<16xi32>], vector<16xf32>,
        %add3A_127 = arith.addf %add3A_121, %gather3A_126 : vector<16xf32>
        %broadcast_in_dim3A_128 = arith.constant 5 : i32
        %broadcast_in_dim3A_129 = vector.broadcast %broadcast_in_dim3A_128 : i32 to vector<16xi32>
        %gather3A_130 = tpu.vector_load_idx %arg20[%iota3A, %broadcast_in_dim3A_129] : memref<16x17xf32, #tpu.memory_space<vmem>>[vector<16xi32>, vector<16xi32>], vector<16xf32>,
        %add3A_131 = arith.addf %add3A_125, %gather3A_130 : vector<16xf32>
        %gather3A_132 = tpu.vector_load_idx %arg21[%iota3A, %broadcast_in_dim3A_129] : memref<16x17xf32, #tpu.memory_space<vmem>>[vector<16xi32>, vector<16xi32>], vector<16xf32>,
        %add3A_133 = arith.addf %add3A_127, %gather3A_132 : vector<16xf32>
        %broadcast_in_dim3A_134 = arith.constant 6 : i32
        %broadcast_in_dim3A_135 = vector.broadcast %broadcast_in_dim3A_134 : i32 to vector<16xi32>
        %gather3A_136 = tpu.vector_load_idx %arg20[%iota3A, %broadcast_in_dim3A_135] : memref<16x17xf32, #tpu.memory_space<vmem>>[vector<16xi32>, vector<16xi32>], vector<16xf32>,
        %add3A_137 = arith.addf %add3A_131, %gather3A_136 : vector<16xf32>
        %gather3A_138 = tpu.vector_load_idx %arg21[%iota3A, %broadcast_in_dim3A_135] : memref<16x17xf32, #tpu.memory_space<vmem>>[vector<16xi32>, vector<16xi32>], vector<16xf32>,
        %add3A_139 = arith.addf %add3A_133, %gather3A_138 : vector<16xf32>
        %broadcast_in_dim3A_140 = arith.constant 7 : i32
        %broadcast_in_dim3A_141 = vector.broadcast %broadcast_in_dim3A_140 : i32 to vector<16xi32>
        %gather3A_142 = tpu.vector_load_idx %arg20[%iota3A, %broadcast_in_dim3A_141] : memref<16x17xf32, #tpu.memory_space<vmem>>[vector<16xi32>, vector<16xi32>], vector<16xf32>,
        %add3A_143 = arith.addf %add3A_137, %gather3A_142 : vector<16xf32>
        %gather3A_144 = tpu.vector_load_idx %arg21[%iota3A, %broadcast_in_dim3A_141] : memref<16x17xf32, #tpu.memory_space<vmem>>[vector<16xi32>, vector<16xi32>], vector<16xf32>,
        %add3A_145 = arith.addf %add3A_139, %gather3A_144 : vector<16xf32>
        %broadcast_in_dim3A_146 = arith.constant 8 : i32
        %broadcast_in_dim3A_147 = vector.broadcast %broadcast_in_dim3A_146 : i32 to vector<16xi32>
        %gather3A_148 = tpu.vector_load_idx %arg20[%iota3A, %broadcast_in_dim3A_147] : memref<16x17xf32, #tpu.memory_space<vmem>>[vector<16xi32>, vector<16xi32>], vector<16xf32>,
        %add3A_149 = arith.addf %add3A_143, %gather3A_148 : vector<16xf32>
        %gather3A_150 = tpu.vector_load_idx %arg21[%iota3A, %broadcast_in_dim3A_147] : memref<16x17xf32, #tpu.memory_space<vmem>>[vector<16xi32>, vector<16xi32>], vector<16xf32>,
        %add3A_151 = arith.addf %add3A_145, %gather3A_150 : vector<16xf32>
        %broadcast_in_dim3A_152 = arith.constant 9 : i32
        %broadcast_in_dim3A_153 = vector.broadcast %broadcast_in_dim3A_152 : i32 to vector<16xi32>
        %gather3A_154 = tpu.vector_load_idx %arg20[%iota3A, %broadcast_in_dim3A_153] : memref<16x17xf32, #tpu.memory_space<vmem>>[vector<16xi32>, vector<16xi32>], vector<16xf32>,
        %add3A_155 = arith.addf %add3A_149, %gather3A_154 : vector<16xf32>
        %gather3A_156 = tpu.vector_load_idx %arg21[%iota3A, %broadcast_in_dim3A_153] : memref<16x17xf32, #tpu.memory_space<vmem>>[vector<16xi32>, vector<16xi32>], vector<16xf32>,
        %add3A_157 = arith.addf %add3A_151, %gather3A_156 : vector<16xf32>
        %broadcast_in_dim3A_158 = arith.constant 10 : i32
        %broadcast_in_dim3A_159 = vector.broadcast %broadcast_in_dim3A_158 : i32 to vector<16xi32>
        %gather3A_160 = tpu.vector_load_idx %arg20[%iota3A, %broadcast_in_dim3A_159] : memref<16x17xf32, #tpu.memory_space<vmem>>[vector<16xi32>, vector<16xi32>], vector<16xf32>,
        %add3A_161 = arith.addf %add3A_155, %gather3A_160 : vector<16xf32>
        %gather3A_162 = tpu.vector_load_idx %arg21[%iota3A, %broadcast_in_dim3A_159] : memref<16x17xf32, #tpu.memory_space<vmem>>[vector<16xi32>, vector<16xi32>], vector<16xf32>,
        %add3A_163 = arith.addf %add3A_157, %gather3A_162 : vector<16xf32>
        %broadcast_in_dim3A_164 = arith.constant 11 : i32
        %broadcast_in_dim3A_165 = vector.broadcast %broadcast_in_dim3A_164 : i32 to vector<16xi32>
        %gather3A_166 = tpu.vector_load_idx %arg20[%iota3A, %broadcast_in_dim3A_165] : memref<16x17xf32, #tpu.memory_space<vmem>>[vector<16xi32>, vector<16xi32>], vector<16xf32>,
        %add3A_167 = arith.addf %add3A_161, %gather3A_166 : vector<16xf32>
        %gather3A_168 = tpu.vector_load_idx %arg21[%iota3A, %broadcast_in_dim3A_165] : memref<16x17xf32, #tpu.memory_space<vmem>>[vector<16xi32>, vector<16xi32>], vector<16xf32>,
        %add3A_169 = arith.addf %add3A_163, %gather3A_168 : vector<16xf32>
        %broadcast_in_dim3A_170 = arith.constant 12 : i32
        %broadcast_in_dim3A_171 = vector.broadcast %broadcast_in_dim3A_170 : i32 to vector<16xi32>
        %gather3A_172 = tpu.vector_load_idx %arg20[%iota3A, %broadcast_in_dim3A_171] : memref<16x17xf32, #tpu.memory_space<vmem>>[vector<16xi32>, vector<16xi32>], vector<16xf32>,
        %add3A_173 = arith.addf %add3A_167, %gather3A_172 : vector<16xf32>
        %gather3A_174 = tpu.vector_load_idx %arg21[%iota3A, %broadcast_in_dim3A_171] : memref<16x17xf32, #tpu.memory_space<vmem>>[vector<16xi32>, vector<16xi32>], vector<16xf32>,
        %add3A_175 = arith.addf %add3A_169, %gather3A_174 : vector<16xf32>
        %broadcast_in_dim3A_176 = arith.constant 13 : i32
        %broadcast_in_dim3A_177 = vector.broadcast %broadcast_in_dim3A_176 : i32 to vector<16xi32>
        %gather3A_178 = tpu.vector_load_idx %arg20[%iota3A, %broadcast_in_dim3A_177] : memref<16x17xf32, #tpu.memory_space<vmem>>[vector<16xi32>, vector<16xi32>], vector<16xf32>,
        %add3A_179 = arith.addf %add3A_173, %gather3A_178 : vector<16xf32>
        %gather3A_180 = tpu.vector_load_idx %arg21[%iota3A, %broadcast_in_dim3A_177] : memref<16x17xf32, #tpu.memory_space<vmem>>[vector<16xi32>, vector<16xi32>], vector<16xf32>,
        %add3A_181 = arith.addf %add3A_175, %gather3A_180 : vector<16xf32>
        %broadcast_in_dim3A_182 = arith.constant 14 : i32
        %broadcast_in_dim3A_183 = vector.broadcast %broadcast_in_dim3A_182 : i32 to vector<16xi32>
        %gather3A_184 = tpu.vector_load_idx %arg20[%iota3A, %broadcast_in_dim3A_183] : memref<16x17xf32, #tpu.memory_space<vmem>>[vector<16xi32>, vector<16xi32>], vector<16xf32>,
        %add3A_185 = arith.addf %add3A_179, %gather3A_184 : vector<16xf32>
        %gather3A_186 = tpu.vector_load_idx %arg21[%iota3A, %broadcast_in_dim3A_183] : memref<16x17xf32, #tpu.memory_space<vmem>>[vector<16xi32>, vector<16xi32>], vector<16xf32>,
        %add3A_187 = arith.addf %add3A_181, %gather3A_186 : vector<16xf32>
        %broadcast_in_dim3A_188 = arith.constant 15 : i32
        %broadcast_in_dim3A_189 = vector.broadcast %broadcast_in_dim3A_188 : i32 to vector<16xi32>
        %gather3A_190 = tpu.vector_load_idx %arg20[%iota3A, %broadcast_in_dim3A_189] : memref<16x17xf32, #tpu.memory_space<vmem>>[vector<16xi32>, vector<16xi32>], vector<16xf32>,
        %add3A_191 = arith.addf %add3A_185, %gather3A_190 : vector<16xf32>
        %gather3A_192 = tpu.vector_load_idx %arg21[%iota3A, %broadcast_in_dim3A_189] : memref<16x17xf32, #tpu.memory_space<vmem>>[vector<16xi32>, vector<16xi32>], vector<16xf32>,
        %add3A_193 = arith.addf %add3A_187, %gather3A_192 : vector<16xf32>
        %mul3A_194 = arith.constant 128 : i32
        %mul3A_195 = arith.muli %add3A_26, %mul3A_194 : i32
        %mul3A_196 = arith.constant 16 : i32
        %mul3A_197 = arith.muli %scan3A_89, %mul3A_196 : i32
        %add3A_198 = arith.addi %mul3A_195, %mul3A_197 : i32
        %swap3A = arith.index_cast %add3A_198 : i32 to index
        %swap3A_199 = tpu.vector_load %arg12[%swap3A] {strides = array<i32>} : memref<2048xf32, #tpu.memory_space<vmem>>, vector<16xf32>,
        tpu.vector_store %arg12[%swap3A], %add3A_191 {strides = array<i32>} : memref<2048xf32, #tpu.memory_space<vmem>>, vector<16xf32>,
        %mul3A_200 = arith.constant 128 : i32
        %mul3A_201 = arith.muli %add3A_26, %mul3A_200 : i32
        %mul3A_202 = arith.constant 16 : i32
        %mul3A_203 = arith.muli %scan3A_89, %mul3A_202 : i32
        %add3A_204 = arith.addi %mul3A_201, %mul3A_203 : i32
        %swap3A_205 = arith.index_cast %add3A_204 : i32 to index
        %swap3A_206 = tpu.vector_load %arg13[%swap3A_205] {strides = array<i32>} : memref<2048xf32, #tpu.memory_space<vmem>>, vector<16xf32>,
        tpu.vector_store %arg13[%swap3A_205], %add3A_193 {strides = array<i32>} : memref<2048xf32, #tpu.memory_space<vmem>>, vector<16xf32>,
      }
      %scan3A_53 = arith.constant 8 : i32
      %mul3A_54 = arith.constant 2 : i32
      %mul3A_55 = arith.muli %mul3A_54, %scan3A_22 : i32
      %add3A_56 = arith.constant 1 : i32
      %add3A_57 = arith.addi %mul3A_55, %add3A_56 : i32
      %add3A_58 = arith.constant 1 : i32
      %add3A_59 = arith.addi %add3A_57, %add3A_58 : i32
      %lt3A_60 = arith.constant 16 : i32
      %lt3A_61 = arith.cmpi slt, %add3A_59, %lt3A_60 : i32
      %convert_element_type3A_62 = arith.extui %lt3A_61 : i1 to i32
      %cond3A_63 = arith.constant 0 : i32
      %cond3A_64 = arith.cmpi ne, %convert_element_type3A_62, %cond3A_63 : i32
      scf.if %cond3A_64 {
        %add3A_89 = arith.constant 1 : i32
        %add3A_90 = arith.addi %add3A_57, %add3A_89 : i32
        %mul3A_91 = arith.constant 128 : i32
        %mul3A_92 = arith.muli %add3A_90, %mul3A_91 : i32
        %dma_start3A_93 = tpu.memref_slice %arg9[%mul3A_92] : memref<2048xi32, #tpu.memory_space<vmem>> -> memref<128xi32, #tpu.memory_space<vmem>>
        %dma_start3A_94 = arith.constant 0 : i32
        %dma_start3A_95 = arith.constant 0 : i32
        %dma_start3A_96 = tpu.memref_slice %arg5[%dma_start3A_94, %dma_start3A_95] : memref<4096x64xf32, #tpu.memory_space<hbm>> -> memref<4096x64xf32, #tpu.memory_space<hbm>>
        tpu.enqueue_indirect_dma source(%dma_start3A_96 : memref<4096x64xf32, #tpu.memory_space<hbm>>) target(%arg14 : memref<128x64xf32, #tpu.memory_space<vmem>>) offsets(%dma_start3A_93 : memref<128xi32, #tpu.memory_space<vmem>>) semaphore(%arg22 : memref<!tpu.dma_semaphore, #tpu.memory_space<semaphore_mem>>)
        %mul3A_97 = arith.constant 128 : i32
        %mul3A_98 = arith.muli %add3A_90, %mul3A_97 : i32
        %dma_start3A_99 = tpu.memref_slice %arg10[%mul3A_98] : memref<2048xi32, #tpu.memory_space<vmem>> -> memref<128xi32, #tpu.memory_space<vmem>>
        %dma_start3A_100 = arith.constant 0 : i32
        %dma_start3A_101 = arith.constant 0 : i32
        %dma_start3A_102 = tpu.memref_slice %arg6[%dma_start3A_100, %dma_start3A_101] : memref<100000x64xf32, #tpu.memory_space<hbm>> -> memref<100000x64xf32, #tpu.memory_space<hbm>>
        tpu.enqueue_indirect_dma source(%dma_start3A_102 : memref<100000x64xf32, #tpu.memory_space<hbm>>) target(%arg16 : memref<128x64xf32, #tpu.memory_space<vmem>>) offsets(%dma_start3A_99 : memref<128xi32, #tpu.memory_space<vmem>>) semaphore(%arg24 : memref<!tpu.dma_semaphore, #tpu.memory_space<semaphore_mem>>)
        %mul3A_103 = arith.constant 128 : i32
        %mul3A_104 = arith.muli %add3A_90, %mul3A_103 : i32
        %dma_start3A_105 = tpu.memref_slice %arg11[%mul3A_104] : memref<2048xi32, #tpu.memory_space<vmem>> -> memref<128xi32, #tpu.memory_space<vmem>>
        %dma_start3A_106 = arith.constant 0 : i32
        %dma_start3A_107 = arith.constant 0 : i32
        %dma_start3A_108 = tpu.memref_slice %arg6[%dma_start3A_106, %dma_start3A_107] : memref<100000x64xf32, #tpu.memory_space<hbm>> -> memref<100000x64xf32, #tpu.memory_space<hbm>>
        tpu.enqueue_indirect_dma source(%dma_start3A_108 : memref<100000x64xf32, #tpu.memory_space<hbm>>) target(%arg18 : memref<128x64xf32, #tpu.memory_space<vmem>>) offsets(%dma_start3A_105 : memref<128xi32, #tpu.memory_space<vmem>>) semaphore(%arg26 : memref<!tpu.dma_semaphore, #tpu.memory_space<semaphore_mem>>)
      } else {
      }
      %mul3A_65 = arith.constant 128 : i32
      %mul3A_66 = arith.muli %add3A_57, %mul3A_65 : i32
      %dma_wait3A_67 = tpu.memref_slice %arg9[%mul3A_66] : memref<2048xi32, #tpu.memory_space<vmem>> -> memref<128xi32, #tpu.memory_space<vmem>>
      %dma_wait3A_68 = arith.constant 0 : i32
      %dma_wait3A_69 = arith.constant 0 : i32
      %dma_wait3A_70 = tpu.memref_slice %arg5[%dma_wait3A_68, %dma_wait3A_69] : memref<4096x64xf32, #tpu.memory_space<hbm>> -> memref<4096x64xf32, #tpu.memory_space<hbm>>
      tpu.wait_indirect_dma semaphore(%arg23 : memref<!tpu.dma_semaphore, #tpu.memory_space<semaphore_mem>>) src(%dma_wait3A_70 : memref<4096x64xf32, #tpu.memory_space<hbm>>) dst(%arg15 : memref<128x64xf32, #tpu.memory_space<vmem>>)
      %mul3A_71 = arith.constant 128 : i32
      %mul3A_72 = arith.muli %add3A_57, %mul3A_71 : i32
      %dma_wait3A_73 = tpu.memref_slice %arg10[%mul3A_72] : memref<2048xi32, #tpu.memory_space<vmem>> -> memref<128xi32, #tpu.memory_space<vmem>>
      %dma_wait3A_74 = arith.constant 0 : i32
      %dma_wait3A_75 = arith.constant 0 : i32
      %dma_wait3A_76 = tpu.memref_slice %arg6[%dma_wait3A_74, %dma_wait3A_75] : memref<100000x64xf32, #tpu.memory_space<hbm>> -> memref<100000x64xf32, #tpu.memory_space<hbm>>
      tpu.wait_indirect_dma semaphore(%arg25 : memref<!tpu.dma_semaphore, #tpu.memory_space<semaphore_mem>>) src(%dma_wait3A_76 : memref<100000x64xf32, #tpu.memory_space<hbm>>) dst(%arg17 : memref<128x64xf32, #tpu.memory_space<vmem>>)
      %mul3A_77 = arith.constant 128 : i32
      %mul3A_78 = arith.muli %add3A_57, %mul3A_77 : i32
      %dma_wait3A_79 = tpu.memref_slice %arg11[%mul3A_78] : memref<2048xi32, #tpu.memory_space<vmem>> -> memref<128xi32, #tpu.memory_space<vmem>>
      %dma_wait3A_80 = arith.constant 0 : i32
      %dma_wait3A_81 = arith.constant 0 : i32
      %dma_wait3A_82 = tpu.memref_slice %arg6[%dma_wait3A_80, %dma_wait3A_81] : memref<100000x64xf32, #tpu.memory_space<hbm>> -> memref<100000x64xf32, #tpu.memory_space<hbm>>
      tpu.wait_indirect_dma semaphore(%arg27 : memref<!tpu.dma_semaphore, #tpu.memory_space<semaphore_mem>>) src(%dma_wait3A_82 : memref<100000x64xf32, #tpu.memory_space<hbm>>) dst(%arg19 : memref<128x64xf32, #tpu.memory_space<vmem>>)
      %scan3A_83 = arith.constant 0 : i32
      %scan3A_84 = arith.constant 0 : i32
      %scan3A_85 = arith.constant 8 : i32
      %scan3A_86 = arith.addi %scan3A_84, %scan3A_85 : i32
      %scan3A_87 = arith.constant 1 : i32
      scf.for %scan3A_89 = %scan3A_84 to %scan3A_86 step %scan3A_87  : i32 {
        %scan3A_90 = arith.constant 0 : i32
        %scan3A_91 = arith.constant 0 : i32
        %scan3A_92 = arith.constant 16 : i32
        %scan3A_93 = arith.addi %scan3A_91, %scan3A_92 : i32
        %scan3A_94 = arith.constant 1 : i32
        scf.for %scan3A_207 = %scan3A_91 to %scan3A_93 step %scan3A_94  : i32 {
          %mul3A_208 = arith.constant 16 : i32
          %mul3A_209 = arith.muli %scan3A_89, %mul3A_208 : i32
          %add3A_210 = arith.addi %mul3A_209, %scan3A_207 : i32
          %broadcast_in_dim3A_211 = arith.constant 0.000000e+00 : f32
          %broadcast_in_dim3A_212 = vector.broadcast %broadcast_in_dim3A_211 : f32 to vector<16xf32>
          %broadcast_in_dim3A_213 = arith.constant 0.000000e+00 : f32
          %broadcast_in_dim3A_214 = vector.broadcast %broadcast_in_dim3A_213 : f32 to vector<16xf32>
          %get3A = arith.index_cast %add3A_210 : i32 to index
          %get3A_215 = arith.constant 0 : index
          %get3A_216 = tpu.vector_load %arg15[%get3A, %get3A_215] {strides = array<i32>} : memref<128x64xf32, #tpu.memory_space<vmem>>, vector<16xf32>,
          %get3A_217 = arith.index_cast %add3A_210 : i32 to index
          %get3A_218 = arith.constant 0 : index
          %get3A_219 = tpu.vector_load %arg17[%get3A_217, %get3A_218] {strides = array<i32>} : memref<128x64xf32, #tpu.memory_space<vmem>>, vector<16xf32>,
          %mul3A_220 = arith.mulf %get3A_216, %get3A_219 : vector<16xf32>
          %add3A_221 = arith.addf %broadcast_in_dim3A_212, %mul3A_220 : vector<16xf32>
          %get3A_222 = arith.index_cast %add3A_210 : i32 to index
          %get3A_223 = arith.constant 0 : index
          %get3A_224 = tpu.vector_load %arg19[%get3A_222, %get3A_223] {strides = array<i32>} : memref<128x64xf32, #tpu.memory_space<vmem>>, vector<16xf32>,
          %mul3A_225 = arith.mulf %get3A_216, %get3A_224 : vector<16xf32>
          %add3A_226 = arith.addf %broadcast_in_dim3A_214, %mul3A_225 : vector<16xf32>
          %get3A_227 = arith.index_cast %add3A_210 : i32 to index
          %get3A_228 = arith.constant 16 : index
          %get3A_229 = tpu.vector_load %arg15[%get3A_227, %get3A_228] {strides = array<i32>} : memref<128x64xf32, #tpu.memory_space<vmem>>, vector<16xf32>,
          %get3A_230 = arith.index_cast %add3A_210 : i32 to index
          %get3A_231 = arith.constant 16 : index
          %get3A_232 = tpu.vector_load %arg17[%get3A_230, %get3A_231] {strides = array<i32>} : memref<128x64xf32, #tpu.memory_space<vmem>>, vector<16xf32>,
          %mul3A_233 = arith.mulf %get3A_229, %get3A_232 : vector<16xf32>
          %add3A_234 = arith.addf %add3A_221, %mul3A_233 : vector<16xf32>
          %get3A_235 = arith.index_cast %add3A_210 : i32 to index
          %get3A_236 = arith.constant 16 : index
          %get3A_237 = tpu.vector_load %arg19[%get3A_235, %get3A_236] {strides = array<i32>} : memref<128x64xf32, #tpu.memory_space<vmem>>, vector<16xf32>,
          %mul3A_238 = arith.mulf %get3A_229, %get3A_237 : vector<16xf32>
          %add3A_239 = arith.addf %add3A_226, %mul3A_238 : vector<16xf32>
          %get3A_240 = arith.index_cast %add3A_210 : i32 to index
          %get3A_241 = arith.constant 32 : index
          %get3A_242 = tpu.vector_load %arg15[%get3A_240, %get3A_241] {strides = array<i32>} : memref<128x64xf32, #tpu.memory_space<vmem>>, vector<16xf32>,
          %get3A_243 = arith.index_cast %add3A_210 : i32 to index
          %get3A_244 = arith.constant 32 : index
          %get3A_245 = tpu.vector_load %arg17[%get3A_243, %get3A_244] {strides = array<i32>} : memref<128x64xf32, #tpu.memory_space<vmem>>, vector<16xf32>,
          %mul3A_246 = arith.mulf %get3A_242, %get3A_245 : vector<16xf32>
          %add3A_247 = arith.addf %add3A_234, %mul3A_246 : vector<16xf32>
          %get3A_248 = arith.index_cast %add3A_210 : i32 to index
          %get3A_249 = arith.constant 32 : index
          %get3A_250 = tpu.vector_load %arg19[%get3A_248, %get3A_249] {strides = array<i32>} : memref<128x64xf32, #tpu.memory_space<vmem>>, vector<16xf32>,
          %mul3A_251 = arith.mulf %get3A_242, %get3A_250 : vector<16xf32>
          %add3A_252 = arith.addf %add3A_239, %mul3A_251 : vector<16xf32>
          %get3A_253 = arith.index_cast %add3A_210 : i32 to index
          %get3A_254 = arith.constant 48 : index
          %get3A_255 = tpu.vector_load %arg15[%get3A_253, %get3A_254] {strides = array<i32>} : memref<128x64xf32, #tpu.memory_space<vmem>>, vector<16xf32>,
          %get3A_256 = arith.index_cast %add3A_210 : i32 to index
          %get3A_257 = arith.constant 48 : index
          %get3A_258 = tpu.vector_load %arg17[%get3A_256, %get3A_257] {strides = array<i32>} : memref<128x64xf32, #tpu.memory_space<vmem>>, vector<16xf32>,
          %mul3A_259 = arith.mulf %get3A_255, %get3A_258 : vector<16xf32>
          %add3A_260 = arith.addf %add3A_247, %mul3A_259 : vector<16xf32>
          %get3A_261 = arith.index_cast %add3A_210 : i32 to index
          %get3A_262 = arith.constant 48 : index
          %get3A_263 = tpu.vector_load %arg19[%get3A_261, %get3A_262] {strides = array<i32>} : memref<128x64xf32, #tpu.memory_space<vmem>>, vector<16xf32>,
          %mul3A_264 = arith.mulf %get3A_255, %get3A_263 : vector<16xf32>
          %add3A_265 = arith.addf %add3A_252, %mul3A_264 : vector<16xf32>
          %swap3A_266 = arith.index_cast %scan3A_207 : i32 to index
          %swap3A_267 = arith.constant 0 : index
          %swap3A_268 = tpu.vector_load %arg20[%swap3A_266, %swap3A_267] {strides = array<i32>} : memref<16x17xf32, #tpu.memory_space<vmem>>, vector<16xf32>,
          tpu.vector_store %arg20[%swap3A_266, %swap3A_267], %add3A_260 {strides = array<i32>} : memref<16x17xf32, #tpu.memory_space<vmem>>, vector<16xf32>,
          %swap3A_269 = arith.index_cast %scan3A_207 : i32 to index
          %swap3A_270 = arith.constant 0 : index
          %swap3A_271 = tpu.vector_load %arg21[%swap3A_269, %swap3A_270] {strides = array<i32>} : memref<16x17xf32, #tpu.memory_space<vmem>>, vector<16xf32>,
          tpu.vector_store %arg21[%swap3A_269, %swap3A_270], %add3A_265 {strides = array<i32>} : memref<16x17xf32, #tpu.memory_space<vmem>>, vector<16xf32>,
        }
        %scan3A_95 = arith.constant 16 : i32
        %iota3A = tpu.iota {dimensions = array<i32: 0>} : vector<16xi32>
        %broadcast_in_dim3A = arith.constant 0.000000e+00 : f32
        %broadcast_in_dim3A_96 = vector.broadcast %broadcast_in_dim3A : f32 to vector<16xf32>
        %broadcast_in_dim3A_97 = arith.constant 0.000000e+00 : f32
        %broadcast_in_dim3A_98 = vector.broadcast %broadcast_in_dim3A_97 : f32 to vector<16xf32>
        %broadcast_in_dim3A_99 = arith.constant 0 : i32
        %broadcast_in_dim3A_100 = vector.broadcast %broadcast_in_dim3A_99 : i32 to vector<16xi32>
        %gather3A = tpu.vector_load_idx %arg20[%iota3A, %broadcast_in_dim3A_100] : memref<16x17xf32, #tpu.memory_space<vmem>>[vector<16xi32>, vector<16xi32>], vector<16xf32>,
        %add3A_101 = arith.addf %broadcast_in_dim3A_96, %gather3A : vector<16xf32>
        %gather3A_102 = tpu.vector_load_idx %arg21[%iota3A, %broadcast_in_dim3A_100] : memref<16x17xf32, #tpu.memory_space<vmem>>[vector<16xi32>, vector<16xi32>], vector<16xf32>,
        %add3A_103 = arith.addf %broadcast_in_dim3A_98, %gather3A_102 : vector<16xf32>
        %broadcast_in_dim3A_104 = arith.constant 1 : i32
        %broadcast_in_dim3A_105 = vector.broadcast %broadcast_in_dim3A_104 : i32 to vector<16xi32>
        %gather3A_106 = tpu.vector_load_idx %arg20[%iota3A, %broadcast_in_dim3A_105] : memref<16x17xf32, #tpu.memory_space<vmem>>[vector<16xi32>, vector<16xi32>], vector<16xf32>,
        %add3A_107 = arith.addf %add3A_101, %gather3A_106 : vector<16xf32>
        %gather3A_108 = tpu.vector_load_idx %arg21[%iota3A, %broadcast_in_dim3A_105] : memref<16x17xf32, #tpu.memory_space<vmem>>[vector<16xi32>, vector<16xi32>], vector<16xf32>,
        %add3A_109 = arith.addf %add3A_103, %gather3A_108 : vector<16xf32>
        %broadcast_in_dim3A_110 = arith.constant 2 : i32
        %broadcast_in_dim3A_111 = vector.broadcast %broadcast_in_dim3A_110 : i32 to vector<16xi32>
        %gather3A_112 = tpu.vector_load_idx %arg20[%iota3A, %broadcast_in_dim3A_111] : memref<16x17xf32, #tpu.memory_space<vmem>>[vector<16xi32>, vector<16xi32>], vector<16xf32>,
        %add3A_113 = arith.addf %add3A_107, %gather3A_112 : vector<16xf32>
        %gather3A_114 = tpu.vector_load_idx %arg21[%iota3A, %broadcast_in_dim3A_111] : memref<16x17xf32, #tpu.memory_space<vmem>>[vector<16xi32>, vector<16xi32>], vector<16xf32>,
        %add3A_115 = arith.addf %add3A_109, %gather3A_114 : vector<16xf32>
        %broadcast_in_dim3A_116 = arith.constant 3 : i32
        %broadcast_in_dim3A_117 = vector.broadcast %broadcast_in_dim3A_116 : i32 to vector<16xi32>
        %gather3A_118 = tpu.vector_load_idx %arg20[%iota3A, %broadcast_in_dim3A_117] : memref<16x17xf32, #tpu.memory_space<vmem>>[vector<16xi32>, vector<16xi32>], vector<16xf32>,
        %add3A_119 = arith.addf %add3A_113, %gather3A_118 : vector<16xf32>
        %gather3A_120 = tpu.vector_load_idx %arg21[%iota3A, %broadcast_in_dim3A_117] : memref<16x17xf32, #tpu.memory_space<vmem>>[vector<16xi32>, vector<16xi32>], vector<16xf32>,
        %add3A_121 = arith.addf %add3A_115, %gather3A_120 : vector<16xf32>
        %broadcast_in_dim3A_122 = arith.constant 4 : i32
        %broadcast_in_dim3A_123 = vector.broadcast %broadcast_in_dim3A_122 : i32 to vector<16xi32>
        %gather3A_124 = tpu.vector_load_idx %arg20[%iota3A, %broadcast_in_dim3A_123] : memref<16x17xf32, #tpu.memory_space<vmem>>[vector<16xi32>, vector<16xi32>], vector<16xf32>,
        %add3A_125 = arith.addf %add3A_119, %gather3A_124 : vector<16xf32>
        %gather3A_126 = tpu.vector_load_idx %arg21[%iota3A, %broadcast_in_dim3A_123] : memref<16x17xf32, #tpu.memory_space<vmem>>[vector<16xi32>, vector<16xi32>], vector<16xf32>,
        %add3A_127 = arith.addf %add3A_121, %gather3A_126 : vector<16xf32>
        %broadcast_in_dim3A_128 = arith.constant 5 : i32
        %broadcast_in_dim3A_129 = vector.broadcast %broadcast_in_dim3A_128 : i32 to vector<16xi32>
        %gather3A_130 = tpu.vector_load_idx %arg20[%iota3A, %broadcast_in_dim3A_129] : memref<16x17xf32, #tpu.memory_space<vmem>>[vector<16xi32>, vector<16xi32>], vector<16xf32>,
        %add3A_131 = arith.addf %add3A_125, %gather3A_130 : vector<16xf32>
        %gather3A_132 = tpu.vector_load_idx %arg21[%iota3A, %broadcast_in_dim3A_129] : memref<16x17xf32, #tpu.memory_space<vmem>>[vector<16xi32>, vector<16xi32>], vector<16xf32>,
        %add3A_133 = arith.addf %add3A_127, %gather3A_132 : vector<16xf32>
        %broadcast_in_dim3A_134 = arith.constant 6 : i32
        %broadcast_in_dim3A_135 = vector.broadcast %broadcast_in_dim3A_134 : i32 to vector<16xi32>
        %gather3A_136 = tpu.vector_load_idx %arg20[%iota3A, %broadcast_in_dim3A_135] : memref<16x17xf32, #tpu.memory_space<vmem>>[vector<16xi32>, vector<16xi32>], vector<16xf32>,
        %add3A_137 = arith.addf %add3A_131, %gather3A_136 : vector<16xf32>
        %gather3A_138 = tpu.vector_load_idx %arg21[%iota3A, %broadcast_in_dim3A_135] : memref<16x17xf32, #tpu.memory_space<vmem>>[vector<16xi32>, vector<16xi32>], vector<16xf32>,
        %add3A_139 = arith.addf %add3A_133, %gather3A_138 : vector<16xf32>
        %broadcast_in_dim3A_140 = arith.constant 7 : i32
        %broadcast_in_dim3A_141 = vector.broadcast %broadcast_in_dim3A_140 : i32 to vector<16xi32>
        %gather3A_142 = tpu.vector_load_idx %arg20[%iota3A, %broadcast_in_dim3A_141] : memref<16x17xf32, #tpu.memory_space<vmem>>[vector<16xi32>, vector<16xi32>], vector<16xf32>,
        %add3A_143 = arith.addf %add3A_137, %gather3A_142 : vector<16xf32>
        %gather3A_144 = tpu.vector_load_idx %arg21[%iota3A, %broadcast_in_dim3A_141] : memref<16x17xf32, #tpu.memory_space<vmem>>[vector<16xi32>, vector<16xi32>], vector<16xf32>,
        %add3A_145 = arith.addf %add3A_139, %gather3A_144 : vector<16xf32>
        %broadcast_in_dim3A_146 = arith.constant 8 : i32
        %broadcast_in_dim3A_147 = vector.broadcast %broadcast_in_dim3A_146 : i32 to vector<16xi32>
        %gather3A_148 = tpu.vector_load_idx %arg20[%iota3A, %broadcast_in_dim3A_147] : memref<16x17xf32, #tpu.memory_space<vmem>>[vector<16xi32>, vector<16xi32>], vector<16xf32>,
        %add3A_149 = arith.addf %add3A_143, %gather3A_148 : vector<16xf32>
        %gather3A_150 = tpu.vector_load_idx %arg21[%iota3A, %broadcast_in_dim3A_147] : memref<16x17xf32, #tpu.memory_space<vmem>>[vector<16xi32>, vector<16xi32>], vector<16xf32>,
        %add3A_151 = arith.addf %add3A_145, %gather3A_150 : vector<16xf32>
        %broadcast_in_dim3A_152 = arith.constant 9 : i32
        %broadcast_in_dim3A_153 = vector.broadcast %broadcast_in_dim3A_152 : i32 to vector<16xi32>
        %gather3A_154 = tpu.vector_load_idx %arg20[%iota3A, %broadcast_in_dim3A_153] : memref<16x17xf32, #tpu.memory_space<vmem>>[vector<16xi32>, vector<16xi32>], vector<16xf32>,
        %add3A_155 = arith.addf %add3A_149, %gather3A_154 : vector<16xf32>
        %gather3A_156 = tpu.vector_load_idx %arg21[%iota3A, %broadcast_in_dim3A_153] : memref<16x17xf32, #tpu.memory_space<vmem>>[vector<16xi32>, vector<16xi32>], vector<16xf32>,
        %add3A_157 = arith.addf %add3A_151, %gather3A_156 : vector<16xf32>
        %broadcast_in_dim3A_158 = arith.constant 10 : i32
        %broadcast_in_dim3A_159 = vector.broadcast %broadcast_in_dim3A_158 : i32 to vector<16xi32>
        %gather3A_160 = tpu.vector_load_idx %arg20[%iota3A, %broadcast_in_dim3A_159] : memref<16x17xf32, #tpu.memory_space<vmem>>[vector<16xi32>, vector<16xi32>], vector<16xf32>,
        %add3A_161 = arith.addf %add3A_155, %gather3A_160 : vector<16xf32>
        %gather3A_162 = tpu.vector_load_idx %arg21[%iota3A, %broadcast_in_dim3A_159] : memref<16x17xf32, #tpu.memory_space<vmem>>[vector<16xi32>, vector<16xi32>], vector<16xf32>,
        %add3A_163 = arith.addf %add3A_157, %gather3A_162 : vector<16xf32>
        %broadcast_in_dim3A_164 = arith.constant 11 : i32
        %broadcast_in_dim3A_165 = vector.broadcast %broadcast_in_dim3A_164 : i32 to vector<16xi32>
        %gather3A_166 = tpu.vector_load_idx %arg20[%iota3A, %broadcast_in_dim3A_165] : memref<16x17xf32, #tpu.memory_space<vmem>>[vector<16xi32>, vector<16xi32>], vector<16xf32>,
        %add3A_167 = arith.addf %add3A_161, %gather3A_166 : vector<16xf32>
        %gather3A_168 = tpu.vector_load_idx %arg21[%iota3A, %broadcast_in_dim3A_165] : memref<16x17xf32, #tpu.memory_space<vmem>>[vector<16xi32>, vector<16xi32>], vector<16xf32>,
        %add3A_169 = arith.addf %add3A_163, %gather3A_168 : vector<16xf32>
        %broadcast_in_dim3A_170 = arith.constant 12 : i32
        %broadcast_in_dim3A_171 = vector.broadcast %broadcast_in_dim3A_170 : i32 to vector<16xi32>
        %gather3A_172 = tpu.vector_load_idx %arg20[%iota3A, %broadcast_in_dim3A_171] : memref<16x17xf32, #tpu.memory_space<vmem>>[vector<16xi32>, vector<16xi32>], vector<16xf32>,
        %add3A_173 = arith.addf %add3A_167, %gather3A_172 : vector<16xf32>
        %gather3A_174 = tpu.vector_load_idx %arg21[%iota3A, %broadcast_in_dim3A_171] : memref<16x17xf32, #tpu.memory_space<vmem>>[vector<16xi32>, vector<16xi32>], vector<16xf32>,
        %add3A_175 = arith.addf %add3A_169, %gather3A_174 : vector<16xf32>
        %broadcast_in_dim3A_176 = arith.constant 13 : i32
        %broadcast_in_dim3A_177 = vector.broadcast %broadcast_in_dim3A_176 : i32 to vector<16xi32>
        %gather3A_178 = tpu.vector_load_idx %arg20[%iota3A, %broadcast_in_dim3A_177] : memref<16x17xf32, #tpu.memory_space<vmem>>[vector<16xi32>, vector<16xi32>], vector<16xf32>,
        %add3A_179 = arith.addf %add3A_173, %gather3A_178 : vector<16xf32>
        %gather3A_180 = tpu.vector_load_idx %arg21[%iota3A, %broadcast_in_dim3A_177] : memref<16x17xf32, #tpu.memory_space<vmem>>[vector<16xi32>, vector<16xi32>], vector<16xf32>,
        %add3A_181 = arith.addf %add3A_175, %gather3A_180 : vector<16xf32>
        %broadcast_in_dim3A_182 = arith.constant 14 : i32
        %broadcast_in_dim3A_183 = vector.broadcast %broadcast_in_dim3A_182 : i32 to vector<16xi32>
        %gather3A_184 = tpu.vector_load_idx %arg20[%iota3A, %broadcast_in_dim3A_183] : memref<16x17xf32, #tpu.memory_space<vmem>>[vector<16xi32>, vector<16xi32>], vector<16xf32>,
        %add3A_185 = arith.addf %add3A_179, %gather3A_184 : vector<16xf32>
        %gather3A_186 = tpu.vector_load_idx %arg21[%iota3A, %broadcast_in_dim3A_183] : memref<16x17xf32, #tpu.memory_space<vmem>>[vector<16xi32>, vector<16xi32>], vector<16xf32>,
        %add3A_187 = arith.addf %add3A_181, %gather3A_186 : vector<16xf32>
        %broadcast_in_dim3A_188 = arith.constant 15 : i32
        %broadcast_in_dim3A_189 = vector.broadcast %broadcast_in_dim3A_188 : i32 to vector<16xi32>
        %gather3A_190 = tpu.vector_load_idx %arg20[%iota3A, %broadcast_in_dim3A_189] : memref<16x17xf32, #tpu.memory_space<vmem>>[vector<16xi32>, vector<16xi32>], vector<16xf32>,
        %add3A_191 = arith.addf %add3A_185, %gather3A_190 : vector<16xf32>
        %gather3A_192 = tpu.vector_load_idx %arg21[%iota3A, %broadcast_in_dim3A_189] : memref<16x17xf32, #tpu.memory_space<vmem>>[vector<16xi32>, vector<16xi32>], vector<16xf32>,
        %add3A_193 = arith.addf %add3A_187, %gather3A_192 : vector<16xf32>
        %mul3A_194 = arith.constant 128 : i32
        %mul3A_195 = arith.muli %add3A_57, %mul3A_194 : i32
        %mul3A_196 = arith.constant 16 : i32
        %mul3A_197 = arith.muli %scan3A_89, %mul3A_196 : i32
        %add3A_198 = arith.addi %mul3A_195, %mul3A_197 : i32
        %swap3A = arith.index_cast %add3A_198 : i32 to index
        %swap3A_199 = tpu.vector_load %arg12[%swap3A] {strides = array<i32>} : memref<2048xf32, #tpu.memory_space<vmem>>, vector<16xf32>,
        tpu.vector_store %arg12[%swap3A], %add3A_191 {strides = array<i32>} : memref<2048xf32, #tpu.memory_space<vmem>>, vector<16xf32>,
        %mul3A_200 = arith.constant 128 : i32
        %mul3A_201 = arith.muli %add3A_57, %mul3A_200 : i32
        %mul3A_202 = arith.constant 16 : i32
        %mul3A_203 = arith.muli %scan3A_89, %mul3A_202 : i32
        %add3A_204 = arith.addi %mul3A_201, %mul3A_203 : i32
        %swap3A_205 = arith.index_cast %add3A_204 : i32 to index
        %swap3A_206 = tpu.vector_load %arg13[%swap3A_205] {strides = array<i32>} : memref<2048xf32, #tpu.memory_space<vmem>>, vector<16xf32>,
        tpu.vector_store %arg13[%swap3A_205], %add3A_193 {strides = array<i32>} : memref<2048xf32, #tpu.memory_space<vmem>>, vector<16xf32>,
      }
      %scan3A_88 = arith.constant 8 : i32
    }
    %scan3A_21 = arith.constant 8 : i32
    "tpu.region"() ({
      %run_scoped3A = tpu.sem_alloc : memref<!tpu.dma_semaphore, #tpu.memory_space<semaphore_mem>>
      %dma_start3A_22 = tpu.memref_slice %arg7[%mul3A_2] : memref<65536xf32, #tpu.memory_space<hbm>> -> memref<2048xf32, #tpu.memory_space<hbm>>
      %dma_start3A_23 = tpu.memref_slice %arg7[%mul3A_2] : memref<65536xf32, #tpu.memory_space<hbm>> -> memref<2048xf32, #tpu.memory_space<hbm>>
      tpu.enqueue_dma source(%arg12 : memref<2048xf32, #tpu.memory_space<vmem>>) target(%dma_start3A_23 : memref<2048xf32, #tpu.memory_space<hbm>>) target_semaphore(%run_scoped3A : memref<!tpu.dma_semaphore, #tpu.memory_space<semaphore_mem>>)
      %dma_wait3A = tpu.memref_slice %arg7[%mul3A_2] : memref<65536xf32, #tpu.memory_space<hbm>> -> memref<2048xf32, #tpu.memory_space<hbm>>
      %dma_wait3A_24 = tpu.memref_slice %arg7[%mul3A_2] : memref<65536xf32, #tpu.memory_space<hbm>> -> memref<2048xf32, #tpu.memory_space<hbm>>
      tpu.wait_dma2 semaphore(%run_scoped3A : memref<!tpu.dma_semaphore, #tpu.memory_space<semaphore_mem>>) src(%arg12 : memref<2048xf32, #tpu.memory_space<vmem>>) dst(%dma_wait3A_24 : memref<2048xf32, #tpu.memory_space<hbm>>)
      tpu.yield
    }) : () -> ()
    "tpu.region"() ({
      %run_scoped3A = tpu.sem_alloc : memref<!tpu.dma_semaphore, #tpu.memory_space<semaphore_mem>>
      %dma_start3A_22 = tpu.memref_slice %arg8[%mul3A_2] : memref<65536xf32, #tpu.memory_space<hbm>> -> memref<2048xf32, #tpu.memory_space<hbm>>
      %dma_start3A_23 = tpu.memref_slice %arg8[%mul3A_2] : memref<65536xf32, #tpu.memory_space<hbm>> -> memref<2048xf32, #tpu.memory_space<hbm>>
      tpu.enqueue_dma source(%arg13 : memref<2048xf32, #tpu.memory_space<vmem>>) target(%dma_start3A_23 : memref<2048xf32, #tpu.memory_space<hbm>>) target_semaphore(%run_scoped3A : memref<!tpu.dma_semaphore, #tpu.memory_space<semaphore_mem>>)
      %dma_wait3A = tpu.memref_slice %arg8[%mul3A_2] : memref<65536xf32, #tpu.memory_space<hbm>> -> memref<2048xf32, #tpu.memory_space<hbm>>
      %dma_wait3A_24 = tpu.memref_slice %arg8[%mul3A_2] : memref<65536xf32, #tpu.memory_space<hbm>> -> memref<2048xf32, #tpu.memory_space<hbm>>
      tpu.wait_dma2 semaphore(%run_scoped3A : memref<!tpu.dma_semaphore, #tpu.memory_space<semaphore_mem>>) src(%arg13 : memref<2048xf32, #tpu.memory_space<vmem>>) dst(%dma_wait3A_24 : memref<2048xf32, #tpu.memory_space<hbm>>)
      tpu.yield
    }) : () -> ()
    return
  }
}

#map = affine_map<(d0, d1) -> (0, 0)>
#map1 = affine_map<(d0, d1) -> (0, 0, 0)>
module attributes {stable_mosaic.version = 14 : i64} {
  func.func @k(%arg0: i32, %arg1: i32, %arg2: memref<131072x80xf32, #tpu.memory_space<hbm>>, %arg3: memref<1024x128xi32, #tpu.memory_space<hbm>>, %arg4: memref<256x80xf32, #tpu.memory_space<hbm>>, %arg5: memref<2x4096x80xf32, #tpu.memory_space<hbm>>, %arg6: memref<128x80xf32, #tpu.memory_space<vmem>>, %arg7: memref<128x80xf32, #tpu.memory_space<vmem>>, %arg8: memref<32x128xi32, #tpu.memory_space<vmem>>, %arg9: memref<256x80xf32, #tpu.memory_space<vmem>>, %arg10: memref<4096x80xf32, #tpu.memory_space<vmem_shared>>, %arg11: memref<!tpu.dma_semaphore, #tpu.memory_space<semaphore_mem>>, %arg12: memref<!tpu.dma_semaphore, #tpu.memory_space<semaphore_mem>>) attributes {dimension_semantics = [#tpu.dimension_semantics<core_parallel>, #tpu.dimension_semantics<subcore_parallel>], iteration_bounds = array<i64: 2, 16>, scalar_prefetch = 0 : i64, scratch_operands = 7 : i64, tpu.core_type = #tpu.core_type<sc_vector_subcore>, window_params = [{transform_indices = #map}, {transform_indices = #map}, {transform_indices = #map}, {transform_indices = #map1}]} {
    %mul3A = arith.constant 2 : i32
    %mul3A_0 = arith.muli %arg1, %mul3A : i32
    %add3A = arith.addi %mul3A_0, %arg0 : i32
    "tpu.region"() ({
      %run_scoped3A = tpu.sem_alloc : memref<!tpu.dma_semaphore, #tpu.memory_space<semaphore_mem>>
      tpu.enqueue_dma source(%arg4 : memref<256x80xf32, #tpu.memory_space<hbm>>) target(%arg9 : memref<256x80xf32, #tpu.memory_space<vmem>>) target_semaphore(%run_scoped3A : memref<!tpu.dma_semaphore, #tpu.memory_space<semaphore_mem>>)
      tpu.wait_dma2 semaphore(%run_scoped3A : memref<!tpu.dma_semaphore, #tpu.memory_space<semaphore_mem>>) src(%arg4 : memref<256x80xf32, #tpu.memory_space<hbm>>) dst(%arg9 : memref<256x80xf32, #tpu.memory_space<vmem>>)
      tpu.yield
    }) : () -> ()
    %mul3A_1 = arith.constant 256 : i32
    %mul3A_2 = arith.muli %arg1, %mul3A_1 : i32
    "tpu.region"() ({
      %run_scoped3A = tpu.sem_alloc : memref<!tpu.dma_semaphore, #tpu.memory_space<semaphore_mem>>
      %dma_start3A_20 = arith.constant 0 : i32
      %dma_start3A_21 = tpu.memref_slice %arg10[%mul3A_2, %dma_start3A_20] : memref<4096x80xf32, #tpu.memory_space<vmem_shared>> -> memref<256x80xf32, #tpu.memory_space<vmem_shared>>
      %dma_start3A_22 = arith.constant 0 : i32
      %dma_start3A_23 = tpu.memref_slice %arg10[%mul3A_2, %dma_start3A_22] : memref<4096x80xf32, #tpu.memory_space<vmem_shared>> -> memref<256x80xf32, #tpu.memory_space<vmem_shared>>
      tpu.enqueue_dma source(%arg9 : memref<256x80xf32, #tpu.memory_space<vmem>>) target(%dma_start3A_23 : memref<256x80xf32, #tpu.memory_space<vmem_shared>>) target_semaphore(%run_scoped3A : memref<!tpu.dma_semaphore, #tpu.memory_space<semaphore_mem>>)
      %dma_wait3A = arith.constant 0 : i32
      %dma_wait3A_24 = tpu.memref_slice %arg10[%mul3A_2, %dma_wait3A] : memref<4096x80xf32, #tpu.memory_space<vmem_shared>> -> memref<256x80xf32, #tpu.memory_space<vmem_shared>>
      %dma_wait3A_25 = arith.constant 0 : i32
      %dma_wait3A_26 = tpu.memref_slice %arg10[%mul3A_2, %dma_wait3A_25] : memref<4096x80xf32, #tpu.memory_space<vmem_shared>> -> memref<256x80xf32, #tpu.memory_space<vmem_shared>>
      tpu.wait_dma2 semaphore(%run_scoped3A : memref<!tpu.dma_semaphore, #tpu.memory_space<semaphore_mem>>) src(%arg9 : memref<256x80xf32, #tpu.memory_space<vmem>>) dst(%dma_wait3A_26 : memref<256x80xf32, #tpu.memory_space<vmem_shared>>)
      tpu.yield
    }) : () -> ()
    %barrier3A = arith.constant 0 : index
    tpu.barrier barrier_id(%barrier3A)
    %mul3A_3 = arith.constant 32 : i32
    %mul3A_4 = arith.muli %add3A, %mul3A_3 : i32
    "tpu.region"() ({
      %run_scoped3A = tpu.sem_alloc : memref<!tpu.dma_semaphore, #tpu.memory_space<semaphore_mem>>
      %dma_start3A_20 = arith.constant 0 : i32
      %dma_start3A_21 = tpu.memref_slice %arg3[%mul3A_4, %dma_start3A_20] : memref<1024x128xi32, #tpu.memory_space<hbm>> -> memref<32x128xi32, #tpu.memory_space<hbm>>
      %dma_start3A_22 = arith.constant 0 : i32
      %dma_start3A_23 = tpu.memref_slice %arg3[%mul3A_4, %dma_start3A_22] : memref<1024x128xi32, #tpu.memory_space<hbm>> -> memref<32x128xi32, #tpu.memory_space<hbm>>
      tpu.enqueue_dma source(%dma_start3A_23 : memref<32x128xi32, #tpu.memory_space<hbm>>) target(%arg8 : memref<32x128xi32, #tpu.memory_space<vmem>>) target_semaphore(%run_scoped3A : memref<!tpu.dma_semaphore, #tpu.memory_space<semaphore_mem>>)
      %dma_wait3A = arith.constant 0 : i32
      %dma_wait3A_24 = tpu.memref_slice %arg3[%mul3A_4, %dma_wait3A] : memref<1024x128xi32, #tpu.memory_space<hbm>> -> memref<32x128xi32, #tpu.memory_space<hbm>>
      %dma_wait3A_25 = arith.constant 0 : i32
      %dma_wait3A_26 = tpu.memref_slice %arg3[%mul3A_4, %dma_wait3A_25] : memref<1024x128xi32, #tpu.memory_space<hbm>> -> memref<32x128xi32, #tpu.memory_space<hbm>>
      tpu.wait_dma2 semaphore(%run_scoped3A : memref<!tpu.dma_semaphore, #tpu.memory_space<semaphore_mem>>) src(%dma_wait3A_26 : memref<32x128xi32, #tpu.memory_space<hbm>>) dst(%arg8 : memref<32x128xi32, #tpu.memory_space<vmem>>)
      tpu.yield
    }) : () -> ()
    %mul3A_5 = arith.constant 4096 : i32
    %mul3A_6 = arith.muli %add3A, %mul3A_5 : i32
    %dma_start3A = arith.constant 0 : i32
    %dma_start3A_7 = tpu.memref_slice %arg2[%mul3A_6, %dma_start3A] : memref<131072x80xf32, #tpu.memory_space<hbm>> -> memref<128x80xf32, #tpu.memory_space<hbm>>
    %dma_start3A_8 = arith.constant 0 : i32
    %dma_start3A_9 = tpu.memref_slice %arg2[%mul3A_6, %dma_start3A_8] : memref<131072x80xf32, #tpu.memory_space<hbm>> -> memref<128x80xf32, #tpu.memory_space<hbm>>
    tpu.enqueue_dma source(%dma_start3A_9 : memref<128x80xf32, #tpu.memory_space<hbm>>) target(%arg6 : memref<128x80xf32, #tpu.memory_space<vmem>>) target_semaphore(%arg11 : memref<!tpu.dma_semaphore, #tpu.memory_space<semaphore_mem>>)
    %scan3A = arith.constant 0 : i32
    %scan3A_10 = arith.constant 0 : i32
    %scan3A_11 = arith.constant 16 : i32
    %scan3A_12 = arith.addi %scan3A_10, %scan3A_11 : i32
    %scan3A_13 = arith.constant 1 : i32
    scf.for %scan3A_20 = %scan3A_10 to %scan3A_12 step %scan3A_13  : i32 {
      %mul3A_21 = arith.constant 2 : i32
      %mul3A_22 = arith.muli %mul3A_21, %scan3A_20 : i32
      %add3A_23 = arith.constant 0 : i32
      %add3A_24 = arith.addi %mul3A_22, %add3A_23 : i32
      %add3A_25 = arith.constant 1 : i32
      %add3A_26 = arith.addi %add3A_24, %add3A_25 : i32
      %lt3A = arith.constant 32 : i32
      %lt3A_27 = arith.cmpi slt, %add3A_26, %lt3A : i32
      %convert_element_type3A = arith.extui %lt3A_27 : i1 to i32
      %cond3A = arith.constant 0 : i32
      %cond3A_28 = arith.cmpi ne, %convert_element_type3A, %cond3A : i32
      scf.if %cond3A_28 {
        %mul3A_51 = arith.constant 4096 : i32
        %mul3A_52 = arith.muli %add3A, %mul3A_51 : i32
        %add3A_53 = arith.constant 1 : i32
        %add3A_54 = arith.addi %add3A_24, %add3A_53 : i32
        %mul3A_55 = arith.constant 128 : i32
        %mul3A_56 = arith.muli %add3A_54, %mul3A_55 : i32
        %add3A_57 = arith.addi %mul3A_52, %mul3A_56 : i32
        %dma_start3A_58 = arith.constant 0 : i32
        %dma_start3A_59 = tpu.memref_slice %arg2[%add3A_57, %dma_start3A_58] : memref<131072x80xf32, #tpu.memory_space<hbm>> -> memref<128x80xf32, #tpu.memory_space<hbm>>
        %dma_start3A_60 = arith.constant 0 : i32
        %dma_start3A_61 = tpu.memref_slice %arg2[%add3A_57, %dma_start3A_60] : memref<131072x80xf32, #tpu.memory_space<hbm>> -> memref<128x80xf32, #tpu.memory_space<hbm>>
        tpu.enqueue_dma source(%dma_start3A_61 : memref<128x80xf32, #tpu.memory_space<hbm>>) target(%arg7 : memref<128x80xf32, #tpu.memory_space<vmem>>) target_semaphore(%arg12 : memref<!tpu.dma_semaphore, #tpu.memory_space<semaphore_mem>>)
      } else {
      }
      %mul3A_29 = arith.constant 4096 : i32
      %mul3A_30 = arith.muli %add3A, %mul3A_29 : i32
      %dma_wait3A = arith.constant 0 : i32
      %dma_wait3A_31 = tpu.memref_slice %arg2[%mul3A_30, %dma_wait3A] : memref<131072x80xf32, #tpu.memory_space<hbm>> -> memref<128x80xf32, #tpu.memory_space<hbm>>
      %dma_wait3A_32 = arith.constant 0 : i32
      %dma_wait3A_33 = tpu.memref_slice %arg2[%mul3A_30, %dma_wait3A_32] : memref<131072x80xf32, #tpu.memory_space<hbm>> -> memref<128x80xf32, #tpu.memory_space<hbm>>
      tpu.wait_dma2 semaphore(%arg11 : memref<!tpu.dma_semaphore, #tpu.memory_space<semaphore_mem>>) src(%dma_wait3A_33 : memref<128x80xf32, #tpu.memory_space<hbm>>) dst(%arg6 : memref<128x80xf32, #tpu.memory_space<vmem>>)
      "tpu.region"() ({
        %run_scoped3A = tpu.sem_alloc : memref<!tpu.dma_semaphore, #tpu.memory_space<semaphore_mem>>
        %dma_start3A_51 = arith.constant 0 : i32
        %dma_start3A_52 = tpu.memref_slice %arg8[%add3A_24, %dma_start3A_51] : memref<32x128xi32, #tpu.memory_space<vmem>> -> memref<1x128xi32, #tpu.memory_space<vmem>>
        %dma_start3A_53 = tpu.memref_squeeze %dma_start3A_52 : memref<1x128xi32, #tpu.memory_space<vmem>> -> memref<128xi32, #tpu.memory_space<vmem>>
        %dma_start3A_54 = arith.constant 0 : i32
        %dma_start3A_55 = arith.constant 0 : i32
        %dma_start3A_56 = tpu.memref_slice %arg10[%dma_start3A_54, %dma_start3A_55] : memref<4096x80xf32, #tpu.memory_space<vmem_shared>> -> memref<4096x80xf32, #tpu.memory_space<vmem_shared>>
        tpu.enqueue_indirect_dma source(%arg6 : memref<128x80xf32, #tpu.memory_space<vmem>>) target(%dma_start3A_56 : memref<4096x80xf32, #tpu.memory_space<vmem_shared>>) offsets(%dma_start3A_53 : memref<128xi32, #tpu.memory_space<vmem>>) semaphore(%run_scoped3A : memref<!tpu.dma_semaphore, #tpu.memory_space<semaphore_mem>>) {add = true}
        %dma_wait3A_57 = arith.constant 0 : i32
        %dma_wait3A_58 = tpu.memref_slice %arg8[%add3A_24, %dma_wait3A_57] : memref<32x128xi32, #tpu.memory_space<vmem>> -> memref<1x128xi32, #tpu.memory_space<vmem>>
        %dma_wait3A_59 = tpu.memref_squeeze %dma_wait3A_58 : memref<1x128xi32, #tpu.memory_space<vmem>> -> memref<128xi32, #tpu.memory_space<vmem>>
        %dma_wait3A_60 = arith.constant 0 : i32
        %dma_wait3A_61 = arith.constant 0 : i32
        %dma_wait3A_62 = tpu.memref_slice %arg10[%dma_wait3A_60, %dma_wait3A_61] : memref<4096x80xf32, #tpu.memory_space<vmem_shared>> -> memref<4096x80xf32, #tpu.memory_space<vmem_shared>>
        tpu.wait_indirect_dma semaphore(%run_scoped3A : memref<!tpu.dma_semaphore, #tpu.memory_space<semaphore_mem>>) src(%arg6 : memref<128x80xf32, #tpu.memory_space<vmem>>) dst(%dma_wait3A_62 : memref<4096x80xf32, #tpu.memory_space<vmem_shared>>)
        tpu.yield
      }) : () -> ()
      %mul3A_34 = arith.constant 2 : i32
      %mul3A_35 = arith.muli %mul3A_34, %scan3A_20 : i32
      %add3A_36 = arith.constant 1 : i32
      %add3A_37 = arith.addi %mul3A_35, %add3A_36 : i32
      %add3A_38 = arith.constant 1 : i32
      %add3A_39 = arith.addi %add3A_37, %add3A_38 : i32
      %lt3A_40 = arith.constant 32 : i32
      %lt3A_41 = arith.cmpi slt, %add3A_39, %lt3A_40 : i32
      %convert_element_type3A_42 = arith.extui %lt3A_41 : i1 to i32
      %cond3A_43 = arith.constant 0 : i32
      %cond3A_44 = arith.cmpi ne, %convert_element_type3A_42, %cond3A_43 : i32
      scf.if %cond3A_44 {
        %mul3A_51 = arith.constant 4096 : i32
        %mul3A_52 = arith.muli %add3A, %mul3A_51 : i32
        %add3A_53 = arith.constant 1 : i32
        %add3A_54 = arith.addi %add3A_37, %add3A_53 : i32
        %mul3A_55 = arith.constant 128 : i32
        %mul3A_56 = arith.muli %add3A_54, %mul3A_55 : i32
        %add3A_57 = arith.addi %mul3A_52, %mul3A_56 : i32
        %dma_start3A_58 = arith.constant 0 : i32
        %dma_start3A_59 = tpu.memref_slice %arg2[%add3A_57, %dma_start3A_58] : memref<131072x80xf32, #tpu.memory_space<hbm>> -> memref<128x80xf32, #tpu.memory_space<hbm>>
        %dma_start3A_60 = arith.constant 0 : i32
        %dma_start3A_61 = tpu.memref_slice %arg2[%add3A_57, %dma_start3A_60] : memref<131072x80xf32, #tpu.memory_space<hbm>> -> memref<128x80xf32, #tpu.memory_space<hbm>>
        tpu.enqueue_dma source(%dma_start3A_61 : memref<128x80xf32, #tpu.memory_space<hbm>>) target(%arg6 : memref<128x80xf32, #tpu.memory_space<vmem>>) target_semaphore(%arg11 : memref<!tpu.dma_semaphore, #tpu.memory_space<semaphore_mem>>)
      } else {
      }
      %mul3A_45 = arith.constant 4096 : i32
      %mul3A_46 = arith.muli %add3A, %mul3A_45 : i32
      %dma_wait3A_47 = arith.constant 0 : i32
      %dma_wait3A_48 = tpu.memref_slice %arg2[%mul3A_46, %dma_wait3A_47] : memref<131072x80xf32, #tpu.memory_space<hbm>> -> memref<128x80xf32, #tpu.memory_space<hbm>>
      %dma_wait3A_49 = arith.constant 0 : i32
      %dma_wait3A_50 = tpu.memref_slice %arg2[%mul3A_46, %dma_wait3A_49] : memref<131072x80xf32, #tpu.memory_space<hbm>> -> memref<128x80xf32, #tpu.memory_space<hbm>>
      tpu.wait_dma2 semaphore(%arg12 : memref<!tpu.dma_semaphore, #tpu.memory_space<semaphore_mem>>) src(%dma_wait3A_50 : memref<128x80xf32, #tpu.memory_space<hbm>>) dst(%arg7 : memref<128x80xf32, #tpu.memory_space<vmem>>)
      "tpu.region"() ({
        %run_scoped3A = tpu.sem_alloc : memref<!tpu.dma_semaphore, #tpu.memory_space<semaphore_mem>>
        %dma_start3A_51 = arith.constant 0 : i32
        %dma_start3A_52 = tpu.memref_slice %arg8[%add3A_37, %dma_start3A_51] : memref<32x128xi32, #tpu.memory_space<vmem>> -> memref<1x128xi32, #tpu.memory_space<vmem>>
        %dma_start3A_53 = tpu.memref_squeeze %dma_start3A_52 : memref<1x128xi32, #tpu.memory_space<vmem>> -> memref<128xi32, #tpu.memory_space<vmem>>
        %dma_start3A_54 = arith.constant 0 : i32
        %dma_start3A_55 = arith.constant 0 : i32
        %dma_start3A_56 = tpu.memref_slice %arg10[%dma_start3A_54, %dma_start3A_55] : memref<4096x80xf32, #tpu.memory_space<vmem_shared>> -> memref<4096x80xf32, #tpu.memory_space<vmem_shared>>
        tpu.enqueue_indirect_dma source(%arg7 : memref<128x80xf32, #tpu.memory_space<vmem>>) target(%dma_start3A_56 : memref<4096x80xf32, #tpu.memory_space<vmem_shared>>) offsets(%dma_start3A_53 : memref<128xi32, #tpu.memory_space<vmem>>) semaphore(%run_scoped3A : memref<!tpu.dma_semaphore, #tpu.memory_space<semaphore_mem>>) {add = true}
        %dma_wait3A_57 = arith.constant 0 : i32
        %dma_wait3A_58 = tpu.memref_slice %arg8[%add3A_37, %dma_wait3A_57] : memref<32x128xi32, #tpu.memory_space<vmem>> -> memref<1x128xi32, #tpu.memory_space<vmem>>
        %dma_wait3A_59 = tpu.memref_squeeze %dma_wait3A_58 : memref<1x128xi32, #tpu.memory_space<vmem>> -> memref<128xi32, #tpu.memory_space<vmem>>
        %dma_wait3A_60 = arith.constant 0 : i32
        %dma_wait3A_61 = arith.constant 0 : i32
        %dma_wait3A_62 = tpu.memref_slice %arg10[%dma_wait3A_60, %dma_wait3A_61] : memref<4096x80xf32, #tpu.memory_space<vmem_shared>> -> memref<4096x80xf32, #tpu.memory_space<vmem_shared>>
        tpu.wait_indirect_dma semaphore(%run_scoped3A : memref<!tpu.dma_semaphore, #tpu.memory_space<semaphore_mem>>) src(%arg7 : memref<128x80xf32, #tpu.memory_space<vmem>>) dst(%dma_wait3A_62 : memref<4096x80xf32, #tpu.memory_space<vmem_shared>>)
        tpu.yield
      }) : () -> ()
    }
    %scan3A_14 = arith.constant 16 : i32
    %barrier3A_15 = arith.constant 0 : index
    tpu.barrier barrier_id(%barrier3A_15)
    %mul3A_16 = arith.constant 256 : i32
    %mul3A_17 = arith.muli %arg1, %mul3A_16 : i32
    "tpu.region"() ({
      %run_scoped3A = tpu.sem_alloc : memref<!tpu.dma_semaphore, #tpu.memory_space<semaphore_mem>>
      %dma_start3A_20 = arith.constant 0 : i32
      %dma_start3A_21 = tpu.memref_slice %arg10[%mul3A_17, %dma_start3A_20] : memref<4096x80xf32, #tpu.memory_space<vmem_shared>> -> memref<256x80xf32, #tpu.memory_space<vmem_shared>>
      %dma_start3A_22 = arith.constant 0 : i32
      %dma_start3A_23 = tpu.memref_slice %arg10[%mul3A_17, %dma_start3A_22] : memref<4096x80xf32, #tpu.memory_space<vmem_shared>> -> memref<256x80xf32, #tpu.memory_space<vmem_shared>>
      tpu.enqueue_dma source(%dma_start3A_23 : memref<256x80xf32, #tpu.memory_space<vmem_shared>>) target(%arg9 : memref<256x80xf32, #tpu.memory_space<vmem>>) target_semaphore(%run_scoped3A : memref<!tpu.dma_semaphore, #tpu.memory_space<semaphore_mem>>)
      %dma_wait3A = arith.constant 0 : i32
      %dma_wait3A_24 = tpu.memref_slice %arg10[%mul3A_17, %dma_wait3A] : memref<4096x80xf32, #tpu.memory_space<vmem_shared>> -> memref<256x80xf32, #tpu.memory_space<vmem_shared>>
      %dma_wait3A_25 = arith.constant 0 : i32
      %dma_wait3A_26 = tpu.memref_slice %arg10[%mul3A_17, %dma_wait3A_25] : memref<4096x80xf32, #tpu.memory_space<vmem_shared>> -> memref<256x80xf32, #tpu.memory_space<vmem_shared>>
      tpu.wait_dma2 semaphore(%run_scoped3A : memref<!tpu.dma_semaphore, #tpu.memory_space<semaphore_mem>>) src(%dma_wait3A_26 : memref<256x80xf32, #tpu.memory_space<vmem_shared>>) dst(%arg9 : memref<256x80xf32, #tpu.memory_space<vmem>>)
      tpu.yield
    }) : () -> ()
    %mul3A_18 = arith.constant 256 : i32
    %mul3A_19 = arith.muli %arg1, %mul3A_18 : i32
    "tpu.region"() ({
      %run_scoped3A = tpu.sem_alloc : memref<!tpu.dma_semaphore, #tpu.memory_space<semaphore_mem>>
      %dma_start3A_20 = arith.constant 0 : i32
      %dma_start3A_21 = tpu.memref_slice %arg5[%arg0, %mul3A_19, %dma_start3A_20] : memref<2x4096x80xf32, #tpu.memory_space<hbm>> -> memref<1x256x80xf32, #tpu.memory_space<hbm>>
      %dma_start3A_22 = tpu.memref_squeeze %dma_start3A_21 : memref<1x256x80xf32, #tpu.memory_space<hbm>> -> memref<256x80xf32, #tpu.memory_space<hbm>>
      %dma_start3A_23 = arith.constant 0 : i32
      %dma_start3A_24 = tpu.memref_slice %arg5[%arg0, %mul3A_19, %dma_start3A_23] : memref<2x4096x80xf32, #tpu.memory_space<hbm>> -> memref<1x256x80xf32, #tpu.memory_space<hbm>>
      %dma_start3A_25 = tpu.memref_squeeze %dma_start3A_24 : memref<1x256x80xf32, #tpu.memory_space<hbm>> -> memref<256x80xf32, #tpu.memory_space<hbm>>
      tpu.enqueue_dma source(%arg9 : memref<256x80xf32, #tpu.memory_space<vmem>>) target(%dma_start3A_25 : memref<256x80xf32, #tpu.memory_space<hbm>>) target_semaphore(%run_scoped3A : memref<!tpu.dma_semaphore, #tpu.memory_space<semaphore_mem>>)
      %dma_wait3A = arith.constant 0 : i32
      %dma_wait3A_26 = tpu.memref_slice %arg5[%arg0, %mul3A_19, %dma_wait3A] : memref<2x4096x80xf32, #tpu.memory_space<hbm>> -> memref<1x256x80xf32, #tpu.memory_space<hbm>>
      %dma_wait3A_27 = tpu.memref_squeeze %dma_wait3A_26 : memref<1x256x80xf32, #tpu.memory_space<hbm>> -> memref<256x80xf32, #tpu.memory_space<hbm>>
      %dma_wait3A_28 = arith.constant 0 : i32
      %dma_wait3A_29 = tpu.memref_slice %arg5[%arg0, %mul3A_19, %dma_wait3A_28] : memref<2x4096x80xf32, #tpu.memory_space<hbm>> -> memref<1x256x80xf32, #tpu.memory_space<hbm>>
      %dma_wait3A_30 = tpu.memref_squeeze %dma_wait3A_29 : memref<1x256x80xf32, #tpu.memory_space<hbm>> -> memref<256x80xf32, #tpu.memory_space<hbm>>
      tpu.wait_dma2 semaphore(%run_scoped3A : memref<!tpu.dma_semaphore, #tpu.memory_space<semaphore_mem>>) src(%arg9 : memref<256x80xf32, #tpu.memory_space<vmem>>) dst(%dma_wait3A_30 : memref<256x80xf32, #tpu.memory_space<hbm>>)
      tpu.yield
    }) : () -> ()
    return
  }
}

module attributes {stable_mosaic.version = 14 : i64} {
  func.func @_edge_body(%arg0: i32, %arg1: memref<4096x64xf32, #tpu.memory_space<vmem>>, %arg2: memref<4096x64xf32, #tpu.memory_space<vmem>>, %arg3: memref<64x8xf32, #tpu.memory_space<vmem>>, %arg4: memref<8x64xf32, #tpu.memory_space<vmem>>, %arg5: memref<64x32xf32, #tpu.memory_space<vmem>>, %arg6: memref<64x32xf32, #tpu.memory_space<vmem>>, %arg7: memref<1x32xf32, #tpu.memory_space<vmem>>, %arg8: memref<32x1xf32, #tpu.memory_space<vmem>>, %arg9: memref<4096x80xf32, #tpu.memory_space<vmem>>) attributes {dimension_semantics = [#tpu.dimension_semantics<arbitrary>], iteration_bounds = array<i64: 32>, scalar_prefetch = 0 : i64, scratch_operands = 0 : i64, tpu.core_type = #tpu.core_type<tc>, window_params = [{transform_indices = @transform_0, window_bounds = array<i64: 4096, 64>}, {transform_indices = @transform_1, window_bounds = array<i64: 4096, 64>}, {pipeline_mode = #tpu.pipeline_mode<synchronous>, transform_indices = @transform_2, window_bounds = array<i64: 64, 8>}, {pipeline_mode = #tpu.pipeline_mode<synchronous>, transform_indices = @transform_3, window_bounds = array<i64: 8, 64>}, {pipeline_mode = #tpu.pipeline_mode<synchronous>, transform_indices = @transform_4, window_bounds = array<i64: 64, 32>}, {pipeline_mode = #tpu.pipeline_mode<synchronous>, transform_indices = @transform_5, window_bounds = array<i64: 64, 32>}, {pipeline_mode = #tpu.pipeline_mode<synchronous>, transform_indices = @transform_6, window_bounds = array<i64: 1, 32>}, {pipeline_mode = #tpu.pipeline_mode<synchronous>, transform_indices = @transform_7, window_bounds = array<i64: 32, 1>}, {transform_indices = @transform_8, window_bounds = array<i64: 4096, 80>}]} {
    %get3A = arith.constant 0 : index
    %get3A_0 = arith.constant 0 : index
    %get3A_1 = vector.load %arg1[%get3A, %get3A_0] : memref<4096x64xf32, #tpu.memory_space<vmem>>, vector<4096x64xf32>
    %get3A_2 = arith.constant 0 : index
    %get3A_3 = arith.constant 0 : index
    %get3A_4 = vector.load %arg2[%get3A_2, %get3A_3] : memref<4096x64xf32, #tpu.memory_space<vmem>>, vector<4096x64xf32>
    %mul3A = arith.mulf %get3A_1, %get3A_1 : vector<4096x64xf32>
    %reduce_sum3A = arith.constant dense<0.000000e+00> : vector<4096xf32>
    %reduce_sum3A_5 = vector.multi_reduction <add>, %mul3A, %reduce_sum3A [1] : vector<4096x64xf32> to vector<4096xf32>
    %broadcast_in_dim3A = vector.shape_cast %reduce_sum3A_5 : vector<4096xf32> to vector<4096x1xf32>
    %sqrt3A = math.sqrt %broadcast_in_dim3A : vector<4096x1xf32>
    %mul3A_6 = arith.mulf %get3A_4, %get3A_4 : vector<4096x64xf32>
    %reduce_sum3A_7 = arith.constant dense<0.000000e+00> : vector<4096xf32>
    %reduce_sum3A_8 = vector.multi_reduction <add>, %mul3A_6, %reduce_sum3A_7 [1] : vector<4096x64xf32> to vector<4096xf32>
    %broadcast_in_dim3A_9 = vector.shape_cast %reduce_sum3A_8 : vector<4096xf32> to vector<4096x1xf32>
    %sqrt3A_10 = math.sqrt %broadcast_in_dim3A_9 : vector<4096x1xf32>
    %mul3A_11 = arith.mulf %get3A_4, %get3A_1 : vector<4096x64xf32>
    %mul3A_12 = arith.mulf %sqrt3A_10, %sqrt3A : vector<4096x1xf32>
    %div3A = vector.broadcast %mul3A_12 : vector<4096x1xf32> to vector<4096x64xf32>
    %div3A_13 = arith.divf %mul3A_11, %div3A : vector<4096x64xf32>
    %get3A_14 = arith.constant 0 : index
    %get3A_15 = arith.constant 0 : index
    %get3A_16 = vector.load %arg3[%get3A_14, %get3A_15] : memref<64x8xf32, #tpu.memory_space<vmem>>, vector<64x8xf32>
    %dot_general3A = arith.constant dense<0.000000e+00> : vector<4096x8xf32>
    %dot_general3A_17 = tpu.matmul %div3A_13, %get3A_16, %dot_general3A {dimension_numbers = #tpu.dot_dimension_numbers<[1], [0], [0], [1], [0, 0, 1, 1], [], []>, transpose_lhs_hint = false} : vector<4096x64xf32>, vector<64x8xf32>, vector<4096x8xf32> -> vector<4096x8xf32>
    %reduce_max3A = arith.constant dense<0xFF800000> : vector<4096xf32>
    %reduce_max3A_18 = vector.multi_reduction <maximumf>, %dot_general3A_17, %reduce_max3A [1] : vector<4096x8xf32> to vector<4096xf32>
    %broadcast_in_dim3A_19 = vector.shape_cast %reduce_max3A_18 : vector<4096xf32> to vector<4096x1xf32>
    %sub3A = vector.broadcast %broadcast_in_dim3A_19 : vector<4096x1xf32> to vector<4096x8xf32>
    %sub3A_20 = arith.subf %dot_general3A_17, %sub3A : vector<4096x8xf32>
    %exp3A = math.exp %sub3A_20 : vector<4096x8xf32>
    %reduce_sum3A_21 = arith.constant dense<0.000000e+00> : vector<4096xf32>
    %reduce_sum3A_22 = vector.multi_reduction <add>, %exp3A, %reduce_sum3A_21 [1] : vector<4096x8xf32> to vector<4096xf32>
    %broadcast_in_dim3A_23 = vector.shape_cast %reduce_sum3A_22 : vector<4096xf32> to vector<4096x1xf32>
    %div3A_24 = vector.broadcast %broadcast_in_dim3A_23 : vector<4096x1xf32> to vector<4096x8xf32>
    %div3A_25 = arith.divf %exp3A, %div3A_24 : vector<4096x8xf32>
    %get3A_26 = arith.constant 0 : index
    %get3A_27 = arith.constant 0 : index
    %get3A_28 = vector.load %arg4[%get3A_26, %get3A_27] : memref<8x64xf32, #tpu.memory_space<vmem>>, vector<8x64xf32>
    %dot_general3A_29 = arith.constant dense<0.000000e+00> : vector<4096x64xf32>
    %dot_general3A_30 = tpu.matmul %div3A_25, %get3A_28, %dot_general3A_29 {dimension_numbers = #tpu.dot_dimension_numbers<[1], [0], [0], [1], [0, 0, 1, 1], [], []>, transpose_lhs_hint = false} : vector<4096x8xf32>, vector<8x64xf32>, vector<4096x64xf32> -> vector<4096x64xf32>
    %mul3A_31 = arith.mulf %get3A_1, %dot_general3A_30 : vector<4096x64xf32>
    %get3A_32 = arith.constant 0 : index
    %get3A_33 = arith.constant 0 : index
    %get3A_34 = vector.load %arg5[%get3A_32, %get3A_33] : memref<64x32xf32, #tpu.memory_space<vmem>>, vector<64x32xf32>
    %dot_general3A_35 = arith.constant dense<0.000000e+00> : vector<4096x32xf32>
    %dot_general3A_36 = tpu.matmul %get3A_4, %get3A_34, %dot_general3A_35 {dimension_numbers = #tpu.dot_dimension_numbers<[1], [0], [0], [1], [0, 0, 1, 1], [], []>, transpose_lhs_hint = false} : vector<4096x64xf32>, vector<64x32xf32>, vector<4096x32xf32> -> vector<4096x32xf32>
    %get3A_37 = arith.constant 0 : index
    %get3A_38 = arith.constant 0 : index
    %get3A_39 = vector.load %arg6[%get3A_37, %get3A_38] : memref<64x32xf32, #tpu.memory_space<vmem>>, vector<64x32xf32>
    %dot_general3A_40 = arith.constant dense<0.000000e+00> : vector<4096x32xf32>
    %dot_general3A_41 = tpu.matmul %mul3A_31, %get3A_39, %dot_general3A_40 {dimension_numbers = #tpu.dot_dimension_numbers<[1], [0], [0], [1], [0, 0, 1, 1], [], []>, transpose_lhs_hint = false} : vector<4096x64xf32>, vector<64x32xf32>, vector<4096x32xf32> -> vector<4096x32xf32>
    %add3A = arith.addf %dot_general3A_36, %dot_general3A_41 : vector<4096x32xf32>
    %get3A_42 = arith.constant 0 : index
    %get3A_43 = arith.constant 0 : index
    %get3A_44 = vector.load %arg7[%get3A_42, %get3A_43] : memref<1x32xf32, #tpu.memory_space<vmem>>, vector<1x32xf32>
    %add3A_45 = vector.broadcast %get3A_44 : vector<1x32xf32> to vector<4096x32xf32>
    %add3A_46 = arith.addf %add3A, %add3A_45 : vector<4096x32xf32>
    %max3A = arith.constant 0.000000e+00 : f32
    %max3A_47 = vector.broadcast %max3A : f32 to vector<4096x32xf32>
    %max3A_48 = arith.maximumf %add3A_46, %max3A_47 : vector<4096x32xf32>
    %get3A_49 = arith.constant 0 : index
    %get3A_50 = arith.constant 0 : index
    %get3A_51 = vector.load %arg8[%get3A_49, %get3A_50] : memref<32x1xf32, #tpu.memory_space<vmem>>, vector<32x1xf32>
    %dot_general3A_52 = arith.constant dense<0.000000e+00> : vector<4096x1xf32>
    %dot_general3A_53 = tpu.matmul %max3A_48, %get3A_51, %dot_general3A_52 {dimension_numbers = #tpu.dot_dimension_numbers<[1], [0], [0], [1], [0, 0, 1, 1], [], []>, transpose_lhs_hint = false} : vector<4096x32xf32>, vector<32x1xf32>, vector<4096x1xf32> -> vector<4096x1xf32>
    %exp3A_54 = math.exp %dot_general3A_53 : vector<4096x1xf32>
    %mul3A_55 = vector.broadcast %exp3A_54 : vector<4096x1xf32> to vector<4096x64xf32>
    %mul3A_56 = arith.mulf %mul3A_31, %mul3A_55 : vector<4096x64xf32>
    %swap3A = arith.constant 0 : index
    %swap3A_57 = arith.constant 0 : index
    %swap3A_58 = vector.load %arg9[%swap3A, %swap3A_57] : memref<4096x80xf32, #tpu.memory_space<vmem>>, vector<4096x64xf32>
    tpu.vector_store %arg9[%swap3A, %swap3A_57], %mul3A_56 {strides = array<i32>} : memref<4096x80xf32, #tpu.memory_space<vmem>>, vector<4096x64xf32>,
    %iota3A = tpu.iota {dimensions = array<i32: 1>} : vector<4096x16xi32>
    %eq3A = arith.constant 0 : i32
    %eq3A_59 = vector.broadcast %eq3A : i32 to vector<4096x16xi32>
    %eq3A_60 = arith.cmpi eq, %iota3A, %eq3A_59 : vector<4096x16xi32>
    %jit3A = arith.constant 0.000000e+00 : f32
    %broadcast_in_dim3A_61 = vector.shape_cast %exp3A_54 : vector<4096x1xf32> to vector<4096x1xf32>
    %broadcast_in_dim3A_62 = vector.broadcast %broadcast_in_dim3A_61 : vector<4096x1xf32> to vector<4096x16xf32>
    %broadcast_in_dim3A_63 = vector.broadcast %jit3A : f32 to vector<4096x16xf32>
    %select_n3A = arith.select %eq3A_60, %broadcast_in_dim3A_62, %broadcast_in_dim3A_63 : vector<4096x16xi1>, vector<4096x16xf32>
    %swap3A_64 = arith.constant 0 : index
    %swap3A_65 = arith.constant 64 : index
    %swap3A_66 = vector.load %arg9[%swap3A_64, %swap3A_65] : memref<4096x80xf32, #tpu.memory_space<vmem>>, vector<4096x16xf32>
    tpu.vector_store %arg9[%swap3A_64, %swap3A_65], %select_n3A {strides = array<i32>} : memref<4096x80xf32, #tpu.memory_space<vmem>>, vector<4096x16xf32>,
    return
  }
  func.func @transform_0(%arg0: i32) -> (i32, i32) {
    %c0_i32 = arith.constant 0 : i32
    %c0_i32_0 = arith.constant 0 : i32
    return %arg0, %c0_i32 : i32, i32
  }
  func.func @transform_1(%arg0: i32) -> (i32, i32) {
    %c0_i32 = arith.constant 0 : i32
    %c0_i32_0 = arith.constant 0 : i32
    return %arg0, %c0_i32 : i32, i32
  }
  func.func @transform_2(%arg0: i32) -> (i32, i32) {
    %c0_i32 = arith.constant 0 : i32
    %c0_i32_0 = arith.constant 0 : i32
    %c0_i32_1 = arith.constant 0 : i32
    return %c0_i32, %c0_i32_0 : i32, i32
  }
  func.func @transform_3(%arg0: i32) -> (i32, i32) {
    %c0_i32 = arith.constant 0 : i32
    %c0_i32_0 = arith.constant 0 : i32
    %c0_i32_1 = arith.constant 0 : i32
    return %c0_i32, %c0_i32_0 : i32, i32
  }
  func.func @transform_4(%arg0: i32) -> (i32, i32) {
    %c0_i32 = arith.constant 0 : i32
    %c0_i32_0 = arith.constant 0 : i32
    %c0_i32_1 = arith.constant 0 : i32
    return %c0_i32, %c0_i32_0 : i32, i32
  }
  func.func @transform_5(%arg0: i32) -> (i32, i32) {
    %c0_i32 = arith.constant 0 : i32
    %c0_i32_0 = arith.constant 0 : i32
    %c0_i32_1 = arith.constant 0 : i32
    return %c0_i32, %c0_i32_0 : i32, i32
  }
  func.func @transform_6(%arg0: i32) -> (i32, i32) {
    %c0_i32 = arith.constant 0 : i32
    %c0_i32_0 = arith.constant 0 : i32
    %c0_i32_1 = arith.constant 0 : i32
    return %c0_i32, %c0_i32_0 : i32, i32
  }
  func.func @transform_7(%arg0: i32) -> (i32, i32) {
    %c0_i32 = arith.constant 0 : i32
    %c0_i32_0 = arith.constant 0 : i32
    %c0_i32_1 = arith.constant 0 : i32
    return %c0_i32, %c0_i32_0 : i32, i32
  }
  func.func @transform_8(%arg0: i32) -> (i32, i32) {
    %c0_i32 = arith.constant 0 : i32
    %c0_i32_0 = arith.constant 0 : i32
    return %arg0, %c0_i32 : i32, i32
  }
}

module attributes {stable_mosaic.version = 14 : i64} {
  func.func @_finalize_body(%arg0: memref<2x4096x80xf32, #tpu.memory_space<vmem>>, %arg1: memref<4096x64xf32, #tpu.memory_space<vmem>>, %arg2: memref<4096x64xf32, #tpu.memory_space<vmem>>) attributes {dimension_semantics = [], scalar_prefetch = 0 : i64, scratch_operands = 0 : i64, tpu.core_type = #tpu.core_type<tc>} {
    %get3A = arith.constant 0 : index
    %get3A_0 = arith.constant 0 : index
    %get3A_1 = arith.constant 0 : index
    %get3A_2 = vector.load %arg0[%get3A, %get3A_0, %get3A_1] : memref<2x4096x80xf32, #tpu.memory_space<vmem>>, vector<1x4096x64xf32>
    %get3A_3 = vector.shape_cast %get3A_2 : vector<1x4096x64xf32> to vector<4096x64xf32>
    %get3A_4 = arith.constant 1 : index
    %get3A_5 = arith.constant 0 : index
    %get3A_6 = arith.constant 0 : index
    %get3A_7 = vector.load %arg0[%get3A_4, %get3A_5, %get3A_6] : memref<2x4096x80xf32, #tpu.memory_space<vmem>>, vector<1x4096x64xf32>
    %get3A_8 = vector.shape_cast %get3A_7 : vector<1x4096x64xf32> to vector<4096x64xf32>
    %add3A = arith.addf %get3A_3, %get3A_8 : vector<4096x64xf32>
    %get3A_9 = arith.constant 0 : index
    %get3A_10 = arith.constant 0 : index
    %get3A_11 = arith.constant 64 : index
    %get3A_12 = vector.load %arg0[%get3A_9, %get3A_10, %get3A_11] : memref<2x4096x80xf32, #tpu.memory_space<vmem>>, vector<1x4096x1xf32>
    %get3A_13 = vector.shape_cast %get3A_12 : vector<1x4096x1xf32> to vector<4096x1xf32>
    %get3A_14 = arith.constant 1 : index
    %get3A_15 = arith.constant 0 : index
    %get3A_16 = arith.constant 64 : index
    %get3A_17 = vector.load %arg0[%get3A_14, %get3A_15, %get3A_16] : memref<2x4096x80xf32, #tpu.memory_space<vmem>>, vector<1x4096x1xf32>
    %get3A_18 = vector.shape_cast %get3A_17 : vector<1x4096x1xf32> to vector<4096x1xf32>
    %add3A_19 = arith.addf %get3A_13, %get3A_18 : vector<4096x1xf32>
    %gt3A = arith.constant 0.000000e+00 : f32
    %gt3A_20 = vector.broadcast %gt3A : f32 to vector<4096x1xf32>
    %gt3A_21 = arith.cmpf ogt, %add3A_19, %gt3A_20 : vector<4096x1xf32>
    %gt3A_22 = arith.constant 0.000000e+00 : f32
    %gt3A_23 = vector.broadcast %gt3A_22 : f32 to vector<4096x1xf32>
    %gt3A_24 = arith.cmpf ogt, %add3A_19, %gt3A_23 : vector<4096x1xf32>
    %jit3A = arith.constant 1.000000e+00 : f32
    %broadcast_in_dim3A = vector.broadcast %jit3A : f32 to vector<4096x1xf32>
    %select_n3A = arith.select %gt3A_24, %add3A_19, %broadcast_in_dim3A : vector<4096x1xi1>, vector<4096x1xf32>
    %div3A = vector.broadcast %select_n3A : vector<4096x1xf32> to vector<4096x64xf32>
    %div3A_25 = arith.divf %add3A, %div3A : vector<4096x64xf32>
    %jit3A_26 = arith.constant 0.000000e+00 : f32
    %broadcast_in_dim3A_27 = vector.shape_cast %gt3A_21 : vector<4096x1xi1> to vector<4096x1xi1>
    %broadcast_in_dim3A_28 = vector.broadcast %broadcast_in_dim3A_27 : vector<4096x1xi1> to vector<4096x64xi1>
    %broadcast_in_dim3A_29 = vector.broadcast %jit3A_26 : f32 to vector<4096x64xf32>
    %select_n3A_30 = arith.select %broadcast_in_dim3A_28, %div3A_25, %broadcast_in_dim3A_29 : vector<4096x64xi1>, vector<4096x64xf32>
    %get3A_31 = arith.constant 0 : index
    %get3A_32 = arith.constant 0 : index
    %get3A_33 = vector.load %arg1[%get3A_31, %get3A_32] : memref<4096x64xf32, #tpu.memory_space<vmem>>, vector<4096x64xf32>
    %add3A_34 = arith.addf %select_n3A_30, %get3A_33 : vector<4096x64xf32>
    %swap3A = arith.constant 0 : index
    %swap3A_35 = arith.constant 0 : index
    %swap3A_36 = vector.load %arg2[%swap3A, %swap3A_35] : memref<4096x64xf32, #tpu.memory_space<vmem>>, vector<4096x64xf32>
    tpu.vector_store %arg2[%swap3A, %swap3A_35], %add3A_34 {strides = array<i32>} : memref<4096x64xf32, #tpu.memory_space<vmem>>, vector<4096x64xf32>,
    return
  }
}

</mosaic_0001>

<sc_bundles>
// kernel: kernel.10.cloned.1.call-start
scs
__scs_entry_jumppad:
0x0: {  	(pc) =	sbr.rel $0x88, $3  }
0x1: {  	(tag) =	ssettag $0x0;
	lr =	simm.s32 $0x1  }
0x2: {  	[smem:$0x3F91] =	sst lr;
	_ =	strace $0xD0000000  }
0x3: {  	_ = 	snop  }
0x4: {  	_ = 	snop  }
0x5: {  	_ = 	snop  }
0x6: {  	_ = 	snop  }
0x7: {  	_ = 	snop  }
__scs_overlays_trampoline_lowered:
0x8: {  	[smem:$0x3FA0] =	sst s0  }
0x9: {  	[smem:$0x3FA1] =	sst s1  }
0xa: {  	[smem:$0x3FA2] =	sst s2  }
0xb: {  	[smem:$0x3FA3] =	sst s3  }
0xc: {  	[smem:$0x3FA4] =	sst s4  }
0xd: {  	[smem:$0x3FA5] =	sst s5  }
0xe: {  	[smem:$0x3FA6] =	sst s6  }
0xf: {  	[smem:$0x3FA7] =	sst s7  }
0x10: {  	[smem:$0x3FA8] =	sst s8  }
0x11: {  	[smem:$0x3FA9] =	sst s9;
	s0 =	simm.s32 @!p0 $0x0  }
0x12: {  	s1 =	sld [smem:$0x3F8F];
	s0 =	simm.s32 @p0 $0x1  }
0x13: {  	[smem:$0x3FAA] =	sst s0;
	s0 =	simm.s32 @!p1 $0x0  }
0x14: {  	s2 =	sld [smem:$0x3F8E];
	s0 =	simm.s32 @p1 $0x1  }
0x15: {  	[smem:$0x3FAB] =	sst s0;
	s0 =	simm.s32 @!p2 $0x0  }
0x16: {  	s3 =	sld [smem:$0x3FDB];
	s0 =	simm.s32 @p2 $0x1  }
0x17: {  	s4 =	simm.s32 $0x1BF5;
	[smem:$0x3FAD] =	sst s0  }
0x18: {  	s0 =	sld [smem:$0x3F90];
	_ =	swait.ge [sflag:s4], $0x0  }
0x19: {  	s7 =	sld [smem:$0x3F91]  }
0x1a: {  	s8 =	sadd.s32 $0xFFFFE003, lr  }
0x1b: {  	s9 =	sadd.s32 $0xFFFFFEF7, lr;
	s5 =	simm.s32 $0xFFFFFFFF;
	p2 =	slt.u32 s8, $0xFFFFF086  }
0x1c: {  	p1 =	slt.u32 s9, $0xF7A;
	s5 =	simm.s32 @!p2 $0x0  }
0x1d: {  	s5 =	simm.s32 @p1 $0x1;
	p0 =	seq.s32 s7, s2  }
0x1e: {  	s7 =	smul.u32 @!p0 $0xF7A, s2;
	p2 =	seq.s32 @!p0 s5, $0x0  }
0x1f: {  	s9 =	smul.u32 $0xF7A, s1;
	s8 =	simm.s32 @!p0 $0x1BF5;
	p2 =	por !p2, p0  }
0x20: {  	[sflag:s8] =	ssyncset.s32 @!p0 $0xFFFFF086;
	s6 =	sadd.s32 @!p0 s3, s7;
	s7 =	simm.s32 @!p0 $0x108  }
0x21: {  	s3 =	sadd.s32 s3, s9;
	s6 =	sadd.s32 @!p0 $0x88, s6;
	s7 =	simm.s32 @p2 $0x1082  }
0x22: {  	[simem:s7], [sflag:s8] =	dma.local @!p0 [hbm:s6], $0xF7A  }
0x23: {  	s9 =	sor.u32 $0xD0000000, s2;
	s6 =	simm.s32 $0x108;
	_ =	swait.ge @!p0 [sflag:s8], $0x0  }
0x24: {  	s3 =	sadd.s32 $0x88, s3;
	s6 =	simm.s32 @!p1 $0x1082;
	[sflag:s4] =	ssyncset.s32 $0xFFFFF086  }
0x25: {  	[simem:s6], [sflag:s4] =	dma.local [hbm:s3], $0xF7A  }
0x26: {  	[smem:$0x3F91] =	sst s1;
	(tag) =	ssettag s2;
	_ =	strace s9  }
0x27: {  	s1 =	sld [smem:$0x3FA1]  }
0x28: {  	s2 =	sld [smem:$0x3FA2]  }
0x29: {  	s4 =	sld [smem:$0x3FA4]  }
0x2a: {  	p0 =	seq.s32 s5, $0x0;
	s5 =	sld [smem:$0x3FA5]  }
0x2b: {  	s6 =	sld [smem:$0x3FA6]  }
0x2c: {  	s7 =	sld [smem:$0x3FA7]  }
0x2d: {  	s3 =	simm.s32 $0x108;
	s8 =	sld [smem:$0x3FA8]  }
0x2e: {  	s3 =	simm.s32 @!p0 $0x1082;
	s9 =	sld [smem:$0x3FA9]  }
0x2f: {  	lr =	sadd.s32 s0, s3;
	s0 =	sld [smem:$0x3FA0]  }
0x30: {  	s3 =	sld [smem:$0x3FA3]  }
0x31: {  	[smem:$0x3FAC] =	sst s10  }
0x32: {  	s10 =	sld [smem:$0x3FAA];
	_ =	sdelay $0x3  }
0x33: {  	p0 =	seq.s32 s10, $0x1;
	s10 =	sld [smem:$0x3FAC];
	_ =	sdelay $0x3  }
0x34: {  	[smem:$0x3FAC] =	sst s10  }
0x35: {  	s10 =	sld [smem:$0x3FAB];
	_ =	sdelay $0x3  }
0x36: {  	p1 =	seq.s32 s10, $0x1;
	s10 =	sld [smem:$0x3FAC];
	_ =	sdelay $0x3  }
0x37: {  	[smem:$0x3FAC] =	sst s10  }
0x38: {  	s10 =	sld [smem:$0x3FAD]  }
0x39: {  	_ = 	snop;
	(pc) =	sbr.ind lr, $3  }
0x3a: {  	_ = 	snop  }
0x3b: {  	_ = 	snop  }
0x3c: {  	p2 =	seq.s32 s10, $0x1;
	s10 =	sld [smem:$0x3FAC]  }
0x3d: {  	_ =	shalt  }
0x3e: {  	_ =	shalt  }
0x3f: {  	_ =	shalt  }
0x40: {  	_ =	shalt  }
0x41: {  	_ =	shalt  }
0x42: {  	_ =	shalt  }
0x43: {  	_ =	shalt  }
0x44: {  	_ =	shalt  }
0x45: {  	_ =	shalt  }
0x46: {  	_ =	shalt  }
0x47: {  	_ =	shalt  }
0x48: {  	_ =	shalt  }
0x49: {  	_ =	shalt  }
0x4a: {  	_ =	shalt  }
0x4b: {  	_ =	shalt  }
0x4c: {  	_ =	shalt  }
0x4d: {  	_ =	shalt  }
0x4e: {  	_ =	shalt  }
0x4f: {  	_ =	shalt  }
0x50: {  	_ =	shalt  }
0x51: {  	_ =	shalt  }
0x52: {  	_ =	shalt  }
0x53: {  	_ =	shalt  }
0x54: {  	_ =	shalt  }
0x55: {  	_ =	shalt  }
0x56: {  	_ =	shalt  }
0x57: {  	_ =	shalt  }
0x58: {  	_ =	shalt  }
0x59: {  	_ =	shalt  }
0x5a: {  	_ =	shalt  }
0x5b: {  	_ =	shalt  }
0x5c: {  	_ =	shalt  }
0x5d: {  	_ =	shalt  }
0x5e: {  	_ =	shalt  }
0x5f: {  	_ =	shalt  }
0x60: {  	_ =	shalt  }
0x61: {  	_ =	shalt  }
0x62: {  	_ =	shalt  }
0x63: {  	_ =	shalt  }
0x64: {  	_ =	shalt  }
0x65: {  	_ =	shalt  }
0x66: {  	_ =	shalt  }
0x67: {  	_ =	shalt  }
0x68: {  	_ =	shalt  }
0x69: {  	_ =	shalt  }
0x6a: {  	_ =	shalt  }
0x6b: {  	_ =	shalt  }
0x6c: {  	_ =	shalt  }
0x6d: {  	_ =	shalt  }
0x6e: {  	_ =	shalt  }
0x6f: {  	_ =	shalt  }
0x70: {  	_ =	shalt  }
0x71: {  	_ =	shalt  }
0x72: {  	_ =	shalt  }
0x73: {  	_ =	shalt  }
0x74: {  	_ =	shalt  }
0x75: {  	_ =	shalt  }
0x76: {  	_ =	shalt  }
0x77: {  	_ =	shalt  }
0x78: {  	_ =	shalt  }
0x79: {  	_ =	shalt  }
0x7a: {  	_ =	shalt  }
0x7b: {  	_ =	shalt  }
0x7c: {  	_ =	shalt  }
0x7d: {  	_ =	shalt  }
0x7e: {  	_ =	shalt  }
0x7f: {  	_ =	shalt  }
0x80: {  	_ =	shalt  }
0x81: {  	_ =	shalt  }
0x82: {  	_ =	shalt  }
0x83: {  	_ =	shalt  }
0x84: {  	_ =	shalt  }
0x85: {  	_ =	shalt  }
0x86: {  	_ =	shalt  }
0x87: {  	_ =	shalt  }
.Lfunc_end0:
.L_simem_size_0:
called_computation.1_lowered:
.L_overlay_start_0:
0x88: {  	s2 =	sld [smem:$0x3FD9]  }
0x89: {  	s3 =	sld [smem:$0x3FFE];
	_ =	sdelay $0x1  }
0x8a: {  	s1 =	srdreg.scid  }
0x8b: {  	s0 =	sand.u32 $0x1, s1  }
0x8c: {  	s14 =	sshll.u32 s0, $0xA;
	s2 =	sadd.s32 s3, s2  }
0x8d: {  	s2 =	sadd.s32 s2, s14  }
0x8e: {  	[smem:$0x3FB8] =	sst s2  }
0x8f: {  	_ = 	snop  }
0x90: {  	s2 =	sld [smem:$0x3FD0];
	_ =	sdelay $0x2  }
0x91: {  	s4 =	simm.s32 $0xA;
	s5 =	simm.s32 $0x10;
	s15 =	sld [smem:$0x3FC8]  }
0x92: {  	[smem:s5], [sflag:s4] =	dma.local [hbm:s2], $0x1  }
0x93: {  	_ =	swait.eq [sflag:s4], $0x1  }
0x94: {  	[sflag:s4] =	ssyncset.done $0x0  }
0x95: {  	[sflag:s4] =	ssyncadd.s32 $0xFFFFFFFF  }
0x96: {  	s16 =	sld [smem:$0x11];
	(tm) =	ssettm $0x1  }
0x97: {  	s17 =	sld [smem:$0x3FFB];
	_ =	sdelay $0x3  }
0x98: {  	_ =	strace s17  }
0x99: {  	s4 =	sld [smem:$0x3FFC];
	_ =	sdelay $0x3  }
0x9a: {  	_ =	strace s4  }
0x9b: {  	s4 =	sld [smem:$0x3FFD];
	_ =	sdelay $0x3  }
0x9c: {  	_ =	strace s4  }
0x9d: {  	_ =	strace $0x8FFFFFFF  }
0x9e: {  	s18 =	sld [smem:$0x3FDB];
	_ =	sdelay $0x1  }
0x9f: {  	s19 =	simm.s32 $_scs_section_size  }
0xa0: {  	s6 =	simm.s32 $_size__tile_overlayer_lowered;
	s7 =	simm.s32 $_tile_overlayer_lowered  }
0xa1: {  	s22 =	simm.s32 $0x1BFF;
	s21 =	sshll.u32 s7, $0x1;
	s4 =	sadd.s32 s19, s18  }
0xa2: {  	s8 =	simm.s32 $0x0;
	s20 =	sshll.u32 s6, $0x1;
	s6 =	sadd.s32 s21, s4  }
0xa3: {  	[timem:s8], [sflag:s22] =	dma.local [hbm:s6], s20  }
0xa4: {  	_ =	swait.ge [sflag:s22], s20  }
0xa5: {  	s5 =	ssub.s32 $0x0, s20;
	[sflag:s22] =	ssyncset.done $0x0  }
0xa6: {  	[sflag:s22] =	ssyncadd.s32 s5;
	_ =	sdelay $0x1  }
0xa7: {  	s23 =	simm.s32 $0x1B8B  }
0xa8: {  	_ =	swait.ge [sflag:s23], $0x1  }
0xa9: {  	[sflag:s23] =	ssyncset.done $0x0  }
0xaa: {  	s25 =	simm.s32 $0x1B8E;
	s24 =	sld [smem:$0x3FFE];
	[sflag:s23] =	ssyncadd.s32 $0xFFFFFFFF  }
0xab: {  	s26 =	simm.s32 $execute0_lowered;
	[smem:$0x3FD2] =	sst s25  }
0xac: {  	s6 =	sshll.u32 s26, $0x1;
	_ =	strace $0x80000049;
	[dreg:$0x1] =	wrdreg $0xFFFFFFFF  }
0xad: {  	s28 =	simm.s32 $_size_execute0_lowered;
	s4 =	sadd.s32 s4, s6;
	[dreg:$0x0] =	wrdreg $0x0  }
0xae: {  	s6 =	sshll.u32 s28, $0x1;
	[dreg:$0x2] =	wrdreg s4  }
0xaf: {  	[dreg:$0x3] =	wrdreg s6  }
0xb0: {  	[dreg:$0x4] =	wrdreg $0xC0  }
0xb1: {  	_ =	task [dreg:s8], $0x5FFFF  }
0xb2: {  	[dreg:$0x1] =	wrdreg $0xFFFFFFFF  }
0xb3: {  	[dreg:$0x0] =	wrdreg $0x60  }
0xb4: {  	[dreg:$0x2] =	wrdreg s24  }
0xb5: {  	[dreg:$0x3] =	wrdreg s15  }
0xb6: {  	[dreg:$0x4] =	wrdreg s16  }
0xb7: {  	[dreg:$0x5] =	wrdreg $0xB0000  }
0xb8: {  	[dreg:$0x6] =	wrdreg $0x9  }
0xb9: {  	_ =	task.clear_ibuf [dreg:s8], $0x7FFFF;
	_ =	strace $0x90000049  }
0xba: {  	s29 =	simm.s32 $0x9;
	_ =	strace $0x8000004B  }
0xbb: {  	_ =	swait.ge [sflag:s29], $0x1  }
0xbc: {  	[sflag:s29] =	ssyncadd.s32 $0xFFFFFFFF  }
0xbd: {  	_ =	strace $0x9000004B  }
0xbe: {  	_ =	sfence  }
0xbf: {  	s30 =	sld [smem:$0x0];
	_ =	sdelay $0x2  }
0xc0: {  	s31 =	sshll.u32 s1, $0xD;
	s1 =	sshrl.u32 s1, $0x2  }
0xc1: {  	s3 =	sand.u32 $0x4000, s31;
	s1 =	sadd.s32 s1, s30  }
0xc2: {  	s0 =	sor.u32 s3, s0;
	s1 =	sshll.u32 s1, $0x11  }
0xc3: {  	s0 =	sor.u32 s1, s0  }
0xc4: {  	s0 =	sadd.s32 $0x8F2B, s0  }
0xc5: {  	[sflag:s0] =	ssyncadd.remote.s32 $0x1  }
0xc6: {  	_ =	sfence.sel $0xFFFF  }
0xc7: {  	[dreg:$0x0] =	wrdreg $0xFFFFFFFF;
	(pc) =	sbr.abs _section_cstart, $3  }
0xc8: {  	[dreg:$0x1] =	wrdreg $0xFFFFFFFF  }
0xc9: {  	_ =	task.clear_ibuf [dreg:s8], $0x2FFFF;
	_ =	strace $0x9FFFFFFF  }
0xca: {  	(tm) =	ssettm $0x7FFFFFFF  }
0xcb: {  	_ =	shalt  }
tec
execute0_lowered:
.L_overlay_start_1:
0x0: {  	(tag) =	ssettag $0x1  }
0x1: {  	s5 =	rddreg [dreg:$0x0]  }
0x2: {  	s6 =	rddreg [dreg:$0x1]  }
0x3: {  	s2 =	rddreg [dreg:$0x2]  }
0x4: {  	s3 =	rddreg [dreg:$0x3]  }
0x5: {  	s0 =	rddreg [dreg:$0x4];
	s7 =	srdreg.scid  }
0x6: {  	s1 =	stileid.u32;
	s4 =	simm.s32 $0x0;
	s15 =	simm.s32 $0x2800  }
0x7: {  	s16 =	simm.s32 $0x1;
	s17 =	simm.s32 $0x80;
	s18 =	simm.s32 $0x2  }
0x8: {  	s19 =	simm.s32 $0x5F00;
	s20 =	simm.s32 $0x5F80;
	s21 =	simm.s32 $0x0  }
0x9: {  	s7 =	sand.u32 $0x1, s7;
	s8 =	smul.u32 $0x5000, s1;
	[smem:$0x7FF] =	sst s4  }
0xa: {  	s10 =	sadd.s32 $0x30C200, s5;
	s11 =	sshll.u32 s1, $0x1;
	s29 =	smul.u32 $0x14000, s1  }
0xb: {  	s9 =	smul.u32 $0x50000, s7;
	_ =	strace $0x8000004A;
	s12 =	ssub.s32 $0x2, s7  }
0xc: {  	s11 =	sor.u32 s7, s11;
	s31 =	smul.u32 $0xA000, s7;
	s13 =	sshrl.u32 s12, $0x1  }
0xd: {  	s14 =	smul.u32 $0xA000, s11;
	s30 =	sshll.u32 s11, $0x9;
	s9 =	sadd.s32 s8, s9  }
0xe: {  	s12 =	ssub.s32 s12, s13;
	s6 =	sadd.s32 s6, s30;
	s13 =	simm.s32 $0x3  }
0xf: {  	s9 =	sshrl.u32 s9, $0x3;
	s7 =	sadd.s32 s10, s14;
	s10 =	sadd.s32 s29, s10  }
0x10: {  	s14 =	simm.s32 $0x5000;
	s9 =	sadd.s32 s9, s5;
	s5 =	sadd.s32 s8, s3  }
0x11: {  	s11 =	sadd.s32 s31, s10;
	s10 =	sadd.s32 $0x9B00, s7;
	s8 =	sadd.s32 $0x4200, s9  }
0x12: {  	s9 =	smax.u32 s12, $0x1;
	s11 =	sadd.s32 $0xA00, s11;
	s12 =	simm.s32 $0x6000  }
.LBB2_1:
0x13: {  	[tilespmem:s12], [sflag:$0x3] =	stream.linear.gather [hbm4b:s2+s4], $0x5000, $0x38;
	[tilespmem:$0x10000] =	vst v63  }
0x14: {  	_ =	swait.ge [sflag:s13], $0x5000  }
0x15: {  	[sflag:s13] =	ssyncset.done $0x0  }
0x16: {  	[sflag:s13] =	ssyncadd.s32 $0xFFFFB000  }
0x17: {  	[spmem:s5] =	stream.linear.scatter [tilespmem:s12], [sflag:$0x3], $0x5000, $0x38;
	[tilespmem:$0x10000] =	vst v63  }
0x18: {  	_ =	swait.ge [sflag:s13], $0x5000  }
0x19: {  	[sflag:s13] =	ssyncset.done $0x0  }
0x1a: {  	[sflag:s13] =	ssyncadd.s32 $0xFFFFB000  }
0x1b: {  	[bflag:$0x0] =	sbarrier.arrive $0xFFFF  }
0x1c: {  	[tilespmem:s14], [sflag:$0x3] =	stream.linear.gather [hbm4b:s6+s4], $0x1000, $0x38;
	[tilespmem:$0x10000] =	vst v63  }
0x1d: {  	_ =	swait.ge [sflag:s13], $0x1000  }
0x1e: {  	[sflag:s13] =	ssyncset.done $0x0  }
0x1f: {  	[sflag:s13] =	ssyncadd.s32 $0xFFFFF000  }
0x20: {  	[tilespmem:s4], [sflag:$0x1] =	stream.linear.gather [hbm4b:s7+s4], $0x2800, $0x38;
	[tilespmem:$0x10000] =	vst v63  }
0x21: {  	s22 =	sadd.s32 $0xFFFFFB00, s11  }
0x22: {  	[tilespmem:s15], [sflag:$0x2] =	stream.linear.gather [hbm4b:s22+s4], $0x2800, $0x38;
	[tilespmem:$0x10000] =	vst v63  }
0x23: {  	_ =	swait.ge [sflag:s16], $0x2800  }
0x24: {  	[sflag:s16] =	ssyncset.done $0x0  }
0x25: {  	s30 =	simm.s32 $0x5000;
	[sflag:s16] =	ssyncadd.s32 $0xFFFFD800  }
0x26: {  	[spmem:s3] =	stream.indirect.scatter.add.f32 [tilespmem:s4], [sflag:$0x3], $0x50, s30, s17, $0xb8;
	[tilespmem:$0x10000] =	vst v63  }
0x27: {  	_ =	swait.ge [sflag:s13], $0x2800  }
0x28: {  	[sflag:s13] =	ssyncset.done $0x0  }
0x29: {  	[sflag:s13] =	ssyncadd.s32 $0xFFFFD800  }
0x2a: {  	[tilespmem:s4], [sflag:$0x1] =	stream.linear.gather [hbm4b:s11+s4], $0x2800, $0x38;
	[tilespmem:$0x10000] =	vst v63  }
0x2b: {  	_ =	swait.ge [sflag:s18], $0x2800  }
0x2c: {  	[sflag:s18] =	ssyncset.done $0x0  }
0x2d: {  	s31 =	simm.s32 $0x5080;
	[sflag:s18] =	ssyncadd.s32 $0xFFFFD800  }
0x2e: {  	[spmem:s3] =	stream.indirect.scatter.add.f32 [tilespmem:s15], [sflag:$0x3], $0x50, s31, s17, $0xb8;
	[tilespmem:$0x10000] =	vst v63  }
0x2f: {  	s23 =	simm.s32 $0x400;
	_ =	swait.ge [sflag:s13], $0x2800  }
0x30: {  	s24 =	simm.s32 $0x800;
	s22 =	sadd.s32 $0xA00, s11;
	[sflag:s13] =	ssyncset.done $0x0  }
.LBB2_2:
0x31: {  	p0 =	sne.s32 s24, $0x3800;
	s25 =	sadd.s32 $0xFFFFFB00, s22;
	[sflag:s13] =	ssyncadd.s32 $0xFFFFD800  }
0x32: {  	[tilespmem:s15], [sflag:$0x2] =	stream.linear.gather [hbm4b:s25+s4], $0x2800, $0x38;
	[tilespmem:$0x10000] =	vst v63  }
0x33: {  	s25 =	smov.u32 s24;
	s24 =	sadd.s32 $0x400, s24;
	_ =	swait.ge [sflag:s16], $0x2800  }
0x34: {  	s26 =	sshra.s32 s23, $0x2;
	s23 =	smov.u32 s25;
	[sflag:s16] =	ssyncset.done $0x0  }
0x35: {  	s25 =	sadd.s32 $0x5000, s26;
	[sflag:s16] =	ssyncadd.s32 $0xFFFFD800  }
0x36: {  	[spmem:s3] =	stream.indirect.scatter.add.f32 [tilespmem:s4], [sflag:$0x3], $0x50, s25, s17, $0xb8;
	[tilespmem:$0x10000] =	vst v63  }
0x37: {  	_ =	swait.ge [sflag:s13], $0x2800  }
0x38: {  	[sflag:s13] =	ssyncset.done $0x0  }
0x39: {  	[sflag:s13] =	ssyncadd.s32 $0xFFFFD800  }
0x3a: {  	[tilespmem:s4], [sflag:$0x1] =	stream.linear.gather [hbm4b:s22+s4], $0x2800, $0x38;
	[tilespmem:$0x10000] =	vst v63  }
0x3b: {  	_ =	swait.ge [sflag:s18], $0x2800  }
.Ltmp0:
0x3c: {  	[sflag:s18] =	ssyncset.done $0x0;
	(pc) =	sbr.rel @p0 .LBB2_2-.Ltmp0, $4  }
0x3d: {  	s25 =	sadd.s32 $0x5080, s26;
	[sflag:s18] =	ssyncadd.s32 $0xFFFFD800  }
0x3e: {  	[spmem:s3] =	stream.indirect.scatter.add.f32 [tilespmem:s15], [sflag:$0x3], $0x50, s25, s17, $0xb8;
	[tilespmem:$0x10000] =	vst v63  }
0x3f: {  	_ =	swait.ge [sflag:s13], $0x2800  }
0x40: {  	s22 =	sadd.s32 $0xA00, s22;
	[sflag:s13] =	ssyncset.done $0x0  }
0x41: {  	s24 =	sadd.s32 $0xFFFFFB00, s22;
	[sflag:s13] =	ssyncadd.s32 $0xFFFFD800  }
0x42: {  	[tilespmem:s15], [sflag:$0x2] =	stream.linear.gather [hbm4b:s24+s4], $0x2800, $0x38;
	[tilespmem:$0x10000] =	vst v63  }
0x43: {  	_ =	swait.ge [sflag:s16], $0x2800  }
0x44: {  	s23 =	sshra.s32 s23, $0x2;
	[sflag:s16] =	ssyncset.done $0x0  }
0x45: {  	s30 =	sadd.s32 $0x5000, s23;
	[sflag:s16] =	ssyncadd.s32 $0xFFFFD800  }
0x46: {  	[spmem:s3] =	stream.indirect.scatter.add.f32 [tilespmem:s4], [sflag:$0x3], $0x50, s30, s17, $0xb8;
	[tilespmem:$0x10000] =	vst v63  }
0x47: {  	_ =	swait.ge [sflag:s13], $0x2800  }
0x48: {  	[sflag:s13] =	ssyncset.done $0x0  }
0x49: {  	[sflag:s13] =	ssyncadd.s32 $0xFFFFD800  }
0x4a: {  	[tilespmem:s4], [sflag:$0x1] =	stream.linear.gather [hbm4b:s22+s4], $0x2800, $0x38;
	[tilespmem:$0x10000] =	vst v63  }
0x4b: {  	_ =	swait.ge [sflag:s18], $0x2800  }
0x4c: {  	[sflag:s18] =	ssyncset.done $0x0  }
0x4d: {  	s31 =	sadd.s32 $0x5080, s23;
	[sflag:s18] =	ssyncadd.s32 $0xFFFFD800  }
0x4e: {  	[spmem:s3] =	stream.indirect.scatter.add.f32 [tilespmem:s15], [sflag:$0x3], $0x50, s31, s17, $0xb8;
	[tilespmem:$0x10000] =	vst v63  }
0x4f: {  	_ =	swait.ge [sflag:s13], $0x2800  }
0x50: {  	[sflag:s13] =	ssyncset.done $0x0  }
0x51: {  	[sflag:s13] =	ssyncadd.s32 $0xFFFFD800  }
0x52: {  	[tilespmem:s15], [sflag:$0x2] =	stream.linear.gather [hbm4b:s10+s4], $0x2800, $0x38;
	[tilespmem:$0x10000] =	vst v63  }
0x53: {  	_ =	swait.ge [sflag:s16], $0x2800  }
0x54: {  	[sflag:s16] =	ssyncset.done $0x0  }
0x55: {  	[sflag:s16] =	ssyncadd.s32 $0xFFFFD800  }
0x56: {  	[spmem:s3] =	stream.indirect.scatter.add.f32 [tilespmem:s4], [sflag:$0x3], $0x50, s19, s17, $0xb8;
	[tilespmem:$0x10000] =	vst v63  }
0x57: {  	_ =	swait.ge [sflag:s13], $0x2800  }
0x58: {  	[sflag:s13] =	ssyncset.done $0x0  }
0x59: {  	[sflag:s13] =	ssyncadd.s32 $0xFFFFD800  }
0x5a: {  	_ =	swait.ge [sflag:s18], $0x2800  }
0x5b: {  	[sflag:s18] =	ssyncset.done $0x0  }
0x5c: {  	[sflag:s18] =	ssyncadd.s32 $0xFFFFD800  }
0x5d: {  	[spmem:s3] =	stream.indirect.scatter.add.f32 [tilespmem:s15], [sflag:$0x3], $0x50, s20, s17, $0xb8;
	[tilespmem:$0x10000] =	vst v63  }
0x5e: {  	_ =	swait.ge [sflag:s13], $0x2800  }
0x5f: {  	[sflag:s13] =	ssyncset.done $0x0  }
0x60: {  	[sflag:s13] =	ssyncadd.s32 $0xFFFFD800  }
0x61: {  	[bflag:$0x0] =	sbarrier.arrive $0xFFFF  }
0x62: {  	[tilespmem:s12], [sflag:$0x3] =	stream.linear.gather [spmem:s5], $0x5000, $0x38;
	[tilespmem:$0x10000] =	vst v63  }
0x63: {  	s21 =	sadd.s32 $0x1, s21;
	_ =	swait.ge [sflag:s13], $0x5000  }
0x64: {  	p0 =	sne.s32 s21, s9;
	[sflag:s13] =	ssyncset.done $0x0  }
.Ltmp1:
0x65: {  	[sflag:s13] =	ssyncadd.s32 $0xFFFFB000;
	(pc) =	sbr.rel @p0 .LBB2_1-.Ltmp1, $4  }
0x66: {  	[hbm4b:s8+s4] =	stream.linear.scatter [tilespmem:s12], [sflag:$0x3], $0x5000, $0x38;
	[tilespmem:$0x10000] =	vst v63  }
0x67: {  	_ =	swait.ge [sflag:s13], $0x5000  }
0x68: {  	[sflag:s13] =	ssyncset.done $0x0  }
0x69: {  	[sflag:s13] =	ssyncadd.s32 $0xFFFFB000  }
0x6a: {  	_ =	sfence.sel $0x180000  }
0x6b: {  	[bflag:$0x0] =	sbarrier.arrive $0xFFFF  }
0x6c: {  	p0 =	sne.s32 s1, $0x0;
	_ =	strace $0x9000004A  }
0x6d: {  	s0 =	sadd.s32 @!p0 $0x100000, s0;
	[bflag:$0x2] =	sbarrier.arrive $0xFFFF  }
0x6e: {  	[sflag:s0] =	ssyncadd.tile.s32 @!p0 $0x1;
	_ =	shalt  }
.Lfunc_end2:
_tile_overlayer_lowered:
.L_overlay_start_2:
0x6f: {  	(tag) =	ssettag $0x2  }
0x70: {  	s0 =	rddreg [dreg:$0x0];
	s2 =	stileid.u32  }
0x71: {  	s1 =	rddreg [dreg:$0x1];
	p0 =	sne.s32 s2, $0x0  }
0x72: {  	s3 =	rddreg [dreg:$0x2];
	[bflag:$0x3] =	sbarrier.arrive $0xFFFF;
	s2 =	simm.s32 @!p0 $0x1C03  }
0x73: {  	[timem:s3], [sflag:s2] =	dma.local @!p0 [hbm:s0], s1  }
0x74: {  	s0 =	simm.s32 @!p0 $0x3  }
0x75: {  	_ =	swait.ge @!p0 [sflag:s0], s1  }
0x76: {  	s1 =	ssub.s32 @!p0 $0x0, s1;
	[sflag:s0] =	ssyncset.done @!p0 $0x0  }
0x77: {  	[sflag:s0] =	ssyncadd.s32 @!p0 s1  }
0x78: {  	[bflag:$0x3] =	sbarrier.arrive $0xFFFF  }
0x79: {  	_ =	shalt  }

// kernel: kernel.13.cloned.1.call-start
scs
__scs_entry_jumppad:
0x0: {  	(pc) =	sbr.rel $0x88, $3  }
0x1: {  	(tag) =	ssettag $0x0;
	lr =	simm.s32 $0x1  }
0x2: {  	[smem:$0x3F91] =	sst lr;
	_ =	strace $0xD0000000  }
0x3: {  	_ = 	snop  }
0x4: {  	_ = 	snop  }
0x5: {  	_ = 	snop  }
0x6: {  	_ = 	snop  }
0x7: {  	_ = 	snop  }
__scs_overlays_trampoline_lowered:
0x8: {  	[smem:$0x3FA0] =	sst s0  }
0x9: {  	[smem:$0x3FA1] =	sst s1  }
0xa: {  	[smem:$0x3FA2] =	sst s2  }
0xb: {  	[smem:$0x3FA3] =	sst s3  }
0xc: {  	[smem:$0x3FA4] =	sst s4  }
0xd: {  	[smem:$0x3FA5] =	sst s5  }
0xe: {  	[smem:$0x3FA6] =	sst s6  }
0xf: {  	[smem:$0x3FA7] =	sst s7  }
0x10: {  	[smem:$0x3FA8] =	sst s8  }
0x11: {  	[smem:$0x3FA9] =	sst s9;
	s0 =	simm.s32 @!p0 $0x0  }
0x12: {  	s1 =	sld [smem:$0x3F8F];
	s0 =	simm.s32 @p0 $0x1  }
0x13: {  	[smem:$0x3FAA] =	sst s0;
	s0 =	simm.s32 @!p1 $0x0  }
0x14: {  	s2 =	sld [smem:$0x3F8E];
	s0 =	simm.s32 @p1 $0x1  }
0x15: {  	[smem:$0x3FAB] =	sst s0;
	s0 =	simm.s32 @!p2 $0x0  }
0x16: {  	s3 =	sld [smem:$0x3FDB];
	s0 =	simm.s32 @p2 $0x1  }
0x17: {  	s4 =	simm.s32 $0x1BF5;
	[smem:$0x3FAD] =	sst s0  }
0x18: {  	s0 =	sld [smem:$0x3F90];
	_ =	swait.ge [sflag:s4], $0x0  }
0x19: {  	s7 =	sld [smem:$0x3F91]  }
0x1a: {  	s8 =	sadd.s32 $0xFFFFE003, lr  }
0x1b: {  	s9 =	sadd.s32 $0xFFFFFEF7, lr;
	s5 =	simm.s32 $0xFFFFFFFF;
	p2 =	slt.u32 s8, $0xFFFFF086  }
0x1c: {  	p1 =	slt.u32 s9, $0xF7A;
	s5 =	simm.s32 @!p2 $0x0  }
0x1d: {  	s5 =	simm.s32 @p1 $0x1;
	p0 =	seq.s32 s7, s2  }
0x1e: {  	s7 =	smul.u32 @!p0 $0xF7A, s2;
	p2 =	seq.s32 @!p0 s5, $0x0  }
0x1f: {  	s9 =	smul.u32 $0xF7A, s1;
	s8 =	simm.s32 @!p0 $0x1BF5;
	p2 =	por !p2, p0  }
0x20: {  	[sflag:s8] =	ssyncset.s32 @!p0 $0xFFFFF086;
	s6 =	sadd.s32 @!p0 s3, s7;
	s7 =	simm.s32 @!p0 $0x108  }
0x21: {  	s3 =	sadd.s32 s3, s9;
	s6 =	sadd.s32 @!p0 $0x88, s6;
	s7 =	simm.s32 @p2 $0x1082  }
0x22: {  	[simem:s7], [sflag:s8] =	dma.local @!p0 [hbm:s6], $0xF7A  }
0x23: {  	s9 =	sor.u32 $0xD0000000, s2;
	s6 =	simm.s32 $0x108;
	_ =	swait.ge @!p0 [sflag:s8], $0x0  }
0x24: {  	s3 =	sadd.s32 $0x88, s3;
	s6 =	simm.s32 @!p1 $0x1082;
	[sflag:s4] =	ssyncset.s32 $0xFFFFF086  }
0x25: {  	[simem:s6], [sflag:s4] =	dma.local [hbm:s3], $0xF7A  }
0x26: {  	[smem:$0x3F91] =	sst s1;
	(tag) =	ssettag s2;
	_ =	strace s9  }
0x27: {  	s1 =	sld [smem:$0x3FA1]  }
0x28: {  	s2 =	sld [smem:$0x3FA2]  }
0x29: {  	s4 =	sld [smem:$0x3FA4]  }
0x2a: {  	p0 =	seq.s32 s5, $0x0;
	s5 =	sld [smem:$0x3FA5]  }
0x2b: {  	s6 =	sld [smem:$0x3FA6]  }
0x2c: {  	s7 =	sld [smem:$0x3FA7]  }
0x2d: {  	s3 =	simm.s32 $0x108;
	s8 =	sld [smem:$0x3FA8]  }
0x2e: {  	s3 =	simm.s32 @!p0 $0x1082;
	s9 =	sld [smem:$0x3FA9]  }
0x2f: {  	lr =	sadd.s32 s0, s3;
	s0 =	sld [smem:$0x3FA0]  }
0x30: {  	s3 =	sld [smem:$0x3FA3]  }
0x31: {  	[smem:$0x3FAC] =	sst s10  }
0x32: {  	s10 =	sld [smem:$0x3FAA];
	_ =	sdelay $0x3  }
0x33: {  	p0 =	seq.s32 s10, $0x1;
	s10 =	sld [smem:$0x3FAC];
	_ =	sdelay $0x3  }
0x34: {  	[smem:$0x3FAC] =	sst s10  }
0x35: {  	s10 =	sld [smem:$0x3FAB];
	_ =	sdelay $0x3  }
0x36: {  	p1 =	seq.s32 s10, $0x1;
	s10 =	sld [smem:$0x3FAC];
	_ =	sdelay $0x3  }
0x37: {  	[smem:$0x3FAC] =	sst s10  }
0x38: {  	s10 =	sld [smem:$0x3FAD]  }
0x39: {  	_ = 	snop;
	(pc) =	sbr.ind lr, $3  }
0x3a: {  	_ = 	snop  }
0x3b: {  	_ = 	snop  }
0x3c: {  	p2 =	seq.s32 s10, $0x1;
	s10 =	sld [smem:$0x3FAC]  }
0x3d: {  	_ =	shalt  }
0x3e: {  	_ =	shalt  }
0x3f: {  	_ =	shalt  }
0x40: {  	_ =	shalt  }
0x41: {  	_ =	shalt  }
0x42: {  	_ =	shalt  }
0x43: {  	_ =	shalt  }
0x44: {  	_ =	shalt  }
0x45: {  	_ =	shalt  }
0x46: {  	_ =	shalt  }
0x47: {  	_ =	shalt  }
0x48: {  	_ =	shalt  }
0x49: {  	_ =	shalt  }
0x4a: {  	_ =	shalt  }
0x4b: {  	_ =	shalt  }
0x4c: {  	_ =	shalt  }
0x4d: {  	_ =	shalt  }
0x4e: {  	_ =	shalt  }
0x4f: {  	_ =	shalt  }
0x50: {  	_ =	shalt  }
0x51: {  	_ =	shalt  }
0x52: {  	_ =	shalt  }
0x53: {  	_ =	shalt  }
0x54: {  	_ =	shalt  }
0x55: {  	_ =	shalt  }
0x56: {  	_ =	shalt  }
0x57: {  	_ =	shalt  }
0x58: {  	_ =	shalt  }
0x59: {  	_ =	shalt  }
0x5a: {  	_ =	shalt  }
0x5b: {  	_ =	shalt  }
0x5c: {  	_ =	shalt  }
0x5d: {  	_ =	shalt  }
0x5e: {  	_ =	shalt  }
0x5f: {  	_ =	shalt  }
0x60: {  	_ =	shalt  }
0x61: {  	_ =	shalt  }
0x62: {  	_ =	shalt  }
0x63: {  	_ =	shalt  }
0x64: {  	_ =	shalt  }
0x65: {  	_ =	shalt  }
0x66: {  	_ =	shalt  }
0x67: {  	_ =	shalt  }
0x68: {  	_ =	shalt  }
0x69: {  	_ =	shalt  }
0x6a: {  	_ =	shalt  }
0x6b: {  	_ =	shalt  }
0x6c: {  	_ =	shalt  }
0x6d: {  	_ =	shalt  }
0x6e: {  	_ =	shalt  }
0x6f: {  	_ =	shalt  }
0x70: {  	_ =	shalt  }
0x71: {  	_ =	shalt  }
0x72: {  	_ =	shalt  }
0x73: {  	_ =	shalt  }
0x74: {  	_ =	shalt  }
0x75: {  	_ =	shalt  }
0x76: {  	_ =	shalt  }
0x77: {  	_ =	shalt  }
0x78: {  	_ =	shalt  }
0x79: {  	_ =	shalt  }
0x7a: {  	_ =	shalt  }
0x7b: {  	_ =	shalt  }
0x7c: {  	_ =	shalt  }
0x7d: {  	_ =	shalt  }
0x7e: {  	_ =	shalt  }
0x7f: {  	_ =	shalt  }
0x80: {  	_ =	shalt  }
0x81: {  	_ =	shalt  }
0x82: {  	_ =	shalt  }
0x83: {  	_ =	shalt  }
0x84: {  	_ =	shalt  }
0x85: {  	_ =	shalt  }
0x86: {  	_ =	shalt  }
0x87: {  	_ =	shalt  }
.Lfunc_end0:
.L_simem_size_0:
called_computation.2_lowered:
.L_overlay_start_0:
0x88: {  	s2 =	sld [smem:$0x3FD9]  }
0x89: {  	s3 =	sld [smem:$0x3FFE];
	_ =	sdelay $0x1  }
0x8a: {  	s1 =	srdreg.scid  }
0x8b: {  	s0 =	sand.u32 $0x1, s1  }
0x8c: {  	s14 =	sshll.u32 s0, $0xA;
	s2 =	sadd.s32 s3, s2  }
0x8d: {  	s2 =	sadd.s32 s2, s14  }
0x8e: {  	[smem:$0x3FB8] =	sst s2  }
0x8f: {  	_ = 	snop  }
0x90: {  	s2 =	sld [smem:$0x3FD0]  }
0x91: {  	s15 =	sld [smem:$0x3FC6]  }
0x92: {  	s4 =	sld [smem:$0x3FC5]  }
0x93: {  	s6 =	simm.s32 $0xA;
	s7 =	simm.s32 $0x10;
	s5 =	sld [smem:$0x3FC4]  }
0x94: {  	[smem:s7], [sflag:s6] =	dma.local [hbm:s2], $0x1  }
0x95: {  	_ =	swait.eq [sflag:s6], $0x1  }
0x96: {  	[sflag:s6] =	ssyncset.done $0x0  }
0x97: {  	s16 =	sld [smem:$0x10];
	[sflag:s6] =	ssyncadd.s32 $0xFFFFFFFF  }
0x98: {  	s17 =	sld [smem:$0x11];
	(tm) =	ssettm $0x1  }
0x99: {  	s18 =	sld [smem:$0x3FFB];
	_ =	sdelay $0x3  }
0x9a: {  	_ =	strace s18  }
0x9b: {  	s7 =	sld [smem:$0x3FFC];
	_ =	sdelay $0x3  }
0x9c: {  	_ =	strace s7  }
0x9d: {  	s7 =	sld [smem:$0x3FFD];
	_ =	sdelay $0x3  }
0x9e: {  	_ =	strace s7  }
0x9f: {  	_ =	strace $0x8FFFFFFF  }
0xa0: {  	s19 =	sld [smem:$0x3FDB];
	_ =	sdelay $0x1  }
0xa1: {  	s8 =	simm.s32 $_scs_section_size  }
0xa2: {  	s9 =	simm.s32 $_size__tile_overlayer_lowered;
	s10 =	simm.s32 $_tile_overlayer_lowered  }
0xa3: {  	s22 =	simm.s32 $0x1BFF;
	s21 =	sshll.u32 s10, $0x1;
	s7 =	sadd.s32 s8, s19  }
0xa4: {  	s11 =	simm.s32 $0x0;
	s20 =	sshll.u32 s9, $0x1;
	s9 =	sadd.s32 s21, s7  }
0xa5: {  	[timem:s11], [sflag:s22] =	dma.local [hbm:s9], s20  }
0xa6: {  	_ =	swait.ge [sflag:s22], s20  }
0xa7: {  	s8 =	ssub.s32 $0x0, s20;
	[sflag:s22] =	ssyncset.done $0x0  }
0xa8: {  	[sflag:s22] =	ssyncadd.s32 s8;
	_ =	sdelay $0x1  }
0xa9: {  	s23 =	simm.s32 $0x1B8B  }
0xaa: {  	_ =	swait.ge [sflag:s23], $0x1  }
0xab: {  	[sflag:s23] =	ssyncset.done $0x0  }
0xac: {  	s25 =	simm.s32 $0x1B8E;
	s24 =	sld [smem:$0x3FFE];
	[sflag:s23] =	ssyncadd.s32 $0xFFFFFFFF  }
0xad: {  	s26 =	simm.s32 $execute0_lowered;
	[smem:$0x3FD2] =	sst s25  }
0xae: {  	s9 =	sshll.u32 s26, $0x1;
	_ =	strace $0x8000004C;
	[dreg:$0x1] =	wrdreg $0xFFFFFFFF  }
0xaf: {  	s28 =	simm.s32 $_size_execute0_lowered;
	s7 =	sadd.s32 s7, s9;
	[dreg:$0x0] =	wrdreg $0x0  }
0xb0: {  	s9 =	sshll.u32 s28, $0x1;
	[dreg:$0x2] =	wrdreg s7  }
0xb1: {  	[dreg:$0x3] =	wrdreg s9  }
0xb2: {  	[dreg:$0x4] =	wrdreg $0xC0  }
0xb3: {  	_ =	task [dreg:s11], $0x5FFFF  }
0xb4: {  	[dreg:$0x1] =	wrdreg $0xFFFFFFFF  }
0xb5: {  	[dreg:$0x0] =	wrdreg $0x60  }
0xb6: {  	[dreg:$0x2] =	wrdreg s15  }
0xb7: {  	[dreg:$0x3] =	wrdreg s4  }
0xb8: {  	[dreg:$0x4] =	wrdreg s5  }
0xb9: {  	[dreg:$0x5] =	wrdreg s24  }
0xba: {  	[dreg:$0x6] =	wrdreg s16  }
0xbb: {  	[dreg:$0x7] =	wrdreg s17  }
0xbc: {  	[dreg:$0x8] =	wrdreg $0x9  }
0xbd: {  	_ =	task.clear_ibuf [dreg:s11], $0x9FFFF;
	_ =	strace $0x9000004C  }
0xbe: {  	s29 =	simm.s32 $0x9;
	_ =	strace $0x8000004E  }
0xbf: {  	_ =	swait.ge [sflag:s29], $0x1  }
0xc0: {  	[sflag:s29] =	ssyncadd.s32 $0xFFFFFFFF  }
0xc1: {  	_ =	strace $0x9000004E  }
0xc2: {  	_ =	sfence  }
0xc3: {  	s30 =	sld [smem:$0x0];
	_ =	sdelay $0x2  }
0xc4: {  	s31 =	sshll.u32 s1, $0xD;
	s1 =	sshrl.u32 s1, $0x2  }
0xc5: {  	s3 =	sand.u32 $0x4000, s31;
	s1 =	sadd.s32 s1, s30  }
0xc6: {  	s0 =	sor.u32 s3, s0;
	s1 =	sshll.u32 s1, $0x11  }
0xc7: {  	s0 =	sor.u32 s1, s0  }
0xc8: {  	s0 =	sadd.s32 $0x8F2B, s0  }
0xc9: {  	[sflag:s0] =	ssyncadd.remote.s32 $0x1  }
0xca: {  	_ =	sfence.sel $0xFFFF  }
0xcb: {  	[dreg:$0x0] =	wrdreg $0xFFFFFFFF;
	(pc) =	sbr.abs _section_cstart, $3  }
0xcc: {  	[dreg:$0x1] =	wrdreg $0xFFFFFFFF  }
0xcd: {  	_ =	task.clear_ibuf [dreg:s11], $0x2FFFF;
	_ =	strace $0x9FFFFFFF  }
0xce: {  	(tm) =	ssettm $0x7FFFFFFF  }
0xcf: {  	_ =	shalt  }
tec
execute0_lowered:
.L_overlay_start_1:
0x0: {  	(tag) =	ssettag $0x1  }
0x1: {  	s0 =	rddreg [dreg:$0x0]  }
0x2: {  	s2 =	rddreg [dreg:$0x1]  }
0x3: {  	s5 =	rddreg [dreg:$0x2]  }
0x4: {  	s4 =	rddreg [dreg:$0x3]  }
0x5: {  	s6 =	rddreg [dreg:$0x4]  }
0x6: {  	s7 =	rddreg [dreg:$0x5];
	s1 =	simm.s32 $0x0  }
0x7: {  	s3 =	srdreg.scid;
	s11 =	stileid.u32;
	s14 =	simm.s32 $0x80  }
0x8: {  	s18 =	simm.s32 $0x4800;
	s19 =	simm.s32 $0x8800;
	s20 =	simm.s32 $0xC800  }
0x9: {  	s21 =	simm.s32 $0x1;
	s22 =	simm.s32 $0x3;
	s23 =	simm.s32 $0x5  }
0xa: {  	s24 =	simm.s32 $0xE800;
	s25 =	simm.s32 $0xE980;
	s28 =	simm.s32 $0x4  }
0xb: {  	v0 =	vlaneseq.u32;
	s29 =	simm.s32 $0x6;
	[smem:$0x7FF] =	sst s1;
	s8 =	sand.u32 $0x1, s3  }
0xc: {  	s3 =	sadd.s32 $0x4200, s4;
	s11 =	sshll.u32 s11, $0x9;
	s4 =	sadd.s32 $0x18200, s4;
	v0 =	vmul.u32 $0x18, v0  }
0xd: {  	_ =	strace $0x8000004D;
	s9 =	ssub.s32 $0x2, s8;
	s8 =	sshll.u32 s8, $0x8  }
0xe: {  	s10 =	sshrl.u32 s9, $0x1;
	s26 =	sor.u32 s8, s11;
	s11 =	simm.s32 $0x7;
	v1 =	vor.u32 $0x1, v0;
	v2 =	vor.u32 $0x2, v0;
	v3 =	vor.u32 $0x3, v0  }
0xf: {  	v4 =	vor.u32 $0x4, v0;
	v5 =	vor.u32 $0x5, v0;
	v6 =	vor.u32 $0x6, v0;
	s10 =	ssub.s32 s9, s10;
	s0 =	sadd.s32 s0, s26;
	s30 =	sadd.s32 s2, s26  }
0x10: {  	v7 =	vor.u32 $0x7, v0;
	v8 =	vadd.s32 $0x8, v0;
	v9 =	vadd.s32 $0x9, v0;
	s31 =	sadd.s32 s5, s26;
	s8 =	sadd.s32 s6, s26;
	[dreg:$0x7] =	wrdreg s0  }
0x11: {  	v10 =	vadd.s32 $0xA, v0;
	v11 =	vadd.s32 $0xB, v0;
	v12 =	vadd.s32 $0xC, v0;
	s9 =	sadd.s32 s7, s26;
	s26 =	simm.s32 $0x2;
	[dreg:$0x8] =	wrdreg s30  }
0x12: {  	v13 =	vadd.s32 $0xD, v0;
	v14 =	vadd.s32 $0xE, v0;
	v15 =	vadd.s32 $0xF, v0;
	[dreg:$0x9] =	wrdreg s31;
	s10 =	smax.u32 s10, $0x1;
	s0 =	simm.s32 $0x0  }
.LBB2_1:
0x13: {  	s2 =	rddreg [dreg:$0x7]  }
0x14: {  	[tilespmem:s1], [sflag:$0x7] =	stream.linear.gather [hbm4b:s2+s1], $0x800, $0x38;
	[tilespmem:$0xEB00] =	vst v63  }
0x15: {  	_ =	swait.ge [sflag:s11], $0x800  }
0x16: {  	[sflag:s11] =	ssyncset.done $0x0  }
0x17: {  	s5 =	simm.s32 $0x800;
	s15 =	rddreg [dreg:$0x8];
	[sflag:s11] =	ssyncadd.s32 $0xFFFFF800  }
0x18: {  	[tilespmem:s5], [sflag:$0x7] =	stream.linear.gather [hbm4b:s15+s1], $0x800, $0x38;
	[tilespmem:$0xEB00] =	vst v63  }
0x19: {  	_ =	swait.ge [sflag:s11], $0x800  }
0x1a: {  	[sflag:s11] =	ssyncset.done $0x0  }
0x1b: {  	s6 =	simm.s32 $0x1000;
	s16 =	rddreg [dreg:$0x9];
	[sflag:s11] =	ssyncadd.s32 $0xFFFFF800  }
0x1c: {  	[tilespmem:s6], [sflag:$0x7] =	stream.linear.gather [hbm4b:s16+s1], $0x800, $0x38;
	[tilespmem:$0xEB00] =	vst v63  }
0x1d: {  	_ =	swait.ge [sflag:s11], $0x800  }
0x1e: {  	[sflag:s11] =	ssyncset.done $0x0  }
0x1f: {  	s17 =	simm.s32 $0x2800;
	[sflag:s11] =	ssyncadd.s32 $0xFFFFF800  }
0x20: {  	[tilespmem:s17], [sflag:$0x1] =	stream.indirect.gather [hbm4b:s3+s14], $0x40, s1, s14, $0xb8;
	[tilespmem:$0xEB00] =	vst v63  }
0x21: {  	s30 =	simm.s32 $0x6800  }
0x22: {  	[tilespmem:s30], [sflag:$0x3] =	stream.indirect.gather [hbm4b:s4+s14], $0x40, s5, s14, $0xb8;
	[tilespmem:$0xEB00] =	vst v63  }
0x23: {  	s31 =	simm.s32 $0xA800;
	s2 =	simm.s32 $0x0  }
0x24: {  	[tilespmem:s31], [sflag:$0x5] =	stream.indirect.gather [hbm4b:s4+s14], $0x40, s6, s14, $0xb8;
	[tilespmem:$0xEB00] =	vst v63  }
.LBB2_2:
0x25: {  	s16 =	sshll.u32 s2, $0x8  }
0x26: {  	s15 =	sor.u32 $0x80, s16  }
0x27: {  	[tilespmem:s18], [sflag:$0x2] =	stream.indirect.gather [hbm4b:s3+s14], $0x40, s15, s14, $0xb8;
	[tilespmem:$0xEB00] =	vst v63  }
0x28: {  	s5 =	sadd.s32 $0x880, s16  }
0x29: {  	[tilespmem:s19], [sflag:$0x4] =	stream.indirect.gather [hbm4b:s4+s14], $0x40, s5, s14, $0xb8;
	[tilespmem:$0xEB00] =	vst v63  }
0x2a: {  	s17 =	sadd.s32 $0x1080, s16  }
0x2b: {  	[tilespmem:s20], [sflag:$0x6] =	stream.indirect.gather [hbm4b:s4+s14], $0x40, s17, s14, $0xb8;
	[tilespmem:$0xEB00] =	vst v63  }
0x2c: {  	_ =	swait.ge [sflag:s21], $0x2000  }
0x2d: {  	[sflag:s21] =	ssyncset.done $0x0  }
0x2e: {  	[sflag:s21] =	ssyncadd.s32 $0xFFFFE000  }
0x2f: {  	_ =	swait.ge [sflag:s22], $0x2000  }
0x30: {  	[sflag:s22] =	ssyncset.done $0x0  }
0x31: {  	[sflag:s22] =	ssyncadd.s32 $0xFFFFE000  }
0x32: {  	_ =	swait.ge [sflag:s23], $0x2000  }
0x33: {  	s30 =	simm.s32 $0x2820;
	s31 =	simm.s32 $0x6830;
	[sflag:s23] =	ssyncset.done $0x0  }
0x34: {  	s12 =	simm.s32 $0xA830;
	v16 =	vmov s16;
	s17 =	simm.s32 $0x0;
	[sflag:s23] =	ssyncadd.s32 $0xFFFFE000  }
.LBB2_3:
0x35: {  	v19 =	vmov s31;
	_ =	sdelay $0x3  }
0x36: {  	v17 =	vmov s30;
	s5 =	simm.s32 $0x0  }
0x37: {  	v18 =	vmov s12;
	v20 =	vld.idx.msk [tilespmem:v19+s5+$0x0 ss:$0x1], $0xffff  }
0x38: {  	v21 =	vld.idx.msk [tilespmem:v19+s5+$0xFFFFFFF0 ss:$0x1], $0xffff  }
0x39: {  	v22 =	vld.idx.msk [tilespmem:v19+s5+$0xFFFFFFE0 ss:$0x1], $0xffff  }
0x3a: {  	v23 =	vld.idx.msk [tilespmem:v19+s5+$0xFFFFFFD0 ss:$0x1], $0xffff  }
0x3b: {  	v24 =	vld.idx.msk [tilespmem:v17+s5+$0xFFFFFFE0 ss:$0x1], $0xffff  }
0x3c: {  	v25 =	vld.idx.msk [tilespmem:v18+s5+$0xFFFFFFD0 ss:$0x1], $0xffff  }
0x3d: {  	v26 =	vld.idx.msk [tilespmem:v17+s5+$0xFFFFFFF0 ss:$0x1], $0xffff  }
0x3e: {  	v27 =	vld.idx.msk [tilespmem:v18+s5+$0xFFFFFFE0 ss:$0x1], $0xffff  }
0x3f: {  	v28 =	vld.idx.msk [tilespmem:v17+s5+$0x0 ss:$0x1], $0xffff  }
0x40: {  	v29 =	vld.idx.msk [tilespmem:v18+s5+$0xFFFFFFF0 ss:$0x1], $0xffff;
	v23 =	vmul.f32 v23, v24  }
0x41: {  	v30 =	vld.idx.msk [tilespmem:v17+s5+$0x10 ss:$0x1], $0xffff;
	v24 =	vmul.f32 v25, v24  }
0x42: {  	v25 =	vld.idx.msk [tilespmem:v18+s5+$0x0 ss:$0x1], $0xffff;
	v22 =	vmul.f32 v22, v26;
	v23 =	vadd.f32 $0.0e+00, v23  }
0x43: {  	v26 =	vmul.f32 v27, v26;
	v24 =	vadd.f32 $0.0e+00, v24  }
0x44: {  	v21 =	vmul.f32 v21, v28;
	v22 =	vadd.f32 v22, v23  }
0x45: {  	v23 =	vadd.f32 v26, v24;
	v24 =	vmul.f32 v29, v28  }
0x46: {  	v20 =	vmul.f32 v20, v30;
	v21 =	vadd.f32 v21, v22  }
0x47: {  	v22 =	vadd.f32 v24, v23;
	v23 =	vmul.f32 v25, v30  }
0x48: {  	v20 =	vadd.f32 v20, v21  }
0x49: {  	s5 =	simm.s32 $0xE800;
	v21 =	vadd.f32 v23, v22  }
0x4a: {  	s13 =	simm.s32 $0xE980;
	[tilespmem:s5+$0x0] =	vst v20  }
0x4b: {  	s7 =	simm.s32 $0x40;
	[tilespmem:s13+$0x0] =	vst v21  }
0x4c: {  	v20 =	vld.idx.msk [tilespmem:v19+s7+$0x0 ss:$0x1], $0xffff  }
0x4d: {  	v21 =	vld.idx.msk [tilespmem:v19+s7+$0xFFFFFFF0 ss:$0x1], $0xffff  }
0x4e: {  	v22 =	vld.idx.msk [tilespmem:v19+s7+$0xFFFFFFE0 ss:$0x1], $0xffff  }
0x4f: {  	v24 =	vld.idx.msk [tilespmem:v19+s7+$0xFFFFFFD0 ss:$0x1], $0xffff  }
0x50: {  	s6 =	simm.s32 $0x200;
	v23 =	vld.idx.msk [tilespmem:v17+s7+$0xFFFFFFE0 ss:$0x1], $0xffff  }
.LBB2_4:
0x51: {  	p0 =	sne.s32 s6, $0xF00;
	v25 =	vld.idx.msk [tilespmem:v18+s7+$0xFFFFFFD0 ss:$0x1], $0xffff  }
0x52: {  	v26 =	vld.idx.msk [tilespmem:v17+s7+$0xFFFFFFF0 ss:$0x1], $0xffff  }
0x53: {  	v27 =	vld.idx.msk [tilespmem:v18+s7+$0xFFFFFFE0 ss:$0x1], $0xffff  }
0x54: {  	v28 =	vld.idx.msk [tilespmem:v17+s7+$0x0 ss:$0x1], $0xffff  }
0x55: {  	v29 =	vld.idx.msk [tilespmem:v18+s7+$0xFFFFFFF0 ss:$0x1], $0xffff  }
0x56: {  	v24 =	vmul.f32 v24, v23;
	v30 =	vld.idx.msk [tilespmem:v17+s7+$0x10 ss:$0x1], $0xffff  }
0x57: {  	v23 =	vmul.f32 v25, v23;
	v25 =	vld.idx.msk [tilespmem:v18+s7+$0x0 ss:$0x1], $0xffff  }
0x58: {  	v24 =	vadd.f32 $0.0e+00, v24;
	v22 =	vmul.f32 v22, v26  }
0x59: {  	v23 =	vadd.f32 $0.0e+00, v23;
	v26 =	vmul.f32 v27, v26  }
0x5a: {  	v22 =	vadd.f32 v22, v24;
	v21 =	vmul.f32 v21, v28  }
0x5b: {  	v23 =	vadd.f32 v26, v23;
	v24 =	vmul.f32 v29, v28  }
0x5c: {  	v21 =	vadd.f32 v21, v22;
	v20 =	vmul.f32 v20, v30  }
0x5d: {  	v22 =	vadd.f32 v24, v23;
	v23 =	vmul.f32 v25, v30  }
0x5e: {  	v20 =	vadd.f32 v20, v21  }
0x5f: {  	s5 =	sadd.s32 $0x18, s5;
	v21 =	vadd.f32 v23, v22  }
0x60: {  	s13 =	sadd.s32 $0x18, s13;
	[tilespmem:s5+$0x0] =	vst v20  }
0x61: {  	s7 =	sshra.s32 s6, $0x2;
	[tilespmem:s13+$0x0] =	vst v21  }
.Ltmp0:
0x62: {  	v20 =	vld.idx.msk [tilespmem:v19+s7+$0x0 ss:$0x1], $0xffff;
	(pc) =	sbr.rel @p0 .LBB2_4-.Ltmp0, $4  }
0x63: {  	v21 =	vld.idx.msk [tilespmem:v19+s7+$0xFFFFFFF0 ss:$0x1], $0xffff  }
0x64: {  	v22 =	vld.idx.msk [tilespmem:v19+s7+$0xFFFFFFE0 ss:$0x1], $0xffff  }
0x65: {  	v24 =	vld.idx.msk [tilespmem:v19+s7+$0xFFFFFFD0 ss:$0x1], $0xffff  }
0x66: {  	s6 =	sadd.s32 $0x100, s6;
	v23 =	vld.idx.msk [tilespmem:v17+s7+$0xFFFFFFE0 ss:$0x1], $0xffff  }
0x67: {  	_ =	sdelay $0x3  }
0x68: {  	v19 =	vld.idx.msk [tilespmem:v18+s7+$0xFFFFFFD0 ss:$0x1], $0xffff  }
0x69: {  	v25 =	vld.idx.msk [tilespmem:v17+s7+$0xFFFFFFF0 ss:$0x1], $0xffff  }
0x6a: {  	v26 =	vld.idx.msk [tilespmem:v18+s7+$0xFFFFFFE0 ss:$0x1], $0xffff  }
0x6b: {  	v27 =	vld.idx.msk [tilespmem:v17+s7+$0x0 ss:$0x1], $0xffff  }
0x6c: {  	v28 =	vld.idx.msk [tilespmem:v18+s7+$0xFFFFFFF0 ss:$0x1], $0xffff;
	v24 =	vmul.f32 v24, v23  }
0x6d: {  	v17 =	vld.idx.msk [tilespmem:v17+s7+$0x10 ss:$0x1], $0xffff;
	v19 =	vmul.f32 v19, v23  }
0x6e: {  	v18 =	vld.idx.msk [tilespmem:v18+s7+$0x0 ss:$0x1], $0xffff;
	v22 =	vmul.f32 v22, v25;
	v37 =	vadd.f32 $0.0e+00, v24  }
0x6f: {  	v38 =	vmul.f32 v26, v25;
	v19 =	vadd.f32 $0.0e+00, v19  }
0x70: {  	v21 =	vmul.f32 v21, v27;
	v22 =	vadd.f32 v22, v37  }
0x71: {  	v39 =	vmul.f32 v28, v27;
	v19 =	vadd.f32 v38, v19  }
0x72: {  	v20 =	vmul.f32 v20, v17;
	v21 =	vadd.f32 v21, v22  }
0x73: {  	v17 =	vmul.f32 v18, v17;
	v19 =	vadd.f32 v39, v19  }
0x74: {  	v18 =	vadd.f32 v20, v21  }
0x75: {  	s5 =	sadd.s32 $0x18, s5;
	v17 =	vadd.f32 v17, v19  }
0x76: {  	s7 =	sadd.s32 $0x18, s13;
	[tilespmem:s5+$0x0] =	vst v18  }
0x77: {  	[tilespmem:s7+$0x0] =	vst v17  }
0x78: {  	v17 =	vld.idx.msk [tilespmem:v0+s24+$0x0], $0xffff  }
0x79: {  	v18 =	vld.idx.msk [tilespmem:v0+s25+$0x0], $0xffff  }
0x7a: {  	v19 =	vld.idx.msk [tilespmem:v1+s24+$0x0], $0xffff  }
0x7b: {  	v40 =	vld.idx.msk [tilespmem:v1+s25+$0x0], $0xffff  }
0x7c: {  	v41 =	vld.idx.msk [tilespmem:v2+s24+$0x0], $0xffff  }
0x7d: {  	v42 =	vld.idx.msk [tilespmem:v2+s25+$0x0], $0xffff;
	v17 =	vadd.f32 $0.0e+00, v17  }
0x7e: {  	v43 =	vld.idx.msk [tilespmem:v3+s24+$0x0], $0xffff;
	v18 =	vadd.f32 $0.0e+00, v18  }
0x7f: {  	v17 =	vadd.f32 v19, v17;
	v19 =	vld.idx.msk [tilespmem:v3+s25+$0x0], $0xffff  }
0x80: {  	v44 =	vld.idx.msk [tilespmem:v4+s24+$0x0], $0xffff;
	v18 =	vadd.f32 v40, v18  }
0x81: {  	v45 =	vld.idx.msk [tilespmem:v4+s25+$0x0], $0xffff;
	v17 =	vadd.f32 v41, v17  }
0x82: {  	v46 =	vld.idx.msk [tilespmem:v5+s24+$0x0], $0xffff;
	v18 =	vadd.f32 v42, v18  }
0x83: {  	v47 =	vld.idx.msk [tilespmem:v5+s25+$0x0], $0xffff;
	v17 =	vadd.f32 v43, v17  }
0x84: {  	v18 =	vadd.f32 v19, v18;
	v19 =	vld.idx.msk [tilespmem:v6+s24+$0x0], $0xffff  }
0x85: {  	v48 =	vld.idx.msk [tilespmem:v6+s25+$0x0], $0xffff;
	v17 =	vadd.f32 v44, v17  }
0x86: {  	v49 =	vld.idx.msk [tilespmem:v7+s24+$0x0], $0xffff;
	v18 =	vadd.f32 v45, v18  }
0x87: {  	v50 =	vld.idx.msk [tilespmem:v7+s25+$0x0], $0xffff;
	v17 =	vadd.f32 v46, v17  }
0x88: {  	v51 =	vld.idx.msk [tilespmem:v8+s24+$0x0], $0xffff;
	v18 =	vadd.f32 v47, v18  }
0x89: {  	v17 =	vadd.f32 v19, v17;
	v19 =	vld.idx.msk [tilespmem:v8+s25+$0x0], $0xffff  }
0x8a: {  	v52 =	vld.idx.msk [tilespmem:v9+s24+$0x0], $0xffff;
	v18 =	vadd.f32 v48, v18  }
0x8b: {  	v53 =	vld.idx.msk [tilespmem:v9+s25+$0x0], $0xffff;
	v17 =	vadd.f32 v49, v17  }
0x8c: {  	v54 =	vld.idx.msk [tilespmem:v10+s24+$0x0], $0xffff;
	v18 =	vadd.f32 v50, v18  }
0x8d: {  	v55 =	vld.idx.msk [tilespmem:v10+s25+$0x0], $0xffff;
	v17 =	vadd.f32 v51, v17  }
0x8e: {  	v18 =	vadd.f32 v19, v18;
	v19 =	vld.idx.msk [tilespmem:v11+s24+$0x0], $0xffff  }
0x8f: {  	v56 =	vld.idx.msk [tilespmem:v11+s25+$0x0], $0xffff;
	v17 =	vadd.f32 v52, v17  }
0x90: {  	v57 =	vld.idx.msk [tilespmem:v12+s24+$0x0], $0xffff;
	v18 =	vadd.f32 v53, v18  }
0x91: {  	v58 =	vld.idx.msk [tilespmem:v12+s25+$0x0], $0xffff;
	v17 =	vadd.f32 v54, v17  }
0x92: {  	v59 =	vld.idx.msk [tilespmem:v13+s24+$0x0], $0xffff;
	v18 =	vadd.f32 v55, v18  }
0x93: {  	v17 =	vadd.f32 v19, v17;
	v19 =	vld.idx.msk [tilespmem:v13+s25+$0x0], $0xffff  }
0x94: {  	v60 =	vld.idx.msk [tilespmem:v14+s24+$0x0], $0xffff;
	v18 =	vadd.f32 v56, v18  }
0x95: {  	v61 =	vld.idx.msk [tilespmem:v14+s25+$0x0], $0xffff;
	v17 =	vadd.f32 v57, v17  }
0x96: {  	v62 =	vld.idx.msk [tilespmem:v15+s24+$0x0], $0xffff;
	v18 =	vadd.f32 v58, v18  }
0x97: {  	v63 =	vld.idx.msk [tilespmem:v15+s25+$0x0], $0xffff;
	v17 =	vadd.f32 v59, v17  }
0x98: {  	s13 =	sshll.u32 s17, $0x4;
	s17 =	sadd.s32 $0x1, s17;
	v18 =	vadd.f32 v19, v18  }
0x99: {  	p0 =	sne.s32 s17, $0x8;
	v17 =	vadd.f32 v60, v17  }
.Ltmp1:
0x9a: {  	v18 =	vadd.f32 v61, v18;
	(pc) =	sbr.rel @p0 .LBB2_3-.Ltmp1, $4  }
0x9b: {  	v17 =	vadd.f32 v62, v17  }
0x9c: {  	v18 =	vadd.f32 v63, v18  }
0x9d: {  	[tilespmem:v16+s13+$0x1800 ss:$0x1] =	vst.idx.msk $0xffff, v17  }
0x9e: {  	s30 =	sadd.s32 $0x400, s30;
	s31 =	sadd.s32 $0x400, s31;
	s12 =	sadd.s32 $0x400, s12;
	[tilespmem:v16+s13+$0x2000 ss:$0x1] =	vst.idx.msk $0xffff, v18  }
0x9f: {  	p0 =	seq.s32 s2, $0x7  }
0xa0: {  	s5 =	sadd.s32 @!p0 $0x100, s16;
	s6 =	simm.s32 @!p0 $0x80;
	s7 =	simm.s32 @!p0 $0x2800  }
0xa1: {  	[tilespmem:s7], [sflag:$0x1] =	stream.indirect.gather @!p0 [hbm4b:s3+s6], $0x40, s5, s6, $0xb8;
	[tilespmem:$0xEB00] =	vst v63  }
0xa2: {  	s5 =	sadd.s32 @!p0 $0x900, s16;
	s7 =	simm.s32 @!p0 $0x6800  }
0xa3: {  	[tilespmem:s7], [sflag:$0x3] =	stream.indirect.gather @!p0 [hbm4b:s4+s6], $0x40, s5, s6, $0xb8;
	[tilespmem:$0xEB00] =	vst v63  }
0xa4: {  	s5 =	sadd.s32 @!p0 $0x1100, s16;
	s7 =	simm.s32 @!p0 $0xA800  }
0xa5: {  	[tilespmem:s7], [sflag:$0x5] =	stream.indirect.gather @!p0 [hbm4b:s4+s6], $0x40, s5, s6, $0xb8;
	[tilespmem:$0xEB00] =	vst v63  }
0xa6: {  	_ =	swait.ge [sflag:s26], $0x2000  }
0xa7: {  	[sflag:s26] =	ssyncset.done $0x0  }
0xa8: {  	[sflag:s26] =	ssyncadd.s32 $0xFFFFE000  }
0xa9: {  	_ =	swait.ge [sflag:s28], $0x2000  }
0xaa: {  	[sflag:s28] =	ssyncset.done $0x0  }
0xab: {  	[sflag:s28] =	ssyncadd.s32 $0xFFFFE000  }
0xac: {  	_ =	swait.ge [sflag:s29], $0x2000  }
0xad: {  	s17 =	simm.s32 $0x4820;
	s30 =	simm.s32 $0x8830;
	[sflag:s29] =	ssyncset.done $0x0  }
0xae: {  	s12 =	simm.s32 $0xC830;
	v16 =	vmov s15;
	s16 =	simm.s32 $0x0;
	[sflag:s29] =	ssyncadd.s32 $0xFFFFE000  }
.LBB2_7:
0xaf: {  	v19 =	vmov s30;
	_ =	sdelay $0x3  }
0xb0: {  	v17 =	vmov s17;
	s5 =	simm.s32 $0x0  }
0xb1: {  	v18 =	vmov s12;
	v20 =	vld.idx.msk [tilespmem:v19+s5+$0x0 ss:$0x1], $0xffff  }
0xb2: {  	v21 =	vld.idx.msk [tilespmem:v19+s5+$0xFFFFFFF0 ss:$0x1], $0xffff  }
0xb3: {  	v22 =	vld.idx.msk [tilespmem:v19+s5+$0xFFFFFFE0 ss:$0x1], $0xffff  }
0xb4: {  	v23 =	vld.idx.msk [tilespmem:v19+s5+$0xFFFFFFD0 ss:$0x1], $0xffff  }
0xb5: {  	v24 =	vld.idx.msk [tilespmem:v17+s5+$0xFFFFFFE0 ss:$0x1], $0xffff  }
0xb6: {  	v25 =	vld.idx.msk [tilespmem:v18+s5+$0xFFFFFFD0 ss:$0x1], $0xffff  }
0xb7: {  	v26 =	vld.idx.msk [tilespmem:v17+s5+$0xFFFFFFF0 ss:$0x1], $0xffff  }
0xb8: {  	v27 =	vld.idx.msk [tilespmem:v18+s5+$0xFFFFFFE0 ss:$0x1], $0xffff  }
0xb9: {  	v28 =	vld.idx.msk [tilespmem:v17+s5+$0x0 ss:$0x1], $0xffff  }
0xba: {  	v29 =	vld.idx.msk [tilespmem:v18+s5+$0xFFFFFFF0 ss:$0x1], $0xffff;
	v23 =	vmul.f32 v23, v24  }
0xbb: {  	v30 =	vld.idx.msk [tilespmem:v17+s5+$0x10 ss:$0x1], $0xffff;
	v24 =	vmul.f32 v25, v24  }
0xbc: {  	v25 =	vld.idx.msk [tilespmem:v18+s5+$0x0 ss:$0x1], $0xffff;
	v22 =	vmul.f32 v22, v26;
	v23 =	vadd.f32 $0.0e+00, v23  }
0xbd: {  	v26 =	vmul.f32 v27, v26;
	v24 =	vadd.f32 $0.0e+00, v24  }
0xbe: {  	v21 =	vmul.f32 v21, v28;
	v22 =	vadd.f32 v22, v23  }
0xbf: {  	v23 =	vadd.f32 v26, v24;
	v24 =	vmul.f32 v29, v28  }
0xc0: {  	v20 =	vmul.f32 v20, v30;
	v21 =	vadd.f32 v21, v22  }
0xc1: {  	v22 =	vadd.f32 v24, v23;
	v23 =	vmul.f32 v25, v30  }
0xc2: {  	v20 =	vadd.f32 v20, v21  }
0xc3: {  	s5 =	simm.s32 $0xE800;
	v21 =	vadd.f32 v23, v22  }
0xc4: {  	s13 =	simm.s32 $0xE980;
	[tilespmem:s5+$0x0] =	vst v20  }
0xc5: {  	s7 =	simm.s32 $0x40;
	[tilespmem:s13+$0x0] =	vst v21  }
0xc6: {  	v20 =	vld.idx.msk [tilespmem:v19+s7+$0x0 ss:$0x1], $0xffff  }
0xc7: {  	v21 =	vld.idx.msk [tilespmem:v19+s7+$0xFFFFFFF0 ss:$0x1], $0xffff  }
0xc8: {  	v22 =	vld.idx.msk [tilespmem:v19+s7+$0xFFFFFFE0 ss:$0x1], $0xffff  }
0xc9: {  	v24 =	vld.idx.msk [tilespmem:v19+s7+$0xFFFFFFD0 ss:$0x1], $0xffff  }
0xca: {  	s6 =	simm.s32 $0x200;
	v23 =	vld.idx.msk [tilespmem:v17+s7+$0xFFFFFFE0 ss:$0x1], $0xffff  }
.LBB2_8:
0xcb: {  	p0 =	sne.s32 s6, $0xF00;
	v25 =	vld.idx.msk [tilespmem:v18+s7+$0xFFFFFFD0 ss:$0x1], $0xffff  }
0xcc: {  	v26 =	vld.idx.msk [tilespmem:v17+s7+$0xFFFFFFF0 ss:$0x1], $0xffff  }
0xcd: {  	v27 =	vld.idx.msk [tilespmem:v18+s7+$0xFFFFFFE0 ss:$0x1], $0xffff  }
0xce: {  	v28 =	vld.idx.msk [tilespmem:v17+s7+$0x0 ss:$0x1], $0xffff  }
0xcf: {  	v29 =	vld.idx.msk [tilespmem:v18+s7+$0xFFFFFFF0 ss:$0x1], $0xffff  }
0xd0: {  	v24 =	vmul.f32 v24, v23;
	v30 =	vld.idx.msk [tilespmem:v17+s7+$0x10 ss:$0x1], $0xffff  }
0xd1: {  	v23 =	vmul.f32 v25, v23;
	v25 =	vld.idx.msk [tilespmem:v18+s7+$0x0 ss:$0x1], $0xffff  }
0xd2: {  	v24 =	vadd.f32 $0.0e+00, v24;
	v22 =	vmul.f32 v22, v26  }
0xd3: {  	v23 =	vadd.f32 $0.0e+00, v23;
	v26 =	vmul.f32 v27, v26  }
0xd4: {  	v22 =	vadd.f32 v22, v24;
	v21 =	vmul.f32 v21, v28  }
0xd5: {  	v23 =	vadd.f32 v26, v23;
	v24 =	vmul.f32 v29, v28  }
0xd6: {  	v21 =	vadd.f32 v21, v22;
	v20 =	vmul.f32 v20, v30  }
0xd7: {  	v22 =	vadd.f32 v24, v23;
	v23 =	vmul.f32 v25, v30  }
0xd8: {  	v20 =	vadd.f32 v20, v21  }
0xd9: {  	s5 =	sadd.s32 $0x18, s5;
	v21 =	vadd.f32 v23, v22  }
0xda: {  	s13 =	sadd.s32 $0x18, s13;
	[tilespmem:s5+$0x0] =	vst v20  }
0xdb: {  	s7 =	sshra.s32 s6, $0x2;
	[tilespmem:s13+$0x0] =	vst v21  }
.Ltmp2:
0xdc: {  	v20 =	vld.idx.msk [tilespmem:v19+s7+$0x0 ss:$0x1], $0xffff;
	(pc) =	sbr.rel @p0 .LBB2_8-.Ltmp2, $4  }
0xdd: {  	v21 =	vld.idx.msk [tilespmem:v19+s7+$0xFFFFFFF0 ss:$0x1], $0xffff  }
0xde: {  	v22 =	vld.idx.msk [tilespmem:v19+s7+$0xFFFFFFE0 ss:$0x1], $0xffff  }
0xdf: {  	v24 =	vld.idx.msk [tilespmem:v19+s7+$0xFFFFFFD0 ss:$0x1], $0xffff  }
0xe0: {  	s6 =	sadd.s32 $0x100, s6;
	v23 =	vld.idx.msk [tilespmem:v17+s7+$0xFFFFFFE0 ss:$0x1], $0xffff  }
0xe1: {  	_ =	sdelay $0x3  }
0xe2: {  	v19 =	vld.idx.msk [tilespmem:v18+s7+$0xFFFFFFD0 ss:$0x1], $0xffff  }
0xe3: {  	v25 =	vld.idx.msk [tilespmem:v17+s7+$0xFFFFFFF0 ss:$0x1], $0xffff  }
0xe4: {  	v26 =	vld.idx.msk [tilespmem:v18+s7+$0xFFFFFFE0 ss:$0x1], $0xffff  }
0xe5: {  	v27 =	vld.idx.msk [tilespmem:v17+s7+$0x0 ss:$0x1], $0xffff  }
0xe6: {  	v28 =	vld.idx.msk [tilespmem:v18+s7+$0xFFFFFFF0 ss:$0x1], $0xffff;
	v24 =	vmul.f32 v24, v23  }
0xe7: {  	v17 =	vld.idx.msk [tilespmem:v17+s7+$0x10 ss:$0x1], $0xffff;
	v19 =	vmul.f32 v19, v23  }
0xe8: {  	v18 =	vld.idx.msk [tilespmem:v18+s7+$0x0 ss:$0x1], $0xffff;
	v22 =	vmul.f32 v22, v25;
	v37 =	vadd.f32 $0.0e+00, v24  }
0xe9: {  	v38 =	vmul.f32 v26, v25;
	v19 =	vadd.f32 $0.0e+00, v19  }
0xea: {  	v21 =	vmul.f32 v21, v27;
	v22 =	vadd.f32 v22, v37  }
0xeb: {  	v39 =	vmul.f32 v28, v27;
	v19 =	vadd.f32 v38, v19  }
0xec: {  	v20 =	vmul.f32 v20, v17;
	v21 =	vadd.f32 v21, v22  }
0xed: {  	v17 =	vmul.f32 v18, v17;
	v19 =	vadd.f32 v39, v19  }
0xee: {  	v18 =	vadd.f32 v20, v21  }
0xef: {  	s5 =	sadd.s32 $0x18, s5;
	v17 =	vadd.f32 v17, v19  }
0xf0: {  	s15 =	sadd.s32 $0x18, s13;
	[tilespmem:s5+$0x0] =	vst v18  }
0xf1: {  	[tilespmem:s15+$0x0] =	vst v17  }
0xf2: {  	v17 =	vld.idx.msk [tilespmem:v0+s24+$0x0], $0xffff  }
0xf3: {  	v18 =	vld.idx.msk [tilespmem:v0+s25+$0x0], $0xffff  }
0xf4: {  	v19 =	vld.idx.msk [tilespmem:v1+s24+$0x0], $0xffff  }
0xf5: {  	v40 =	vld.idx.msk [tilespmem:v1+s25+$0x0], $0xffff  }
0xf6: {  	v41 =	vld.idx.msk [tilespmem:v2+s24+$0x0], $0xffff  }
0xf7: {  	v42 =	vld.idx.msk [tilespmem:v2+s25+$0x0], $0xffff;
	v17 =	vadd.f32 $0.0e+00, v17  }
0xf8: {  	v43 =	vld.idx.msk [tilespmem:v3+s24+$0x0], $0xffff;
	v18 =	vadd.f32 $0.0e+00, v18  }
0xf9: {  	v17 =	vadd.f32 v19, v17;
	v19 =	vld.idx.msk [tilespmem:v3+s25+$0x0], $0xffff  }
0xfa: {  	v44 =	vld.idx.msk [tilespmem:v4+s24+$0x0], $0xffff;
	v18 =	vadd.f32 v40, v18  }
0xfb: {  	v45 =	vld.idx.msk [tilespmem:v4+s25+$0x0], $0xffff;
	v17 =	vadd.f32 v41, v17  }
0xfc: {  	v46 =	vld.idx.msk [tilespmem:v5+s24+$0x0], $0xffff;
	v18 =	vadd.f32 v42, v18  }
0xfd: {  	v47 =	vld.idx.msk [tilespmem:v5+s25+$0x0], $0xffff;
	v17 =	vadd.f32 v43, v17  }
0xfe: {  	v18 =	vadd.f32 v19, v18;
	v19 =	vld.idx.msk [tilespmem:v6+s24+$0x0], $0xffff  }
0xff: {  	v48 =	vld.idx.msk [tilespmem:v6+s25+$0x0], $0xffff;
	v17 =	vadd.f32 v44, v17  }
0x100: {  	v49 =	vld.idx.msk [tilespmem:v7+s24+$0x0], $0xffff;
	v18 =	vadd.f32 v45, v18  }
0x101: {  	v50 =	vld.idx.msk [tilespmem:v7+s25+$0x0], $0xffff;
	v17 =	vadd.f32 v46, v17  }
0x102: {  	v51 =	vld.idx.msk [tilespmem:v8+s24+$0x0], $0xffff;
	v18 =	vadd.f32 v47, v18  }
0x103: {  	v17 =	vadd.f32 v19, v17;
	v19 =	vld.idx.msk [tilespmem:v8+s25+$0x0], $0xffff  }
0x104: {  	v52 =	vld.idx.msk [tilespmem:v9+s24+$0x0], $0xffff;
	v18 =	vadd.f32 v48, v18  }
0x105: {  	v53 =	vld.idx.msk [tilespmem:v9+s25+$0x0], $0xffff;
	v17 =	vadd.f32 v49, v17  }
0x106: {  	v54 =	vld.idx.msk [tilespmem:v10+s24+$0x0], $0xffff;
	v18 =	vadd.f32 v50, v18  }
0x107: {  	v55 =	vld.idx.msk [tilespmem:v10+s25+$0x0], $0xffff;
	v17 =	vadd.f32 v51, v17  }
0x108: {  	v18 =	vadd.f32 v19, v18;
	v19 =	vld.idx.msk [tilespmem:v11+s24+$0x0], $0xffff  }
0x109: {  	v56 =	vld.idx.msk [tilespmem:v11+s25+$0x0], $0xffff;
	v17 =	vadd.f32 v52, v17  }
0x10a: {  	v57 =	vld.idx.msk [tilespmem:v12+s24+$0x0], $0xffff;
	v18 =	vadd.f32 v53, v18  }
0x10b: {  	v58 =	vld.idx.msk [tilespmem:v12+s25+$0x0], $0xffff;
	v17 =	vadd.f32 v54, v17  }
0x10c: {  	v59 =	vld.idx.msk [tilespmem:v13+s24+$0x0], $0xffff;
	v18 =	vadd.f32 v55, v18  }
0x10d: {  	v17 =	vadd.f32 v19, v17;
	v19 =	vld.idx.msk [tilespmem:v13+s25+$0x0], $0xffff  }
0x10e: {  	v60 =	vld.idx.msk [tilespmem:v14+s24+$0x0], $0xffff;
	v18 =	vadd.f32 v56, v18  }
0x10f: {  	v61 =	vld.idx.msk [tilespmem:v14+s25+$0x0], $0xffff;
	v17 =	vadd.f32 v57, v17  }
0x110: {  	v62 =	vld.idx.msk [tilespmem:v15+s24+$0x0], $0xffff;
	v18 =	vadd.f32 v58, v18  }
0x111: {  	v63 =	vld.idx.msk [tilespmem:v15+s25+$0x0], $0xffff;
	v17 =	vadd.f32 v59, v17  }
0x112: {  	s31 =	sshll.u32 s16, $0x4;
	s16 =	sadd.s32 $0x1, s16;
	v18 =	vadd.f32 v19, v18  }
0x113: {  	p0 =	sne.s32 s16, $0x8;
	v17 =	vadd.f32 v60, v17  }
.Ltmp3:
0x114: {  	v18 =	vadd.f32 v61, v18;
	(pc) =	sbr.rel @p0 .LBB2_7-.Ltmp3, $4  }
0x115: {  	v17 =	vadd.f32 v62, v17  }
0x116: {  	v18 =	vadd.f32 v63, v18  }
0x117: {  	[tilespmem:v16+s31+$0x1800 ss:$0x1] =	vst.idx.msk $0xffff, v17  }
0x118: {  	s17 =	sadd.s32 $0x400, s17;
	s30 =	sadd.s32 $0x400, s30;
	s12 =	sadd.s32 $0x400, s12;
	[tilespmem:v16+s31+$0x2000 ss:$0x1] =	vst.idx.msk $0xffff, v18  }
0x119: {  	s2 =	sadd.s32 $0x1, s2  }
0x11a: {  	p0 =	sne.s32 s2, $0x8  }
.Ltmp4:
0x11b: {  	_ = 	snop;
	(pc) =	sbr.rel @p0 .LBB2_2-.Ltmp4, $1  }
0x11c: {  	_ =	sdelay $0x3  }
0x11d: {  	s2 =	simm.s32 $0x1800  }
0x11e: {  	[hbm4b:s8+s1] =	stream.linear.scatter [tilespmem:s2], [sflag:$0x7], $0x800, $0x38;
	[tilespmem:$0xEB00] =	vst v63  }
0x11f: {  	s0 =	sadd.s32 $0x1, s0;
	_ =	swait.ge [sflag:s11], $0x800  }
0x120: {  	p0 =	sne.s32 s0, s10;
	[sflag:s11] =	ssyncset.done $0x0  }
.Ltmp5:
0x121: {  	s31 =	simm.s32 $0x2000;
	[sflag:s11] =	ssyncadd.s32 $0xFFFFF800;
	(pc) =	sbr.rel @p0 .LBB2_1-.Ltmp5, $4  }
0x122: {  	[hbm4b:s9+s1] =	stream.linear.scatter [tilespmem:s31], [sflag:$0x7], $0x800, $0x38;
	[tilespmem:$0xEB00] =	vst v63  }
0x123: {  	_ =	swait.ge [sflag:s11], $0x800  }
0x124: {  	[sflag:s11] =	ssyncset.done $0x0  }
0x125: {  	[sflag:s11] =	ssyncadd.s32 $0xFFFFF800  }
0x126: {  	_ =	sfence.sel $0x180000  }
0x127: {  	[bflag:$0x0] =	sbarrier.arrive $0xFFFF  }
0x128: {  	_ =	strace $0x9000004D  }
0x129: {  	s0 =	stileid.u32;
	[bflag:$0x2] =	sbarrier.arrive $0xFFFF  }
0x12a: {  	p0 =	sne.s32 s0, $0x0;
	s0 =	rddreg [dreg:$0x6]  }
0x12b: {  	s0 =	sadd.s32 @!p0 $0x100000, s0  }
0x12c: {  	[sflag:s0] =	ssyncadd.tile.s32 @!p0 $0x1;
	_ =	shalt  }
.Lfunc_end2:
_tile_overlayer_lowered:
.L_overlay_start_2:
0x12d: {  	(tag) =	ssettag $0x2  }
0x12e: {  	s0 =	rddreg [dreg:$0x0];
	s2 =	stileid.u32  }
0x12f: {  	s1 =	rddreg [dreg:$0x1];
	p0 =	sne.s32 s2, $0x0  }
0x130: {  	s3 =	rddreg [dreg:$0x2];
	[bflag:$0x3] =	sbarrier.arrive $0xFFFF;
	s2 =	simm.s32 @!p0 $0x1C07  }
0x131: {  	[timem:s3], [sflag:s2] =	dma.local @!p0 [hbm:s0], s1  }
0x132: {  	s0 =	simm.s32 @!p0 $0x7  }
0x133: {  	_ =	swait.ge @!p0 [sflag:s0], s1  }
0x134: {  	s1 =	ssub.s32 @!p0 $0x0, s1;
	[sflag:s0] =	ssyncset.done @!p0 $0x0  }
0x135: {  	[sflag:s0] =	ssyncadd.s32 @!p0 s1  }
0x136: {  	[bflag:$0x3] =	sbarrier.arrive $0xFFFF  }
0x137: {  	_ =	shalt  }

// kernel: kernel.7.cloned.1.call-start
scs
__scs_entry_jumppad:
0x0: {  	(pc) =	sbr.rel $0x88, $3  }
0x1: {  	(tag) =	ssettag $0x0;
	lr =	simm.s32 $0x1  }
0x2: {  	[smem:$0x3F91] =	sst lr;
	_ =	strace $0xD0000000  }
0x3: {  	_ = 	snop  }
0x4: {  	_ = 	snop  }
0x5: {  	_ = 	snop  }
0x6: {  	_ = 	snop  }
0x7: {  	_ = 	snop  }
__scs_overlays_trampoline_lowered:
0x8: {  	[smem:$0x3FA0] =	sst s0  }
0x9: {  	[smem:$0x3FA1] =	sst s1  }
0xa: {  	[smem:$0x3FA2] =	sst s2  }
0xb: {  	[smem:$0x3FA3] =	sst s3  }
0xc: {  	[smem:$0x3FA4] =	sst s4  }
0xd: {  	[smem:$0x3FA5] =	sst s5  }
0xe: {  	[smem:$0x3FA6] =	sst s6  }
0xf: {  	[smem:$0x3FA7] =	sst s7  }
0x10: {  	[smem:$0x3FA8] =	sst s8  }
0x11: {  	[smem:$0x3FA9] =	sst s9;
	s0 =	simm.s32 @!p0 $0x0  }
0x12: {  	s1 =	sld [smem:$0x3F8F];
	s0 =	simm.s32 @p0 $0x1  }
0x13: {  	[smem:$0x3FAA] =	sst s0;
	s0 =	simm.s32 @!p1 $0x0  }
0x14: {  	s2 =	sld [smem:$0x3F8E];
	s0 =	simm.s32 @p1 $0x1  }
0x15: {  	[smem:$0x3FAB] =	sst s0;
	s0 =	simm.s32 @!p2 $0x0  }
0x16: {  	s3 =	sld [smem:$0x3FDB];
	s0 =	simm.s32 @p2 $0x1  }
0x17: {  	s4 =	simm.s32 $0x1BF5;
	[smem:$0x3FAD] =	sst s0  }
0x18: {  	s0 =	sld [smem:$0x3F90];
	_ =	swait.ge [sflag:s4], $0x0  }
0x19: {  	s7 =	sld [smem:$0x3F91]  }
0x1a: {  	s8 =	sadd.s32 $0xFFFFE003, lr  }
0x1b: {  	s9 =	sadd.s32 $0xFFFFFEF7, lr;
	s5 =	simm.s32 $0xFFFFFFFF;
	p2 =	slt.u32 s8, $0xFFFFF086  }
0x1c: {  	p1 =	slt.u32 s9, $0xF7A;
	s5 =	simm.s32 @!p2 $0x0  }
0x1d: {  	s5 =	simm.s32 @p1 $0x1;
	p0 =	seq.s32 s7, s2  }
0x1e: {  	s7 =	smul.u32 @!p0 $0xF7A, s2;
	p2 =	seq.s32 @!p0 s5, $0x0  }
0x1f: {  	s9 =	smul.u32 $0xF7A, s1;
	s8 =	simm.s32 @!p0 $0x1BF5;
	p2 =	por !p2, p0  }
0x20: {  	[sflag:s8] =	ssyncset.s32 @!p0 $0xFFFFF086;
	s6 =	sadd.s32 @!p0 s3, s7;
	s7 =	simm.s32 @!p0 $0x108  }
0x21: {  	s3 =	sadd.s32 s3, s9;
	s6 =	sadd.s32 @!p0 $0x88, s6;
	s7 =	simm.s32 @p2 $0x1082  }
0x22: {  	[simem:s7], [sflag:s8] =	dma.local @!p0 [hbm:s6], $0xF7A  }
0x23: {  	s9 =	sor.u32 $0xD0000000, s2;
	s6 =	simm.s32 $0x108;
	_ =	swait.ge @!p0 [sflag:s8], $0x0  }
0x24: {  	s3 =	sadd.s32 $0x88, s3;
	s6 =	simm.s32 @!p1 $0x1082;
	[sflag:s4] =	ssyncset.s32 $0xFFFFF086  }
0x25: {  	[simem:s6], [sflag:s4] =	dma.local [hbm:s3], $0xF7A  }
0x26: {  	[smem:$0x3F91] =	sst s1;
	(tag) =	ssettag s2;
	_ =	strace s9  }
0x27: {  	s1 =	sld [smem:$0x3FA1]  }
0x28: {  	s2 =	sld [smem:$0x3FA2]  }
0x29: {  	s4 =	sld [smem:$0x3FA4]  }
0x2a: {  	p0 =	seq.s32 s5, $0x0;
	s5 =	sld [smem:$0x3FA5]  }
0x2b: {  	s6 =	sld [smem:$0x3FA6]  }
0x2c: {  	s7 =	sld [smem:$0x3FA7]  }
0x2d: {  	s3 =	simm.s32 $0x108;
	s8 =	sld [smem:$0x3FA8]  }
0x2e: {  	s3 =	simm.s32 @!p0 $0x1082;
	s9 =	sld [smem:$0x3FA9]  }
0x2f: {  	lr =	sadd.s32 s0, s3;
	s0 =	sld [smem:$0x3FA0]  }
0x30: {  	s3 =	sld [smem:$0x3FA3]  }
0x31: {  	[smem:$0x3FAC] =	sst s10  }
0x32: {  	s10 =	sld [smem:$0x3FAA];
	_ =	sdelay $0x3  }
0x33: {  	p0 =	seq.s32 s10, $0x1;
	s10 =	sld [smem:$0x3FAC];
	_ =	sdelay $0x3  }
0x34: {  	[smem:$0x3FAC] =	sst s10  }
0x35: {  	s10 =	sld [smem:$0x3FAB];
	_ =	sdelay $0x3  }
0x36: {  	p1 =	seq.s32 s10, $0x1;
	s10 =	sld [smem:$0x3FAC];
	_ =	sdelay $0x3  }
0x37: {  	[smem:$0x3FAC] =	sst s10  }
0x38: {  	s10 =	sld [smem:$0x3FAD]  }
0x39: {  	_ = 	snop;
	(pc) =	sbr.ind lr, $3  }
0x3a: {  	_ = 	snop  }
0x3b: {  	_ = 	snop  }
0x3c: {  	p2 =	seq.s32 s10, $0x1;
	s10 =	sld [smem:$0x3FAC]  }
0x3d: {  	_ =	shalt  }
0x3e: {  	_ =	shalt  }
0x3f: {  	_ =	shalt  }
0x40: {  	_ =	shalt  }
0x41: {  	_ =	shalt  }
0x42: {  	_ =	shalt  }
0x43: {  	_ =	shalt  }
0x44: {  	_ =	shalt  }
0x45: {  	_ =	shalt  }
0x46: {  	_ =	shalt  }
0x47: {  	_ =	shalt  }
0x48: {  	_ =	shalt  }
0x49: {  	_ =	shalt  }
0x4a: {  	_ =	shalt  }
0x4b: {  	_ =	shalt  }
0x4c: {  	_ =	shalt  }
0x4d: {  	_ =	shalt  }
0x4e: {  	_ =	shalt  }
0x4f: {  	_ =	shalt  }
0x50: {  	_ =	shalt  }
0x51: {  	_ =	shalt  }
0x52: {  	_ =	shalt  }
0x53: {  	_ =	shalt  }
0x54: {  	_ =	shalt  }
0x55: {  	_ =	shalt  }
0x56: {  	_ =	shalt  }
0x57: {  	_ =	shalt  }
0x58: {  	_ =	shalt  }
0x59: {  	_ =	shalt  }
0x5a: {  	_ =	shalt  }
0x5b: {  	_ =	shalt  }
0x5c: {  	_ =	shalt  }
0x5d: {  	_ =	shalt  }
0x5e: {  	_ =	shalt  }
0x5f: {  	_ =	shalt  }
0x60: {  	_ =	shalt  }
0x61: {  	_ =	shalt  }
0x62: {  	_ =	shalt  }
0x63: {  	_ =	shalt  }
0x64: {  	_ =	shalt  }
0x65: {  	_ =	shalt  }
0x66: {  	_ =	shalt  }
0x67: {  	_ =	shalt  }
0x68: {  	_ =	shalt  }
0x69: {  	_ =	shalt  }
0x6a: {  	_ =	shalt  }
0x6b: {  	_ =	shalt  }
0x6c: {  	_ =	shalt  }
0x6d: {  	_ =	shalt  }
0x6e: {  	_ =	shalt  }
0x6f: {  	_ =	shalt  }
0x70: {  	_ =	shalt  }
0x71: {  	_ =	shalt  }
0x72: {  	_ =	shalt  }
0x73: {  	_ =	shalt  }
0x74: {  	_ =	shalt  }
0x75: {  	_ =	shalt  }
0x76: {  	_ =	shalt  }
0x77: {  	_ =	shalt  }
0x78: {  	_ =	shalt  }
0x79: {  	_ =	shalt  }
0x7a: {  	_ =	shalt  }
0x7b: {  	_ =	shalt  }
0x7c: {  	_ =	shalt  }
0x7d: {  	_ =	shalt  }
0x7e: {  	_ =	shalt  }
0x7f: {  	_ =	shalt  }
0x80: {  	_ =	shalt  }
0x81: {  	_ =	shalt  }
0x82: {  	_ =	shalt  }
0x83: {  	_ =	shalt  }
0x84: {  	_ =	shalt  }
0x85: {  	_ =	shalt  }
0x86: {  	_ =	shalt  }
0x87: {  	_ =	shalt  }
.Lfunc_end0:
.L_simem_size_0:
called_computation_lowered:
.L_overlay_start_0:
0x88: {  	s2 =	sld [smem:$0x3FD9]  }
0x89: {  	s3 =	sld [smem:$0x3FFE];
	_ =	sdelay $0x1  }
0x8a: {  	s1 =	srdreg.scid  }
0x8b: {  	s0 =	sand.u32 $0x1, s1  }
0x8c: {  	s17 =	sshll.u32 s0, $0xA;
	s2 =	sadd.s32 s3, s2  }
0x8d: {  	s2 =	sadd.s32 s2, s17  }
0x8e: {  	[smem:$0x3FB8] =	sst s2  }
0x8f: {  	_ = 	snop  }
0x90: {  	s2 =	sld [smem:$0x3FC9]  }
0x91: {  	s18 =	sld [smem:$0x3FC8]  }
0x92: {  	s4 =	sld [smem:$0x3FC7];
	(tm) =	ssettm $0x1  }
0x93: {  	s5 =	sld [smem:$0x3FFB];
	_ =	sdelay $0x3  }
0x94: {  	_ =	strace s5  }
0x95: {  	s5 =	sld [smem:$0x3FFC];
	_ =	sdelay $0x3  }
0x96: {  	_ =	strace s5  }
0x97: {  	s5 =	sld [smem:$0x3FFD];
	_ =	sdelay $0x3  }
0x98: {  	_ =	strace s5  }
0x99: {  	_ =	strace $0x8FFFFFFF  }
0x9a: {  	s19 =	sld [smem:$0x3FDB];
	_ =	sdelay $0x1  }
0x9b: {  	s6 =	simm.s32 $_scs_section_size  }
0x9c: {  	s7 =	simm.s32 $_size__tile_overlayer_lowered;
	s8 =	simm.s32 $_tile_overlayer_lowered  }
0x9d: {  	s22 =	simm.s32 $0x1BFF;
	s21 =	sshll.u32 s8, $0x1;
	s5 =	sadd.s32 s6, s19  }
0x9e: {  	s9 =	simm.s32 $0x0;
	s20 =	sshll.u32 s7, $0x1;
	s7 =	sadd.s32 s21, s5  }
0x9f: {  	[timem:s9], [sflag:s22] =	dma.local [hbm:s7], s20  }
0xa0: {  	_ =	swait.ge [sflag:s22], s20  }
0xa1: {  	s6 =	ssub.s32 $0x0, s20;
	[sflag:s22] =	ssyncset.done $0x0  }
0xa2: {  	[sflag:s22] =	ssyncadd.s32 s6;
	_ =	sdelay $0x1  }
0xa3: {  	s23 =	simm.s32 $0x1B8B  }
0xa4: {  	_ =	swait.ge [sflag:s23], $0x1  }
0xa5: {  	[sflag:s23] =	ssyncset.done $0x0  }
0xa6: {  	s25 =	simm.s32 $0x1B8E;
	s24 =	sld [smem:$0x3FFE];
	[sflag:s23] =	ssyncadd.s32 $0xFFFFFFFF  }
0xa7: {  	s26 =	simm.s32 $execute0_lowered;
	[smem:$0x3FD2] =	sst s25  }
0xa8: {  	s7 =	sshll.u32 s26, $0x1;
	_ =	strace $0x80000046;
	[dreg:$0x1] =	wrdreg $0xFFFFFFFF  }
0xa9: {  	s28 =	simm.s32 $_size_execute0_lowered;
	s5 =	sadd.s32 s5, s7;
	[dreg:$0x0] =	wrdreg $0x0  }
0xaa: {  	s7 =	sshll.u32 s28, $0x1;
	[dreg:$0x2] =	wrdreg s5  }
0xab: {  	[dreg:$0x3] =	wrdreg s7  }
0xac: {  	[dreg:$0x4] =	wrdreg $0xC0  }
0xad: {  	_ =	task [dreg:s9], $0x5FFFF  }
0xae: {  	[dreg:$0x1] =	wrdreg $0xFFFFFFFF  }
0xaf: {  	[dreg:$0x0] =	wrdreg $0x60  }
0xb0: {  	[dreg:$0x2] =	wrdreg s2  }
0xb1: {  	[dreg:$0x3] =	wrdreg s18  }
0xb2: {  	[dreg:$0x4] =	wrdreg s4  }
0xb3: {  	[dreg:$0x5] =	wrdreg s24  }
0xb4: {  	[dreg:$0x6] =	wrdreg $0x9  }
0xb5: {  	_ =	task.clear_ibuf [dreg:s9], $0x7FFFF;
	_ =	strace $0x90000046  }
0xb6: {  	s29 =	simm.s32 $0x9;
	_ =	strace $0x80000048  }
0xb7: {  	_ =	swait.ge [sflag:s29], $0x1  }
0xb8: {  	[sflag:s29] =	ssyncadd.s32 $0xFFFFFFFF  }
0xb9: {  	_ =	strace $0x90000048  }
0xba: {  	_ =	sfence  }
0xbb: {  	s30 =	sld [smem:$0x0];
	_ =	sdelay $0x2  }
0xbc: {  	s31 =	sshll.u32 s1, $0xD;
	s1 =	sshrl.u32 s1, $0x2  }
0xbd: {  	s3 =	sand.u32 $0x4000, s31;
	s1 =	sadd.s32 s1, s30  }
0xbe: {  	s0 =	sor.u32 s3, s0;
	s1 =	sshll.u32 s1, $0x11  }
0xbf: {  	s0 =	sor.u32 s1, s0  }
0xc0: {  	s0 =	sadd.s32 $0x8F2B, s0  }
0xc1: {  	[sflag:s0] =	ssyncadd.remote.s32 $0x1  }
0xc2: {  	_ =	sfence.sel $0xFFFF  }
0xc3: {  	[dreg:$0x0] =	wrdreg $0xFFFFFFFF;
	(pc) =	sbr.abs _section_cstart, $3  }
0xc4: {  	[dreg:$0x1] =	wrdreg $0xFFFFFFFF  }
0xc5: {  	_ =	task.clear_ibuf [dreg:s9], $0x2FFFF;
	_ =	strace $0x9FFFFFFF  }
0xc6: {  	(tm) =	ssettm $0x7FFFFFFF  }
0xc7: {  	_ =	shalt  }
tec
execute0_lowered:
.L_overlay_start_1:
0x0: {  	(tag) =	ssettag $0x1  }
0x1: {  	s0 =	rddreg [dreg:$0x1]  }
0x2: {  	s2 =	rddreg [dreg:$0x2]  }
0x3: {  	s5 =	rddreg [dreg:$0x3];
	s3 =	simm.s32 $0x0  }
0x4: {  	s4 =	srdreg.scid;
	s1 =	stileid.u32;
	s12 =	simm.s32 $0x9  }
0x5: {  	s14 =	simm.s32 $0x2000;
	s15 =	simm.s32 $0x80;
	s16 =	simm.s32 $0x3100  }
0x6: {  	s17 =	simm.s32 $0x1;
	s31 =	simm.s32 $0x3080;
	s19 =	simm.s32 $0x7100  }
0x7: {  	s20 =	simm.s32 $0x5100;
	s21 =	simm.s32 $0x9100;
	s22 =	simm.s32 $0x3  }
0x8: {  	s28 =	simm.s32 $0x6;
	s29 =	simm.s32 $0x8;
	s30 =	simm.s32 $0x0  }
0x9: {  	[smem:$0x7FF] =	sst s3;
	s6 =	sand.u32 $0x1, s4;
	s23 =	sshll.u32 s1, $0x1  }
0xa: {  	s4 =	sadd.s32 $0x18AC00, s5;
	s9 =	sshll.u32 s1, $0x10;
	_ =	strace $0x80000047  }
0xb: {  	s7 =	sor.u32 s6, s23;
	s10 =	ssub.s32 $0x2, s6;
	s9 =	sadd.s32 s9, s5  }
0xc: {  	s25 =	sshll.u32 s6, $0xF;
	[dreg:$0x5] =	wrdreg s31;
	s23 =	simm.s32 $0x2  }
0xd: {  	s8 =	sshll.u32 s7, $0xA;
	s24 =	sshrl.u32 s10, $0x1;
	s7 =	sshll.u32 s7, $0x9  }
0xe: {  	s8 =	sadd.s32 s8, s5;
	s10 =	ssub.s32 s10, s24;
	s0 =	sadd.s32 s0, s7  }
0xf: {  	s26 =	sadd.s32 s2, s7;
	s7 =	sshrl.u32 s7, $0x2;
	[dreg:$0x6] =	wrdreg s0  }
0x10: {  	s24 =	simm.s32 $0x4;
	[dreg:$0x7] =	wrdreg s26;
	s0 =	sadd.s32 s25, s9  }
0x11: {  	s8 =	sadd.s32 $0x104200, s8;
	s9 =	smax.u32 s10, $0x1;
	s25 =	simm.s32 $0x5  }
0x12: {  	s26 =	simm.s32 $0x7;
	s10 =	sadd.s32 $0x4200, s0;
	s11 =	sadd.s32 $0x24E200, s0  }
.LBB2_1:
0x13: {  	s0 =	rddreg [dreg:$0x0]  }
0x14: {  	[tilespmem:s3], [sflag:$0x9] =	stream.linear.gather [hbm4b:s0+s3], $0x1000, $0x38;
	[tilespmem:$0xB100] =	vst v63  }
0x15: {  	_ =	swait.ge [sflag:s12], $0x1000  }
0x16: {  	[sflag:s12] =	ssyncset.done $0x0  }
0x17: {  	s1 =	simm.s32 $0x1000;
	s6 =	rddreg [dreg:$0x6];
	[sflag:s12] =	ssyncadd.s32 $0xFFFFF000  }
0x18: {  	[tilespmem:s1], [sflag:$0x9] =	stream.linear.gather [hbm4b:s6+s3], $0x1000, $0x38;
	[tilespmem:$0xB100] =	vst v63  }
0x19: {  	_ =	swait.ge [sflag:s12], $0x1000  }
0x1a: {  	[sflag:s12] =	ssyncset.done $0x0  }
0x1b: {  	s13 =	rddreg [dreg:$0x7];
	[sflag:s12] =	ssyncadd.s32 $0xFFFFF000  }
0x1c: {  	[tilespmem:s14], [sflag:$0x9] =	stream.linear.gather [hbm4b:s13+s3], $0x1000, $0x38;
	[tilespmem:$0xB100] =	vst v63  }
0x1d: {  	_ =	swait.ge [sflag:s12], $0x1000  }
0x1e: {  	[sflag:s12] =	ssyncset.done $0x0  }
0x1f: {  	[sflag:s12] =	ssyncadd.s32 $0xFFFFF000  }
0x20: {  	[tilespmem:s16], [sflag:$0x1] =	stream.indirect.gather [hbm4b:s4+s15], $0x40, s7, s15, $0xb8;
	[tilespmem:$0xB100] =	vst v63  }
0x21: {  	_ =	swait.ge [sflag:s17], $0x2000  }
0x22: {  	[sflag:s17] =	ssyncset.done $0x0  }
0x23: {  	[sflag:s17] =	ssyncadd.s32 $0xFFFFE000  }
0x24: {  	[hbm4b:s8+s3] =	stream.linear.scatter [tilespmem:s16], [sflag:$0x9], $0x2000, $0x38;
	[tilespmem:$0xB100] =	vst v63  }
0x25: {  	_ =	swait.ge [sflag:s12], $0x2000  }
0x26: {  	[sflag:s12] =	ssyncset.done $0x0  }
0x27: {  	[sflag:s12] =	ssyncadd.s32 $0xFFFFE000  }
0x28: {  	v0 =	vld [tilespmem:$0x1000];
	_ =	sdelay $0x5  }
0x29: {  	v1 =	vld [tilespmem:$0x1010];
	_ =	sdelay $0x1  }
0x2a: {  	v0 =	vld.idx.msk [tilespmem:v0+s3+$0x0], $0xffff;
	_ =	sdelay $0x3  }
0x2b: {  	v2 =	vld [tilespmem:$0x1020]  }
0x2c: {  	[tilespmem:$0x3000] =	vst v0  }
0x2d: {  	v0 =	vld.idx.msk [tilespmem:v1+s3+$0x0], $0xffff;
	_ =	sdelay $0x3  }
0x2e: {  	v59 =	vld [tilespmem:$0x1030]  }
0x2f: {  	[tilespmem:$0x3010] =	vst v0  }
0x30: {  	v0 =	vld.idx.msk [tilespmem:v2+s3+$0x0], $0xffff;
	_ =	sdelay $0x3  }
0x31: {  	v60 =	vld [tilespmem:$0x1040]  }
0x32: {  	[tilespmem:$0x3020] =	vst v0  }
0x33: {  	v0 =	vld.idx.msk [tilespmem:v59+s3+$0x0], $0xffff;
	_ =	sdelay $0x3  }
0x34: {  	v61 =	vld [tilespmem:$0x1050]  }
0x35: {  	[tilespmem:$0x3030] =	vst v0  }
0x36: {  	v0 =	vld.idx.msk [tilespmem:v60+s3+$0x0], $0xffff;
	_ =	sdelay $0x3  }
0x37: {  	v62 =	vld [tilespmem:$0x1060]  }
0x38: {  	[tilespmem:$0x3040] =	vst v0  }
0x39: {  	v0 =	vld.idx.msk [tilespmem:v61+s3+$0x0], $0xffff;
	_ =	sdelay $0x3  }
0x3a: {  	v63 =	vld [tilespmem:$0x1070]  }
0x3b: {  	[tilespmem:$0x3050] =	vst v0  }
0x3c: {  	v0 =	vld.idx.msk [tilespmem:v62+s3+$0x0], $0xffff;
	_ =	sdelay $0x4  }
0x3d: {  	[tilespmem:$0x3060] =	vst v0  }
0x3e: {  	v0 =	vld.idx.msk [tilespmem:v63+s3+$0x0], $0xffff;
	_ =	sdelay $0x4  }
0x3f: {  	s18 =	simm.s32 $0x3000;
	[tilespmem:$0x3070] =	vst v0  }
0x40: {  	[tilespmem:s16], [sflag:$0x1] =	stream.indirect.gather [hbm4b:s4+s15], $0x40, s18, s15, $0xb8;
	[tilespmem:$0xB100] =	vst v63  }
0x41: {  	s31 =	simm.s32 $0x2100;
	s2 =	simm.s32 $0x0;
	s0 =	simm.s32 $0x10C0  }
0x42: {  	[tilespmem:s19], [sflag:$0x3] =	stream.indirect.gather [hbm4b:s4+s15], $0x40, s14, s15, $0xb8;
	[tilespmem:$0xB100] =	vst v63  }
.LBB2_2:
0x43: {  	p0 =	seq.s32 s2, $0x0  }
0x44: {  	s1 =	simm.s32 @!p0 $0x6  }
0x45: {  	_ =	swait.ge @!p0 [sflag:s1], $0x2000  }
0x46: {  	[sflag:s1] =	ssyncset.done @!p0 $0x0  }
0x47: {  	[sflag:s1] =	ssyncadd.s32 @!p0 $0xFFFFE000;
	s1 =	simm.s32 @!p0 $0x8  }
0x48: {  	_ =	swait.ge @!p0 [sflag:s1], $0x2000  }
0x49: {  	[sflag:s1] =	ssyncset.done @!p0 $0x0  }
0x4a: {  	[sflag:s1] =	ssyncadd.s32 @!p0 $0xFFFFE000  }
0x4b: {  	v0 =	vld [tilespmem:s0+$0xFFFFFFC0];
	_ =	sdelay $0x7  }
0x4c: {  	v0 =	vld.idx.msk [tilespmem:v0+s3+$0x0], $0xffff;
	_ =	sdelay $0x4  }
0x4d: {  	[tilespmem:$0x3080] =	vst v0  }
0x4e: {  	v0 =	vld [tilespmem:s0+$0xFFFFFFD0];
	_ =	sdelay $0x7  }
0x4f: {  	v0 =	vld.idx.msk [tilespmem:v0+s3+$0x0], $0xffff;
	_ =	sdelay $0x4  }
0x50: {  	[tilespmem:$0x3090] =	vst v0  }
0x51: {  	v0 =	vld [tilespmem:s0+$0xFFFFFFE0];
	_ =	sdelay $0x7  }
0x52: {  	v0 =	vld.idx.msk [tilespmem:v0+s3+$0x0], $0xffff;
	_ =	sdelay $0x4  }
0x53: {  	[tilespmem:$0x30A0] =	vst v0  }
0x54: {  	v0 =	vld [tilespmem:s0+$0xFFFFFFF0];
	_ =	sdelay $0x7  }
0x55: {  	v0 =	vld.idx.msk [tilespmem:v0+s3+$0x0], $0xffff;
	_ =	sdelay $0x4  }
0x56: {  	[tilespmem:$0x30B0] =	vst v0  }
0x57: {  	v0 =	vld [tilespmem:s0+$0x0];
	_ =	sdelay $0x7  }
0x58: {  	v0 =	vld.idx.msk [tilespmem:v0+s3+$0x0], $0xffff;
	_ =	sdelay $0x4  }
0x59: {  	[tilespmem:$0x30C0] =	vst v0  }
0x5a: {  	v0 =	vld [tilespmem:s0+$0x10];
	_ =	sdelay $0x7  }
0x5b: {  	v0 =	vld.idx.msk [tilespmem:v0+s3+$0x0], $0xffff;
	_ =	sdelay $0x4  }
0x5c: {  	[tilespmem:$0x30D0] =	vst v0  }
0x5d: {  	v0 =	vld [tilespmem:s0+$0x20];
	_ =	sdelay $0x7  }
0x5e: {  	v0 =	vld.idx.msk [tilespmem:v0+s3+$0x0], $0xffff;
	_ =	sdelay $0x4  }
0x5f: {  	[tilespmem:$0x30E0] =	vst v0  }
0x60: {  	v0 =	vld [tilespmem:s0+$0x30];
	_ =	sdelay $0x7  }
0x61: {  	v0 =	vld.idx.msk [tilespmem:v0+s3+$0x0], $0xffff;
	_ =	sdelay $0x4  }
0x62: {  	s6 =	rddreg [dreg:$0x5];
	[tilespmem:$0x30F0] =	vst v0  }
0x63: {  	[tilespmem:s20], [sflag:$0x2] =	stream.indirect.gather [hbm4b:s4+s15], $0x40, s6, s15, $0xb8;
	[tilespmem:$0xB100] =	vst v63  }
0x64: {  	s13 =	sadd.s32 $0xFFFFFF80, s31  }
0x65: {  	[tilespmem:s21], [sflag:$0x4] =	stream.indirect.gather [hbm4b:s4+s15], $0x40, s13, s15, $0xb8;
	[tilespmem:$0xB100] =	vst v63  }
0x66: {  	_ =	swait.ge [sflag:s17], $0x2000  }
0x67: {  	[sflag:s17] =	ssyncset.done $0x0  }
0x68: {  	s1 =	sadd.s32 s2, s10;
	[sflag:s17] =	ssyncadd.s32 $0xFFFFE000  }
0x69: {  	[hbm4b:s1+s3] =	stream.linear.scatter [tilespmem:s16], [sflag:$0x5], $0x2000, $0x38;
	[tilespmem:$0xB100] =	vst v63  }
0x6a: {  	_ =	swait.ge [sflag:s22], $0x2000  }
0x6b: {  	p0 =	seq.s32 s2, $0x7800;
	[sflag:s22] =	ssyncset.done $0x0  }
0x6c: {  	s18 =	simm.s32 @!p0 $0x5;
	s13 =	sadd.s32 s2, s11;
	[sflag:s22] =	ssyncadd.s32 $0xFFFFE000  }
0x6d: {  	[hbm4b:s13+s3] =	stream.linear.scatter [tilespmem:s19], [sflag:$0x7], $0x2000, $0x38;
	[tilespmem:$0xB100] =	vst v63  }
0x6e: {  	_ =	swait.ge @!p0 [sflag:s18], $0x2000  }
0x6f: {  	[sflag:s18] =	ssyncset.done @!p0 $0x0  }
0x70: {  	[sflag:s18] =	ssyncadd.s32 @!p0 $0xFFFFE000;
	s18 =	simm.s32 @!p0 $0x7  }
0x71: {  	_ =	swait.ge @!p0 [sflag:s18], $0x2000  }
0x72: {  	[sflag:s18] =	ssyncset.done @!p0 $0x0  }
0x73: {  	[sflag:s18] =	ssyncadd.s32 @!p0 $0xFFFFE000  }
0x74: {  	v0 =	vld @!p0 [tilespmem:s0+$0x40];
	_ =	sdelay $0x6  }
0x75: {  	s18 =	simm.s32 @!p0 $0x0  }
0x76: {  	v0 =	vld.idx.msk @!p0 [tilespmem:v0+s18+$0x0], $0xffff;
	_ =	sdelay $0x4  }
0x77: {  	[tilespmem:$0x3000] =	vst @!p0 v0  }
0x78: {  	v0 =	vld @!p0 [tilespmem:s0+$0x50];
	_ =	sdelay $0x7  }
0x79: {  	v0 =	vld.idx.msk @!p0 [tilespmem:v0+s18+$0x0], $0xffff;
	_ =	sdelay $0x4  }
0x7a: {  	[tilespmem:$0x3010] =	vst @!p0 v0  }
0x7b: {  	v0 =	vld @!p0 [tilespmem:s0+$0x60];
	_ =	sdelay $0x7  }
0x7c: {  	v0 =	vld.idx.msk @!p0 [tilespmem:v0+s18+$0x0], $0xffff;
	_ =	sdelay $0x4  }
0x7d: {  	[tilespmem:$0x3020] =	vst @!p0 v0  }
0x7e: {  	v0 =	vld @!p0 [tilespmem:s0+$0x70];
	_ =	sdelay $0x7  }
0x7f: {  	v0 =	vld.idx.msk @!p0 [tilespmem:v0+s18+$0x0], $0xffff;
	_ =	sdelay $0x4  }
0x80: {  	[tilespmem:$0x3030] =	vst @!p0 v0  }
0x81: {  	v0 =	vld @!p0 [tilespmem:s0+$0x80];
	_ =	sdelay $0x7  }
0x82: {  	v0 =	vld.idx.msk @!p0 [tilespmem:v0+s18+$0x0], $0xffff;
	_ =	sdelay $0x4  }
0x83: {  	[tilespmem:$0x3040] =	vst @!p0 v0  }
0x84: {  	v0 =	vld @!p0 [tilespmem:s0+$0x90];
	_ =	sdelay $0x7  }
0x85: {  	v0 =	vld.idx.msk @!p0 [tilespmem:v0+s18+$0x0], $0xffff;
	_ =	sdelay $0x4  }
0x86: {  	[tilespmem:$0x3050] =	vst @!p0 v0  }
0x87: {  	v0 =	vld @!p0 [tilespmem:s0+$0xA0];
	_ =	sdelay $0x7  }
0x88: {  	v0 =	vld.idx.msk @!p0 [tilespmem:v0+s18+$0x0], $0xffff;
	_ =	sdelay $0x4  }
0x89: {  	[tilespmem:$0x3060] =	vst @!p0 v0  }
0x8a: {  	v0 =	vld @!p0 [tilespmem:s0+$0xB0];
	_ =	sdelay $0x7  }
0x8b: {  	v0 =	vld.idx.msk @!p0 [tilespmem:v0+s18+$0x0], $0xffff;
	_ =	sdelay $0x4  }
0x8c: {  	s5 =	simm.s32 @!p0 $0x3000;
	s6 =	simm.s32 @!p0 $0x3100;
	s18 =	simm.s32 @!p0 $0x80;
	[tilespmem:$0x3070] =	vst @!p0 v0  }
0x8d: {  	[tilespmem:s6], [sflag:$0x1] =	stream.indirect.gather @!p0 [hbm4b:s4+s18], $0x40, s5, s18, $0xb8;
	[tilespmem:$0xB100] =	vst v63  }
0x8e: {  	s5 =	simm.s32 @!p0 $0x7100  }
0x8f: {  	[tilespmem:s5], [sflag:$0x3] =	stream.indirect.gather @!p0 [hbm4b:s4+s18], $0x40, s31, s18, $0xb8;
	[tilespmem:$0xB100] =	vst v63  }
0x90: {  	_ =	swait.ge [sflag:s23], $0x2000  }
0x91: {  	s2 =	sadd.s32 $0x800, s2;
	[sflag:s23] =	ssyncset.done $0x0  }
0x92: {  	s1 =	sadd.s32 $0x400, s1;
	p0 =	sne.s32 s2, $0x8000;
	[sflag:s23] =	ssyncadd.s32 $0xFFFFE000  }
0x93: {  	[hbm4b:s1+s3] =	stream.linear.scatter [tilespmem:s20], [sflag:$0x6], $0x2000, $0x38;
	[tilespmem:$0xB100] =	vst v63  }
.Ltmp0:
0x94: {  	_ = 	snop;
	(pc) =	sbr.rel @p0 .LBB2_2-.Ltmp0, $4  }
0x95: {  	_ =	swait.ge [sflag:s24], $0x2000  }
0x96: {  	s0 =	sadd.s32 $0x100, s0;
	[sflag:s24] =	ssyncset.done $0x0  }
0x97: {  	s18 =	sadd.s32 $0x400, s13;
	s31 =	sadd.s32 $0x100, s31;
	[sflag:s24] =	ssyncadd.s32 $0xFFFFE000  }
0x98: {  	[hbm4b:s18+s3] =	stream.linear.scatter [tilespmem:s21], [sflag:$0x8], $0x2000, $0x38;
	[tilespmem:$0xB100] =	vst v63  }
0x99: {  	_ =	swait.ge [sflag:s25], $0x2000  }
0x9a: {  	[sflag:s25] =	ssyncset.done $0x0  }
0x9b: {  	[sflag:s25] =	ssyncadd.s32 $0xFFFFE000  }
0x9c: {  	_ =	swait.ge [sflag:s26], $0x2000  }
0x9d: {  	[sflag:s26] =	ssyncset.done $0x0  }
0x9e: {  	s30 =	sadd.s32 $0x1, s30;
	[sflag:s26] =	ssyncadd.s32 $0xFFFFE000  }
0x9f: {  	p0 =	sne.s32 s30, s9;
	_ =	swait.ge [sflag:s28], $0x2000  }
.Ltmp1:
0xa0: {  	[sflag:s28] =	ssyncset.done $0x0;
	(pc) =	sbr.rel @p0 .LBB2_1-.Ltmp1, $4  }
0xa1: {  	[sflag:s28] =	ssyncadd.s32 $0xFFFFE000  }
0xa2: {  	_ =	swait.ge [sflag:s29], $0x2000  }
0xa3: {  	[sflag:s29] =	ssyncset.done $0x0  }
0xa4: {  	[sflag:s29] =	ssyncadd.s32 $0xFFFFE000  }
0xa5: {  	_ =	sfence.sel $0x180000  }
0xa6: {  	[bflag:$0x0] =	sbarrier.arrive $0xFFFF  }
0xa7: {  	_ =	strace $0x90000047  }
0xa8: {  	s0 =	stileid.u32;
	[bflag:$0x2] =	sbarrier.arrive $0xFFFF  }
0xa9: {  	p0 =	sne.s32 s0, $0x0;
	s0 =	rddreg [dreg:$0x4]  }
0xaa: {  	s0 =	sadd.s32 @!p0 $0x100000, s0  }
0xab: {  	[sflag:s0] =	ssyncadd.tile.s32 @!p0 $0x1;
	_ =	shalt  }
.Lfunc_end2:
_tile_overlayer_lowered:
.L_overlay_start_2:
0xac: {  	(tag) =	ssettag $0x2  }
0xad: {  	s0 =	rddreg [dreg:$0x0];
	s2 =	stileid.u32  }
0xae: {  	s1 =	rddreg [dreg:$0x1];
	p0 =	sne.s32 s2, $0x0  }
0xaf: {  	s3 =	rddreg [dreg:$0x2];
	[bflag:$0x3] =	sbarrier.arrive $0xFFFF;
	s2 =	simm.s32 @!p0 $0x1C09  }
0xb0: {  	[timem:s3], [sflag:s2] =	dma.local @!p0 [hbm:s0], s1  }
0xb1: {  	s0 =	simm.s32 @!p0 $0x9  }
0xb2: {  	_ =	swait.ge @!p0 [sflag:s0], s1  }
0xb3: {  	s1 =	ssub.s32 @!p0 $0x0, s1;
	[sflag:s0] =	ssyncset.done @!p0 $0x0  }
0xb4: {  	[sflag:s0] =	ssyncadd.s32 @!p0 s1  }
0xb5: {  	[bflag:$0x3] =	sbarrier.arrive $0xFFFF  }
0xb6: {  	_ =	shalt  }

</sc_bundles>
